<compile_context>
chip_gen: v7x
topology: tpu7x:2x2x1
jax: 0.10.2.dev20260603
libtpu: 0.0.44.dev20260713+nightly
codegen_flags: <defaults>
</compile_context>

<pallas_src>
import functools

import jax
import jax.numpy as jnp
from jax import lax
from jax.experimental import pallas as pl
from jax.experimental.pallas import tpu as pltpu
from jax.experimental.pallas import tpu_sc as plsc

NC, NS = 2, 16
NW = NC * NS
CHUNK = 96
SPLIT0 = 0.57
RBLK = 1000


def _wid(c, s):
    return c * NS + s


def _deg_body(n_pad, rows_per_tile, cpt, dst_hbm, degp_hbm, dst_v, ones_v,
              init_v, deg_sp, sem):
    c = lax.axis_index("c")
    s = lax.axis_index("s")
    w = _wid(c, s)
    val = jnp.where(c == 0, 1.0, 0.0).astype(jnp.float32)
    for j in range(rows_per_tile // 16):
        init_v[pl.ds(j * 16, 16)] = jnp.full((16,), 1.0, jnp.float32) * val
    for j in range(CHUNK // 16):
        ones_v[pl.ds(j * 16, 16)] = jnp.full((16,), 1.0, jnp.float32)
    pltpu.sync_copy(init_v, deg_sp.at[pl.ds(s * rows_per_tile, rows_per_tile)])
    pltpu.sync_copy(dst_hbm.at[w], dst_v)
    plsc.subcore_barrier()

    def body(j, carry):
        pltpu.sync_copy(ones_v, deg_sp.at[dst_v.at[j]], add=True)
        return carry

    lax.fori_loop(0, cpt, body, 0)
    plsc.subcore_barrier()
    pltpu.sync_copy(deg_sp.at[pl.ds(s * rows_per_tile, rows_per_tile)],
                    degp_hbm.at[c, pl.ds(s * rows_per_tile, rows_per_tile)])


def _y_body(x_ref, w1a_ref, w1b_ref, d0_ref, d1_ref, yp_ref, dinv_ref):
    deg = d0_ref[...] + d1_ref[...]
    dinv = lax.rsqrt(deg)
    x = x_ref[...]
    a = jnp.dot(x, w1a_ref[...], preferred_element_type=jnp.float32) * dinv
    b = jnp.dot(x, w1b_ref[...], preferred_element_type=jnp.float32) * dinv
    au = lax.bitcast_convert_type(a.astype(jnp.bfloat16), jnp.uint16)
    bu = lax.bitcast_convert_type(b.astype(jnp.bfloat16), jnp.uint16)
    yp_ref[...] = au.astype(jnp.int32) | lax.shift_left(
        bu.astype(jnp.int32), 16)
    dinv_ref[...] = dinv


def _edge_body(n_pad, rows_per_tile, cpt0, cpt1, src_hbm, dst_hbm, y_hbm,
               zeros_hbm, acc_hbm, src_v, dring, gbuf0, gbuf1, fbuf0, fbuf1,
               acc_sp, gsem0, gsem1, ssem0, ssem1, dsem0, dsem1):
    c = lax.axis_index("c")
    s = lax.axis_index("s")
    cpt_c = jnp.where(c == 0, cpt0, cpt1)
    base = jnp.where(c == 0, s * cpt0, NS * cpt0 + s * cpt1)
    cpt_max = max(cpt0, cpt1)
    pltpu.sync_copy(zeros_hbm, acc_sp.at[pl.ds(s * rows_per_tile, rows_per_tile)])
    pltpu.sync_copy(src_hbm.at[pl.ds(base * CHUNK, cpt_max * CHUNK)], src_v)
    plsc.subcore_barrier()

    def d_start(j, sem):
        pltpu.async_copy(dst_hbm.at[pl.ds((base + j) * CHUNK, CHUNK)],
                         dring.at[lax.rem(j, 4)], sem)

    def d_wait(j, sem):
        pltpu.make_async_copy(dst_hbm.at[pl.ds((base + j) * CHUNK, CHUNK)],
                              dring.at[lax.rem(j, 4)], sem).wait()

    def g_start(j, buf, sem):
        pltpu.async_copy(y_hbm.at[src_v.at[pl.ds(j * CHUNK, CHUNK)]], buf, sem)

    def g_wait(j, buf, sem):
        pltpu.make_async_copy(y_hbm.at[src_v.at[pl.ds(j * CHUNK, CHUNK)]], buf,
                              sem).wait()

    def s_start(j, buf, sem):
        pltpu.async_copy(buf, acc_sp.at[dring.at[lax.rem(j, 4)]], sem, add=True)

    def s_wait(j, buf, sem):
        pltpu.make_async_copy(buf, acc_sp.at[dring.at[lax.rem(j, 4)]],
                              sem).wait()

    hd = 128

    def convert(gbuf, fbuf):
        @plsc.parallel_loop(0, CHUNK, unroll=4)
        def _row(r):
            for blk in range(hd // 32):
                v = gbuf[r, pl.ds(16 * blk, 16)]
                lo = lax.bitcast_convert_type(
                    lax.shift_left(v, 16), jnp.float32)
                hi = lax.bitcast_convert_type(
                    jnp.bitwise_and(v, jnp.int32(-65536)), jnp.float32)
                fbuf[r, pl.ds(16 * blk, 16)] = lo
                fbuf[r, pl.ds(hd // 2 + 16 * blk, 16)] = hi

    d_start(0, dsem0)
    d_start(1, dsem1)
    g_start(0, gbuf0, gsem0)
    g_start(1, gbuf1, gsem1)

    def body(i, carry):
        j0 = 2 * i
        j1 = j0 + 1

        @pl.when(i > 0)
        def _free0():
            s_wait(j0 - 2, fbuf0, ssem0)

        g_wait(j0, gbuf0, gsem0)
        convert(gbuf0, fbuf0)

        @pl.when(j0 + 2 < cpt_c)
        def _next0():
            g_start(j0 + 2, gbuf0, gsem0)

        d_wait(j0, dsem0)

        @pl.when(j0 + 2 < cpt_c)
        def _pref0():
            d_start(j0 + 2, dsem0)

        s_start(j0, fbuf0, ssem0)

        @pl.when(i > 0)
        def _free1():
            s_wait(j1 - 2, fbuf1, ssem1)

        g_wait(j1, gbuf1, gsem1)
        convert(gbuf1, fbuf1)

        @pl.when(j1 + 2 < cpt_c)
        def _next1():
            g_start(j1 + 2, gbuf1, gsem1)

        d_wait(j1, dsem1)

        @pl.when(j1 + 2 < cpt_c)
        def _pref1():
            d_start(j1 + 2, dsem1)

        s_start(j1, fbuf1, ssem1)
        return carry

    lax.fori_loop(0, cpt_c // 2, body, 0)
    s_wait(cpt_c - 2, fbuf0, ssem0)
    s_wait(cpt_c - 1, fbuf1, ssem1)
    plsc.subcore_barrier()
    pltpu.sync_copy(acc_sp.at[pl.ds(s * rows_per_tile, rows_per_tile)],
                    acc_hbm.at[c, pl.ds(s * rows_per_tile, rows_per_tile)])


def _final_body(g_segs, a0_ref, a1_ref, y_ref, dinv_ref, batch_ref, b1_ref,
                w2_ref, b2_ref, out_ref, pooled_ref):
    i = pl.program_id(0)

    @pl.when(i == 0)
    def _init():
        pooled_ref[...] = jnp.zeros_like(pooled_ref)

    v = y_ref[...]
    lo = lax.bitcast_convert_type(lax.shift_left(v, 16), jnp.float32)
    hi = lax.bitcast_convert_type(
        jnp.bitwise_and(v, jnp.int32(-65536)), jnp.float32)
    y = jnp.concatenate([lo, hi], axis=1)
    h = jnp.maximum(
        dinv_ref[...] * (a0_ref[...] + a1_ref[...] + y) + b1_ref[...],
        0.0)
    bids = batch_ref[...]

    def seg(g, carry):
        contrib = jnp.max(jnp.where(bids == g, h, 0.0), axis=0, keepdims=True)
        cur = pooled_ref[pl.ds(g, 1), :]
        pooled_ref[pl.ds(g, 1), :] = jnp.maximum(cur, contrib)
        return carry

    g_lo = batch_ref[0, 0]
    g_hi = batch_ref[batch_ref.shape[0] - 1, 0]
    lax.fori_loop(g_lo, g_hi + 1, seg, 0)

    @pl.when(i == pl.num_programs(0) - 1)
    def _head():
        p = pooled_ref[...]
        out_ref[...] = jnp.maximum(
            jnp.dot(p, w2_ref[...], preferred_element_type=jnp.float32)
            + b2_ref[...], 0.0)


def kernel(x, edge_index, batch, W1, b1, W2, b2):
    n, f = x.shape
    h_dim = W1.shape[1]
    o_dim = W2.shape[1]
    g_segs = 64
    e = edge_index.shape[1]

    cpt_pair = -(-e // (NS * CHUNK))
    cpt_pair = -(-cpt_pair // 2) * 2
    cpt0 = 2 * round(cpt_pair * SPLIT0 / 2)
    cpt1 = cpt_pair - cpt0
    cpt_k1 = cpt_pair // 2
    e_pad = NS * cpt_pair * CHUNK
    n_pad = -(-n // (NS * 16)) * (NS * 16)
    rows_per_tile = n_pad // NS
    dummy = n_pad - 1

    src = edge_index[0]
    dst = edge_index[1]
    pad = e_pad - e
    src_p = jnp.concatenate([src, jnp.zeros((pad,), jnp.int32)])
    dst_p = jnp.concatenate([dst, jnp.full((pad,), dummy, jnp.int32)])
    dst_p2 = dst_p.reshape(NW, cpt_k1, CHUNK)

    mesh = plsc.VectorSubcoreMesh(core_axis_name="c", subcore_axis_name="s")

    deg_kernel = pl.kernel(
        functools.partial(_deg_body, n_pad, rows_per_tile, cpt_k1),
        out_type=jax.ShapeDtypeStruct((NC, n_pad), jnp.float32),
        mesh=mesh,
        scratch_types=[
            pltpu.VMEM((cpt_k1, CHUNK), jnp.int32),
            pltpu.VMEM((CHUNK,), jnp.float32),
            pltpu.VMEM((rows_per_tile,), jnp.float32),
            pltpu.VMEM_SHARED((n_pad,), jnp.float32),
            pltpu.SemaphoreType.DMA,
        ],
    )
    degp = deg_kernel(dst_p2)
    d0 = degp[0, :n].reshape(n, 1)
    d1 = degp[1, :n].reshape(n, 1)

    h2 = h_dim // 2
    y_i32, dinv = pl.pallas_call(
        _y_body,
        grid=(n // RBLK,),
        in_specs=[
            pl.BlockSpec((RBLK, f), lambda i: (i, 0)),
            pl.BlockSpec((f, h2), lambda i: (0, 0)),
            pl.BlockSpec((f, h2), lambda i: (0, 0)),
            pl.BlockSpec((RBLK, 1), lambda i: (i, 0)),
            pl.BlockSpec((RBLK, 1), lambda i: (i, 0)),
        ],
        out_specs=[
            pl.BlockSpec((RBLK, h2), lambda i: (i, 0)),
            pl.BlockSpec((RBLK, 1), lambda i: (i, 0)),
        ],
        out_shape=[
            jax.ShapeDtypeStruct((n, h2), jnp.int32),
            jax.ShapeDtypeStruct((n, 1), jnp.float32),
        ],
    )(x, W1[:, :h2], W1[:, h2:], d0, d1)

    zeros_rows = jnp.zeros((rows_per_tile, h_dim), jnp.float32)
    edge_kernel = pl.kernel(
        functools.partial(_edge_body, n_pad, rows_per_tile, cpt0, cpt1),
        out_type=jax.ShapeDtypeStruct((NC, n_pad, h_dim), jnp.float32),
        mesh=mesh,
        compiler_params=pltpu.CompilerParams(use_tc_tiling_on_sc=False),
        scratch_types=[
            pltpu.VMEM((max(cpt0, cpt1) * CHUNK,), jnp.int32),
            pltpu.VMEM((4, CHUNK), jnp.int32),
            pltpu.VMEM((CHUNK, h_dim // 2), jnp.int32),
            pltpu.VMEM((CHUNK, h_dim // 2), jnp.int32),
            pltpu.VMEM((CHUNK, h_dim), jnp.float32),
            pltpu.VMEM((CHUNK, h_dim), jnp.float32),
            pltpu.VMEM_SHARED((n_pad, h_dim), jnp.float32),
            pltpu.SemaphoreType.DMA,
            pltpu.SemaphoreType.DMA,
            pltpu.SemaphoreType.DMA,
            pltpu.SemaphoreType.DMA,
            pltpu.SemaphoreType.DMA,
            pltpu.SemaphoreType.DMA,
        ],
    )
    acc = edge_kernel(src_p, dst_p, y_i32, zeros_rows)
    a0 = acc[0, :n, :]
    a1 = acc[1, :n, :]

    out = pl.pallas_call(
        functools.partial(_final_body, g_segs),
        grid=(n // RBLK,),
        in_specs=[
            pl.BlockSpec((RBLK, h_dim), lambda i: (i, 0)),
            pl.BlockSpec((RBLK, h_dim), lambda i: (i, 0)),
            pl.BlockSpec((RBLK, h_dim // 2), lambda i: (i, 0)),
            pl.BlockSpec((RBLK, 1), lambda i: (i, 0)),
            pl.BlockSpec((RBLK, 1), lambda i: (i, 0)),
            pl.BlockSpec((1, h_dim), lambda i: (0, 0)),
            pl.BlockSpec((h_dim, o_dim), lambda i: (0, 0)),
            pl.BlockSpec((1, o_dim), lambda i: (0, 0)),
        ],
        out_specs=pl.BlockSpec((g_segs, o_dim), lambda i: (0, 0)),
        out_shape=jax.ShapeDtypeStruct((g_segs, o_dim), jnp.float32),
        scratch_shapes=[pltpu.VMEM((g_segs, h_dim), jnp.float32)],
    )(a0, a1, y_i32, dinv, batch.reshape(n, 1), b1.reshape(1, h_dim), W2,
      b2.reshape(1, o_dim))
    return out

# --- scband reference (transcript-rebuilt; emitter-appended) ---
"""Pipeline reference for scband-gnn-12481174962937 (READ-ONLY COPY).

The authoritative reference and input builder live on the scoring server;
editing this copy changes nothing except your own understanding.
"""

import jax, jax.numpy as jnp
import numpy as np

N, E, F, H, O, G = 10000, 320000, 128, 128, 64, 64


def setup_inputs(seed: int = 0) -> dict:
    key = jax.random.key(seed)
    ks = jax.random.split(key, 6)
    x = jax.random.normal(ks[0], (N, F), dtype=jnp.float32)
    # int32 used so module runs on default (x64-disabled) jax; values in-range for N nodes
    edge_index = jax.random.randint(ks[1], (2, E), 0, N, dtype=jnp.int32)
    batch = jnp.sort(jax.random.randint(ks[2], (N,), 0, G, dtype=jnp.int32))
    W1 = jax.random.normal(ks[3], (F, H), dtype=jnp.float32) * (1.0 / np.sqrt(F))
    b1 = jnp.zeros((H,), dtype=jnp.float32)
    W2 = jax.random.normal(ks[4], (H, O), dtype=jnp.float32) * (1.0 / np.sqrt(H))
    b2 = jnp.zeros((O,), dtype=jnp.float32)
    return {"x": x, "edge_index": edge_index, "batch": batch, "W1": W1, "b1": b1, "W2": W2, "b2": b2}


def reference(x, edge_index, batch, W1, b1, W2, b2):
    n = x.shape[0]
    # GCNConv with symmetric normalization and self-loops
    src = edge_index[0]
    dst = edge_index[1]
    loop = jnp.arange(n, dtype=src.dtype)
    src = jnp.concatenate([src, loop])
    dst = jnp.concatenate([dst, loop])
    deg = jnp.zeros((n,), dtype=x.dtype).at[dst].add(1.0)
    dinv = jnp.where(deg > 0, jax.lax.rsqrt(deg), 0.0)
    norm = dinv[src] * dinv[dst]
    xw = x @ W1
    msgs = xw[src] * norm[:, None]
    h = jnp.zeros((n, W1.shape[1]), dtype=x.dtype).at[dst].add(msgs) + b1
    h = jax.nn.relu(h)
    # dropout is identity in eval mode
    pooled = jax.ops.segment_max(h, batch, num_segments=G)
    pooled = jnp.where(jnp.isfinite(pooled), pooled, 0.0)  # guard empty segments
    out = jax.nn.relu(pooled @ W2 + b2)
    return out

if __name__ == "__main__":
    import jax
    _d = setup_inputs()
    print(jax.jit(kernel)(*tuple(_d.values())))

</pallas_src>

<mosaic_0001>
#map = affine_map<(d0, d1) -> (0)>
#map1 = affine_map<(d0, d1) -> (0, 0)>
#map2 = affine_map<(d0, d1) -> (0, 0, 0)>
module attributes {stable_mosaic.version = 14 : i64} {
  func.func @_edge_body(%arg0: i32, %arg1: i32, %arg2: memref<322560xi32, #tpu.memory_space<hbm>>, %arg3: memref<322560xi32, #tpu.memory_space<hbm>>, %arg4: memref<10000x64xi32, #tpu.memory_space<hbm>>, %arg5: memref<640x128xf32, #tpu.memory_space<hbm>>, %arg6: memref<2x10240x128xf32, #tpu.memory_space<hbm>>, %arg7: memref<11520xi32, #tpu.memory_space<vmem>>, %arg8: memref<4x96xi32, #tpu.memory_space<vmem>>, %arg9: memref<96x64xi32, #tpu.memory_space<vmem>>, %arg10: memref<96x64xi32, #tpu.memory_space<vmem>>, %arg11: memref<96x128xf32, #tpu.memory_space<vmem>>, %arg12: memref<96x128xf32, #tpu.memory_space<vmem>>, %arg13: memref<10240x128xf32, #tpu.memory_space<vmem_shared>>, %arg14: memref<!tpu.dma_semaphore, #tpu.memory_space<semaphore_mem>>, %arg15: memref<!tpu.dma_semaphore, #tpu.memory_space<semaphore_mem>>, %arg16: memref<!tpu.dma_semaphore, #tpu.memory_space<semaphore_mem>>, %arg17: memref<!tpu.dma_semaphore, #tpu.memory_space<semaphore_mem>>, %arg18: memref<!tpu.dma_semaphore, #tpu.memory_space<semaphore_mem>>, %arg19: memref<!tpu.dma_semaphore, #tpu.memory_space<semaphore_mem>>) attributes {dimension_semantics = [#tpu.dimension_semantics<core_parallel>, #tpu.dimension_semantics<subcore_parallel>], iteration_bounds = array<i64: 2, 16>, scalar_prefetch = 0 : i64, scratch_operands = 13 : i64, tpu.core_type = #tpu.core_type<sc_vector_subcore>, window_params = [{transform_indices = #map}, {transform_indices = #map}, {transform_indices = #map1}, {transform_indices = #map1}, {transform_indices = #map2}]} {
    %eq3A = arith.constant 0 : i32
    %eq3A_0 = arith.cmpi eq, %arg0, %eq3A : i32
    %jit3A = arith.constant 120 : i32
    %jit3A_1 = arith.constant 90 : i32
    %select_n3A = arith.select %eq3A_0, %jit3A, %jit3A_1 : i32
    %eq3A_2 = arith.constant 0 : i32
    %eq3A_3 = arith.cmpi eq, %arg0, %eq3A_2 : i32
    %mul3A = arith.constant 120 : i32
    %mul3A_4 = arith.muli %arg1, %mul3A : i32
    %mul3A_5 = arith.constant 90 : i32
    %mul3A_6 = arith.muli %arg1, %mul3A_5 : i32
    %add3A = arith.constant 1920 : i32
    %add3A_7 = arith.addi %add3A, %mul3A_6 : i32
    %select_n3A_8 = arith.select %eq3A_3, %mul3A_4, %add3A_7 : i32
    %mul3A_9 = arith.constant 640 : i32
    %mul3A_10 = arith.muli %arg1, %mul3A_9 : i32
    "tpu.region"() ({
      %run_scoped3A = tpu.sem_alloc : memref<!tpu.dma_semaphore, #tpu.memory_space<semaphore_mem>>
      %dma_start3A_103 = arith.constant 0 : i32
      %dma_start3A_104 = tpu.memref_slice %arg13[%mul3A_10, %dma_start3A_103] : memref<10240x128xf32, #tpu.memory_space<vmem_shared>> -> memref<640x128xf32, #tpu.memory_space<vmem_shared>>
      tpu.enqueue_dma source(%arg5 : memref<640x128xf32, #tpu.memory_space<hbm>>) target(%dma_start3A_104 : memref<640x128xf32, #tpu.memory_space<vmem_shared>>) target_semaphore(%run_scoped3A : memref<!tpu.dma_semaphore, #tpu.memory_space<semaphore_mem>>)
      %dma_wait3A_105 = arith.constant 0 : i32
      %dma_wait3A_106 = tpu.memref_slice %arg13[%mul3A_10, %dma_wait3A_105] : memref<10240x128xf32, #tpu.memory_space<vmem_shared>> -> memref<640x128xf32, #tpu.memory_space<vmem_shared>>
      tpu.wait_dma2 semaphore(%run_scoped3A : memref<!tpu.dma_semaphore, #tpu.memory_space<semaphore_mem>>) src(%arg5 : memref<640x128xf32, #tpu.memory_space<hbm>>) dst(%dma_wait3A_106 : memref<640x128xf32, #tpu.memory_space<vmem_shared>>)
      tpu.yield
    }) : () -> ()
    %mul3A_11 = arith.constant 96 : i32
    %mul3A_12 = arith.muli %select_n3A_8, %mul3A_11 : i32
    "tpu.region"() ({
      %run_scoped3A = tpu.sem_alloc : memref<!tpu.dma_semaphore, #tpu.memory_space<semaphore_mem>>
      %dma_start3A_103 = tpu.memref_slice %arg2[%mul3A_12] : memref<322560xi32, #tpu.memory_space<hbm>> -> memref<11520xi32, #tpu.memory_space<hbm>>
      %dma_start3A_104 = tpu.memref_slice %arg2[%mul3A_12] : memref<322560xi32, #tpu.memory_space<hbm>> -> memref<11520xi32, #tpu.memory_space<hbm>>
      tpu.enqueue_dma source(%dma_start3A_104 : memref<11520xi32, #tpu.memory_space<hbm>>) target(%arg7 : memref<11520xi32, #tpu.memory_space<vmem>>) target_semaphore(%run_scoped3A : memref<!tpu.dma_semaphore, #tpu.memory_space<semaphore_mem>>)
      %dma_wait3A_105 = tpu.memref_slice %arg2[%mul3A_12] : memref<322560xi32, #tpu.memory_space<hbm>> -> memref<11520xi32, #tpu.memory_space<hbm>>
      %dma_wait3A_106 = tpu.memref_slice %arg2[%mul3A_12] : memref<322560xi32, #tpu.memory_space<hbm>> -> memref<11520xi32, #tpu.memory_space<hbm>>
      tpu.wait_dma2 semaphore(%run_scoped3A : memref<!tpu.dma_semaphore, #tpu.memory_space<semaphore_mem>>) src(%dma_wait3A_106 : memref<11520xi32, #tpu.memory_space<hbm>>) dst(%arg7 : memref<11520xi32, #tpu.memory_space<vmem>>)
      tpu.yield
    }) : () -> ()
    %barrier3A = arith.constant 0 : index
    tpu.barrier barrier_id(%barrier3A)
    %add3A_13 = arith.constant 0 : i32
    %add3A_14 = arith.addi %select_n3A_8, %add3A_13 : i32
    %mul3A_15 = arith.constant 96 : i32
    %mul3A_16 = arith.muli %add3A_14, %mul3A_15 : i32
    %rem3A = arith.constant 0 : i32
    %rem3A_17 = arith.constant 4 : i32
    %rem3A_18 = arith.remsi %rem3A, %rem3A_17 : i32
    %dma_start3A = arith.constant 0 : i32
    %dma_start3A_19 = tpu.memref_slice %arg8[%rem3A_18, %dma_start3A] : memref<4x96xi32, #tpu.memory_space<vmem>> -> memref<1x96xi32, #tpu.memory_space<vmem>>
    %dma_start3A_20 = tpu.memref_squeeze %dma_start3A_19 : memref<1x96xi32, #tpu.memory_space<vmem>> -> memref<96xi32, #tpu.memory_space<vmem>>
    %dma_start3A_21 = tpu.memref_slice %arg3[%mul3A_16] : memref<322560xi32, #tpu.memory_space<hbm>> -> memref<96xi32, #tpu.memory_space<hbm>>
    %dma_start3A_22 = arith.constant 0 : i32
    %dma_start3A_23 = tpu.memref_slice %arg8[%rem3A_18, %dma_start3A_22] : memref<4x96xi32, #tpu.memory_space<vmem>> -> memref<1x96xi32, #tpu.memory_space<vmem>>
    %dma_start3A_24 = tpu.memref_squeeze %dma_start3A_23 : memref<1x96xi32, #tpu.memory_space<vmem>> -> memref<96xi32, #tpu.memory_space<vmem>>
    %dma_start3A_25 = tpu.memref_slice %arg3[%mul3A_16] : memref<322560xi32, #tpu.memory_space<hbm>> -> memref<96xi32, #tpu.memory_space<hbm>>
    tpu.enqueue_dma source(%dma_start3A_25 : memref<96xi32, #tpu.memory_space<hbm>>) target(%dma_start3A_24 : memref<96xi32, #tpu.memory_space<vmem>>) target_semaphore(%arg18 : memref<!tpu.dma_semaphore, #tpu.memory_space<semaphore_mem>>)
    %add3A_26 = arith.constant 1 : i32
    %add3A_27 = arith.addi %select_n3A_8, %add3A_26 : i32
    %mul3A_28 = arith.constant 96 : i32
    %mul3A_29 = arith.muli %add3A_27, %mul3A_28 : i32
    %rem3A_30 = arith.constant 1 : i32
    %rem3A_31 = arith.constant 4 : i32
    %rem3A_32 = arith.remsi %rem3A_30, %rem3A_31 : i32
    %dma_start3A_33 = arith.constant 0 : i32
    %dma_start3A_34 = tpu.memref_slice %arg8[%rem3A_32, %dma_start3A_33] : memref<4x96xi32, #tpu.memory_space<vmem>> -> memref<1x96xi32, #tpu.memory_space<vmem>>
    %dma_start3A_35 = tpu.memref_squeeze %dma_start3A_34 : memref<1x96xi32, #tpu.memory_space<vmem>> -> memref<96xi32, #tpu.memory_space<vmem>>
    %dma_start3A_36 = tpu.memref_slice %arg3[%mul3A_29] : memref<322560xi32, #tpu.memory_space<hbm>> -> memref<96xi32, #tpu.memory_space<hbm>>
    %dma_start3A_37 = arith.constant 0 : i32
    %dma_start3A_38 = tpu.memref_slice %arg8[%rem3A_32, %dma_start3A_37] : memref<4x96xi32, #tpu.memory_space<vmem>> -> memref<1x96xi32, #tpu.memory_space<vmem>>
    %dma_start3A_39 = tpu.memref_squeeze %dma_start3A_38 : memref<1x96xi32, #tpu.memory_space<vmem>> -> memref<96xi32, #tpu.memory_space<vmem>>
    %dma_start3A_40 = tpu.memref_slice %arg3[%mul3A_29] : memref<322560xi32, #tpu.memory_space<hbm>> -> memref<96xi32, #tpu.memory_space<hbm>>
    tpu.enqueue_dma source(%dma_start3A_40 : memref<96xi32, #tpu.memory_space<hbm>>) target(%dma_start3A_39 : memref<96xi32, #tpu.memory_space<vmem>>) target_semaphore(%arg19 : memref<!tpu.dma_semaphore, #tpu.memory_space<semaphore_mem>>)
    %dma_start3A_41 = arith.constant 0 : i32
    %dma_start3A_42 = tpu.memref_slice %arg7[%dma_start3A_41] : memref<11520xi32, #tpu.memory_space<vmem>> -> memref<96xi32, #tpu.memory_space<vmem>>
    %dma_start3A_43 = arith.constant 0 : i32
    %dma_start3A_44 = arith.constant 0 : i32
    %dma_start3A_45 = tpu.memref_slice %arg4[%dma_start3A_43, %dma_start3A_44] : memref<10000x64xi32, #tpu.memory_space<hbm>> -> memref<10000x64xi32, #tpu.memory_space<hbm>>
    tpu.enqueue_indirect_dma source(%dma_start3A_45 : memref<10000x64xi32, #tpu.memory_space<hbm>>) target(%arg9 : memref<96x64xi32, #tpu.memory_space<vmem>>) offsets(%dma_start3A_42 : memref<96xi32, #tpu.memory_space<vmem>>) semaphore(%arg14 : memref<!tpu.dma_semaphore, #tpu.memory_space<semaphore_mem>>)
    %dma_start3A_46 = arith.constant 96 : i32
    %dma_start3A_47 = tpu.memref_slice %arg7[%dma_start3A_46] : memref<11520xi32, #tpu.memory_space<vmem>> -> memref<96xi32, #tpu.memory_space<vmem>>
    %dma_start3A_48 = arith.constant 0 : i32
    %dma_start3A_49 = arith.constant 0 : i32
    %dma_start3A_50 = tpu.memref_slice %arg4[%dma_start3A_48, %dma_start3A_49] : memref<10000x64xi32, #tpu.memory_space<hbm>> -> memref<10000x64xi32, #tpu.memory_space<hbm>>
    tpu.enqueue_indirect_dma source(%dma_start3A_50 : memref<10000x64xi32, #tpu.memory_space<hbm>>) target(%arg10 : memref<96x64xi32, #tpu.memory_space<vmem>>) offsets(%dma_start3A_47 : memref<96xi32, #tpu.memory_space<vmem>>) semaphore(%arg15 : memref<!tpu.dma_semaphore, #tpu.memory_space<semaphore_mem>>)
    %jit3A_51 = arith.constant 2 : i32
    %div3A = arith.divsi %select_n3A, %jit3A_51 : i32
    %sign3A = arith.constant 0 : i32
    %sign3A_52 = arith.cmpi sgt, %select_n3A, %sign3A : i32
    %sign3A_53 = arith.extui %sign3A_52 : i1 to i32
    %sign3A_54 = arith.constant 0 : i32
    %sign3A_55 = arith.cmpi slt, %select_n3A, %sign3A_54 : i32
    %sign3A_56 = arith.extui %sign3A_55 : i1 to i32
    %sign3A_57 = arith.subi %sign3A_53, %sign3A_56 : i32
    %sign3A_58 = arith.constant 0 : i32
    %sign3A_59 = arith.cmpi sgt, %jit3A_51, %sign3A_58 : i32
    %sign3A_60 = arith.extui %sign3A_59 : i1 to i32
    %sign3A_61 = arith.constant 0 : i32
    %sign3A_62 = arith.cmpi slt, %jit3A_51, %sign3A_61 : i32
    %sign3A_63 = arith.extui %sign3A_62 : i1 to i32
    %sign3A_64 = arith.subi %sign3A_60, %sign3A_63 : i32
    %ne3A = arith.cmpi ne, %sign3A_57, %sign3A_64 : i32
    %rem3A_65 = arith.remsi %select_n3A, %jit3A_51 : i32
    %ne3A_66 = arith.constant 0 : i32
    %ne3A_67 = arith.cmpi ne, %rem3A_65, %ne3A_66 : i32
    %and3A = arith.andi %ne3A, %ne3A_67 : i1
    %sub3A = arith.constant 1 : i32
    %sub3A_68 = arith.subi %div3A, %sub3A : i32
    %select_n3A_69 = arith.select %and3A, %sub3A_68, %div3A : i32
    %while3A = arith.constant 0 : i32
    %while3A_70 = arith.constant 0 : i32
    %while3A_71 = arith.subi %select_n3A_69, %while3A_70 : i32
    %while3A_72 = arith.addi %while3A_70, %while3A_71 : i32
    %while3A_73 = arith.constant 1 : i32
    %while3A_74 = arith.divsi %while3A_71, %while3A_73 : i32
    %while3A_75 = arith.muli %while3A_74, %while3A_73 : i32
    %while3A_76 = arith.addi %while3A_70, %while3A_75 : i32
    %while3A_77 = arith.constant 1 : i32
    scf.for %while3A_103 = %while3A_70 to %while3A_76 step %while3A_77  : i32 {
      %mul3A_104 = arith.constant 2 : i32
      %mul3A_105 = arith.muli %mul3A_104, %while3A_103 : i32
      %add3A_106 = arith.constant 1 : i32
      %add3A_107 = arith.addi %mul3A_105, %add3A_106 : i32
      %gt3A = arith.constant 0 : i32
      %gt3A_108 = arith.cmpi sgt, %while3A_103, %gt3A : i32
      %convert_element_type3A = arith.extui %gt3A_108 : i1 to i32
      %cond3A = arith.constant 0 : i32
      %cond3A_109 = arith.cmpi ne, %convert_element_type3A, %cond3A : i32
      scf.if %cond3A_109 {
        %sub3A_197 = arith.constant 2 : i32
        %sub3A_198 = arith.subi %mul3A_105, %sub3A_197 : i32
        %rem3A_199 = arith.constant 4 : i32
        %rem3A_200 = arith.remsi %sub3A_198, %rem3A_199 : i32
        %dma_wait3A_201 = arith.constant 0 : i32
        %dma_wait3A_202 = tpu.memref_slice %arg8[%rem3A_200, %dma_wait3A_201] : memref<4x96xi32, #tpu.memory_space<vmem>> -> memref<1x96xi32, #tpu.memory_space<vmem>>
        %dma_wait3A_203 = tpu.memref_squeeze %dma_wait3A_202 : memref<1x96xi32, #tpu.memory_space<vmem>> -> memref<96xi32, #tpu.memory_space<vmem>>
        %dma_wait3A_204 = arith.constant 0 : i32
        %dma_wait3A_205 = arith.constant 0 : i32
        %dma_wait3A_206 = tpu.memref_slice %arg13[%dma_wait3A_204, %dma_wait3A_205] : memref<10240x128xf32, #tpu.memory_space<vmem_shared>> -> memref<10240x128xf32, #tpu.memory_space<vmem_shared>>
        tpu.wait_indirect_dma semaphore(%arg16 : memref<!tpu.dma_semaphore, #tpu.memory_space<semaphore_mem>>) src(%arg11 : memref<96x128xf32, #tpu.memory_space<vmem>>) dst(%dma_wait3A_206 : memref<10240x128xf32, #tpu.memory_space<vmem_shared>>)
      } else {
      }
      %mul3A_110 = arith.constant 96 : i32
      %mul3A_111 = arith.muli %mul3A_105, %mul3A_110 : i32
      %dma_wait3A_112 = tpu.memref_slice %arg7[%mul3A_111] : memref<11520xi32, #tpu.memory_space<vmem>> -> memref<96xi32, #tpu.memory_space<vmem>>
      %dma_wait3A_113 = arith.constant 0 : i32
      %dma_wait3A_114 = arith.constant 0 : i32
      %dma_wait3A_115 = tpu.memref_slice %arg4[%dma_wait3A_113, %dma_wait3A_114] : memref<10000x64xi32, #tpu.memory_space<hbm>> -> memref<10000x64xi32, #tpu.memory_space<hbm>>
      tpu.wait_indirect_dma semaphore(%arg14 : memref<!tpu.dma_semaphore, #tpu.memory_space<semaphore_mem>>) src(%dma_wait3A_115 : memref<10000x64xi32, #tpu.memory_space<hbm>>) dst(%arg9 : memref<96x64xi32, #tpu.memory_space<vmem>>)
      %parallel_loop3A = arith.constant 0 : i32
      %parallel_loop3A_116 = arith.constant 96 : i32
      %parallel_loop3A_117 = arith.constant 1 : i32
      scf.for %parallel_loop3A_197 = %parallel_loop3A to %parallel_loop3A_116 step %parallel_loop3A_117  : i32 {
        %parallel_loop3A_198 = arith.index_cast %parallel_loop3A_197 : i32 to index
        %parallel_loop3A_199 = arith.constant 0 : index
        %parallel_loop3A_200 = tpu.vector_load %arg9[%parallel_loop3A_198, %parallel_loop3A_199] {strides = array<i32>} : memref<96x64xi32, #tpu.memory_space<vmem>>, vector<1x16xi32>,
        %parallel_loop3A_201 = vector.shape_cast %parallel_loop3A_200 : vector<1x16xi32> to vector<16xi32>
        %parallel_loop3A_202 = arith.constant 16 : i32
        %parallel_loop3A_203 = vector.broadcast %parallel_loop3A_202 : i32 to vector<16xi32>
        %parallel_loop3A_204 = arith.shli %parallel_loop3A_201, %parallel_loop3A_203 : vector<16xi32>
        %parallel_loop3A_205 = tpu.bitcast %parallel_loop3A_204 : vector<16xi32> -> vector<16xf32>
        %parallel_loop3A_206 = arith.constant -65536 : i32
        %parallel_loop3A_207 = vector.broadcast %parallel_loop3A_206 : i32 to vector<16xi32>
        %parallel_loop3A_208 = arith.andi %parallel_loop3A_201, %parallel_loop3A_207 : vector<16xi32>
        %parallel_loop3A_209 = tpu.bitcast %parallel_loop3A_208 : vector<16xi32> -> vector<16xf32>
        %parallel_loop3A_210 = arith.index_cast %parallel_loop3A_197 : i32 to index
        %parallel_loop3A_211 = arith.constant 0 : index
        %parallel_loop3A_212 = tpu.vector_load %arg11[%parallel_loop3A_210, %parallel_loop3A_211] {strides = array<i32>} : memref<96x128xf32, #tpu.memory_space<vmem>>, vector<1x16xf32>,
        %parallel_loop3A_213 = vector.shape_cast %parallel_loop3A_212 : vector<1x16xf32> to vector<16xf32>
        %parallel_loop3A_214 = vector.shape_cast %parallel_loop3A_205 : vector<16xf32> to vector<1x16xf32>
        tpu.vector_store %arg11[%parallel_loop3A_210, %parallel_loop3A_211], %parallel_loop3A_214 {strides = array<i32>} : memref<96x128xf32, #tpu.memory_space<vmem>>, vector<1x16xf32>,
        %parallel_loop3A_215 = arith.index_cast %parallel_loop3A_197 : i32 to index
        %parallel_loop3A_216 = arith.constant 64 : index
        %parallel_loop3A_217 = tpu.vector_load %arg11[%parallel_loop3A_215, %parallel_loop3A_216] {strides = array<i32>} : memref<96x128xf32, #tpu.memory_space<vmem>>, vector<1x16xf32>,
        %parallel_loop3A_218 = vector.shape_cast %parallel_loop3A_217 : vector<1x16xf32> to vector<16xf32>
        %parallel_loop3A_219 = vector.shape_cast %parallel_loop3A_209 : vector<16xf32> to vector<1x16xf32>
        tpu.vector_store %arg11[%parallel_loop3A_215, %parallel_loop3A_216], %parallel_loop3A_219 {strides = array<i32>} : memref<96x128xf32, #tpu.memory_space<vmem>>, vector<1x16xf32>,
        %parallel_loop3A_220 = arith.index_cast %parallel_loop3A_197 : i32 to index
        %parallel_loop3A_221 = arith.constant 16 : index
        %parallel_loop3A_222 = tpu.vector_load %arg9[%parallel_loop3A_220, %parallel_loop3A_221] {strides = array<i32>} : memref<96x64xi32, #tpu.memory_space<vmem>>, vector<1x16xi32>,
        %parallel_loop3A_223 = vector.shape_cast %parallel_loop3A_222 : vector<1x16xi32> to vector<16xi32>
        %parallel_loop3A_224 = arith.constant 16 : i32
        %parallel_loop3A_225 = vector.broadcast %parallel_loop3A_224 : i32 to vector<16xi32>
        %parallel_loop3A_226 = arith.shli %parallel_loop3A_223, %parallel_loop3A_225 : vector<16xi32>
        %parallel_loop3A_227 = tpu.bitcast %parallel_loop3A_226 : vector<16xi32> -> vector<16xf32>
        %parallel_loop3A_228 = arith.constant -65536 : i32
        %parallel_loop3A_229 = vector.broadcast %parallel_loop3A_228 : i32 to vector<16xi32>
        %parallel_loop3A_230 = arith.andi %parallel_loop3A_223, %parallel_loop3A_229 : vector<16xi32>
        %parallel_loop3A_231 = tpu.bitcast %parallel_loop3A_230 : vector<16xi32> -> vector<16xf32>
        %parallel_loop3A_232 = arith.index_cast %parallel_loop3A_197 : i32 to index
        %parallel_loop3A_233 = arith.constant 16 : index
        %parallel_loop3A_234 = tpu.vector_load %arg11[%parallel_loop3A_232, %parallel_loop3A_233] {strides = array<i32>} : memref<96x128xf32, #tpu.memory_space<vmem>>, vector<1x16xf32>,
        %parallel_loop3A_235 = vector.shape_cast %parallel_loop3A_234 : vector<1x16xf32> to vector<16xf32>
        %parallel_loop3A_236 = vector.shape_cast %parallel_loop3A_227 : vector<16xf32> to vector<1x16xf32>
        tpu.vector_store %arg11[%parallel_loop3A_232, %parallel_loop3A_233], %parallel_loop3A_236 {strides = array<i32>} : memref<96x128xf32, #tpu.memory_space<vmem>>, vector<1x16xf32>,
        %parallel_loop3A_237 = arith.index_cast %parallel_loop3A_197 : i32 to index
        %parallel_loop3A_238 = arith.constant 80 : index
        %parallel_loop3A_239 = tpu.vector_load %arg11[%parallel_loop3A_237, %parallel_loop3A_238] {strides = array<i32>} : memref<96x128xf32, #tpu.memory_space<vmem>>, vector<1x16xf32>,
        %parallel_loop3A_240 = vector.shape_cast %parallel_loop3A_239 : vector<1x16xf32> to vector<16xf32>
        %parallel_loop3A_241 = vector.shape_cast %parallel_loop3A_231 : vector<16xf32> to vector<1x16xf32>
        tpu.vector_store %arg11[%parallel_loop3A_237, %parallel_loop3A_238], %parallel_loop3A_241 {strides = array<i32>} : memref<96x128xf32, #tpu.memory_space<vmem>>, vector<1x16xf32>,
        %parallel_loop3A_242 = arith.index_cast %parallel_loop3A_197 : i32 to index
        %parallel_loop3A_243 = arith.constant 32 : index
        %parallel_loop3A_244 = tpu.vector_load %arg9[%parallel_loop3A_242, %parallel_loop3A_243] {strides = array<i32>} : memref<96x64xi32, #tpu.memory_space<vmem>>, vector<1x16xi32>,
        %parallel_loop3A_245 = vector.shape_cast %parallel_loop3A_244 : vector<1x16xi32> to vector<16xi32>
        %parallel_loop3A_246 = arith.constant 16 : i32
        %parallel_loop3A_247 = vector.broadcast %parallel_loop3A_246 : i32 to vector<16xi32>
        %parallel_loop3A_248 = arith.shli %parallel_loop3A_245, %parallel_loop3A_247 : vector<16xi32>
        %parallel_loop3A_249 = tpu.bitcast %parallel_loop3A_248 : vector<16xi32> -> vector<16xf32>
        %parallel_loop3A_250 = arith.constant -65536 : i32
        %parallel_loop3A_251 = vector.broadcast %parallel_loop3A_250 : i32 to vector<16xi32>
        %parallel_loop3A_252 = arith.andi %parallel_loop3A_245, %parallel_loop3A_251 : vector<16xi32>
        %parallel_loop3A_253 = tpu.bitcast %parallel_loop3A_252 : vector<16xi32> -> vector<16xf32>
        %parallel_loop3A_254 = arith.index_cast %parallel_loop3A_197 : i32 to index
        %parallel_loop3A_255 = arith.constant 32 : index
        %parallel_loop3A_256 = tpu.vector_load %arg11[%parallel_loop3A_254, %parallel_loop3A_255] {strides = array<i32>} : memref<96x128xf32, #tpu.memory_space<vmem>>, vector<1x16xf32>,
        %parallel_loop3A_257 = vector.shape_cast %parallel_loop3A_256 : vector<1x16xf32> to vector<16xf32>
        %parallel_loop3A_258 = vector.shape_cast %parallel_loop3A_249 : vector<16xf32> to vector<1x16xf32>
        tpu.vector_store %arg11[%parallel_loop3A_254, %parallel_loop3A_255], %parallel_loop3A_258 {strides = array<i32>} : memref<96x128xf32, #tpu.memory_space<vmem>>, vector<1x16xf32>,
        %parallel_loop3A_259 = arith.index_cast %parallel_loop3A_197 : i32 to index
        %parallel_loop3A_260 = arith.constant 96 : index
        %parallel_loop3A_261 = tpu.vector_load %arg11[%parallel_loop3A_259, %parallel_loop3A_260] {strides = array<i32>} : memref<96x128xf32, #tpu.memory_space<vmem>>, vector<1x16xf32>,
        %parallel_loop3A_262 = vector.shape_cast %parallel_loop3A_261 : vector<1x16xf32> to vector<16xf32>
        %parallel_loop3A_263 = vector.shape_cast %parallel_loop3A_253 : vector<16xf32> to vector<1x16xf32>
        tpu.vector_store %arg11[%parallel_loop3A_259, %parallel_loop3A_260], %parallel_loop3A_263 {strides = array<i32>} : memref<96x128xf32, #tpu.memory_space<vmem>>, vector<1x16xf32>,
        %parallel_loop3A_264 = arith.index_cast %parallel_loop3A_197 : i32 to index
        %parallel_loop3A_265 = arith.constant 48 : index
        %parallel_loop3A_266 = tpu.vector_load %arg9[%parallel_loop3A_264, %parallel_loop3A_265] {strides = array<i32>} : memref<96x64xi32, #tpu.memory_space<vmem>>, vector<1x16xi32>,
        %parallel_loop3A_267 = vector.shape_cast %parallel_loop3A_266 : vector<1x16xi32> to vector<16xi32>
        %parallel_loop3A_268 = arith.constant 16 : i32
        %parallel_loop3A_269 = vector.broadcast %parallel_loop3A_268 : i32 to vector<16xi32>
        %parallel_loop3A_270 = arith.shli %parallel_loop3A_267, %parallel_loop3A_269 : vector<16xi32>
        %parallel_loop3A_271 = tpu.bitcast %parallel_loop3A_270 : vector<16xi32> -> vector<16xf32>
        %parallel_loop3A_272 = arith.constant -65536 : i32
        %parallel_loop3A_273 = vector.broadcast %parallel_loop3A_272 : i32 to vector<16xi32>
        %parallel_loop3A_274 = arith.andi %parallel_loop3A_267, %parallel_loop3A_273 : vector<16xi32>
        %parallel_loop3A_275 = tpu.bitcast %parallel_loop3A_274 : vector<16xi32> -> vector<16xf32>
        %parallel_loop3A_276 = arith.index_cast %parallel_loop3A_197 : i32 to index
        %parallel_loop3A_277 = arith.constant 48 : index
        %parallel_loop3A_278 = tpu.vector_load %arg11[%parallel_loop3A_276, %parallel_loop3A_277] {strides = array<i32>} : memref<96x128xf32, #tpu.memory_space<vmem>>, vector<1x16xf32>,
        %parallel_loop3A_279 = vector.shape_cast %parallel_loop3A_278 : vector<1x16xf32> to vector<16xf32>
        %parallel_loop3A_280 = vector.shape_cast %parallel_loop3A_271 : vector<16xf32> to vector<1x16xf32>
        tpu.vector_store %arg11[%parallel_loop3A_276, %parallel_loop3A_277], %parallel_loop3A_280 {strides = array<i32>} : memref<96x128xf32, #tpu.memory_space<vmem>>, vector<1x16xf32>,
        %parallel_loop3A_281 = arith.index_cast %parallel_loop3A_197 : i32 to index
        %parallel_loop3A_282 = arith.constant 112 : index
        %parallel_loop3A_283 = tpu.vector_load %arg11[%parallel_loop3A_281, %parallel_loop3A_282] {strides = array<i32>} : memref<96x128xf32, #tpu.memory_space<vmem>>, vector<1x16xf32>,
        %parallel_loop3A_284 = vector.shape_cast %parallel_loop3A_283 : vector<1x16xf32> to vector<16xf32>
        %parallel_loop3A_285 = vector.shape_cast %parallel_loop3A_275 : vector<16xf32> to vector<1x16xf32>
        tpu.vector_store %arg11[%parallel_loop3A_281, %parallel_loop3A_282], %parallel_loop3A_285 {strides = array<i32>} : memref<96x128xf32, #tpu.memory_space<vmem>>, vector<1x16xf32>,
      } {sc.loop_unroll_factor = 4 : i64, sc.parallel_access}
      %add3A_118 = arith.constant 2 : i32
      %add3A_119 = arith.addi %mul3A_105, %add3A_118 : i32
      %lt3A = arith.cmpi slt, %add3A_119, %select_n3A : i32
      %convert_element_type3A_120 = arith.extui %lt3A : i1 to i32
      %cond3A_121 = arith.constant 0 : i32
      %cond3A_122 = arith.cmpi ne, %convert_element_type3A_120, %cond3A_121 : i32
      scf.if %cond3A_122 {
        %add3A_197 = arith.constant 2 : i32
        %add3A_198 = arith.addi %mul3A_105, %add3A_197 : i32
        %mul3A_199 = arith.constant 96 : i32
        %mul3A_200 = arith.muli %add3A_198, %mul3A_199 : i32
        %dma_start3A_201 = tpu.memref_slice %arg7[%mul3A_200] : memref<11520xi32, #tpu.memory_space<vmem>> -> memref<96xi32, #tpu.memory_space<vmem>>
        %dma_start3A_202 = arith.constant 0 : i32
        %dma_start3A_203 = arith.constant 0 : i32
        %dma_start3A_204 = tpu.memref_slice %arg4[%dma_start3A_202, %dma_start3A_203] : memref<10000x64xi32, #tpu.memory_space<hbm>> -> memref<10000x64xi32, #tpu.memory_space<hbm>>
        tpu.enqueue_indirect_dma source(%dma_start3A_204 : memref<10000x64xi32, #tpu.memory_space<hbm>>) target(%arg9 : memref<96x64xi32, #tpu.memory_space<vmem>>) offsets(%dma_start3A_201 : memref<96xi32, #tpu.memory_space<vmem>>) semaphore(%arg14 : memref<!tpu.dma_semaphore, #tpu.memory_space<semaphore_mem>>)
      } else {
      }
      %add3A_123 = arith.addi %select_n3A_8, %mul3A_105 : i32
      %mul3A_124 = arith.constant 96 : i32
      %mul3A_125 = arith.muli %add3A_123, %mul3A_124 : i32
      %rem3A_126 = arith.constant 4 : i32
      %rem3A_127 = arith.remsi %mul3A_105, %rem3A_126 : i32
      %dma_wait3A_128 = arith.constant 0 : i32
      %dma_wait3A_129 = tpu.memref_slice %arg8[%rem3A_127, %dma_wait3A_128] : memref<4x96xi32, #tpu.memory_space<vmem>> -> memref<1x96xi32, #tpu.memory_space<vmem>>
      %dma_wait3A_130 = tpu.memref_squeeze %dma_wait3A_129 : memref<1x96xi32, #tpu.memory_space<vmem>> -> memref<96xi32, #tpu.memory_space<vmem>>
      %dma_wait3A_131 = tpu.memref_slice %arg3[%mul3A_125] : memref<322560xi32, #tpu.memory_space<hbm>> -> memref<96xi32, #tpu.memory_space<hbm>>
      %dma_wait3A_132 = arith.constant 0 : i32
      %dma_wait3A_133 = tpu.memref_slice %arg8[%rem3A_127, %dma_wait3A_132] : memref<4x96xi32, #tpu.memory_space<vmem>> -> memref<1x96xi32, #tpu.memory_space<vmem>>
      %dma_wait3A_134 = tpu.memref_squeeze %dma_wait3A_133 : memref<1x96xi32, #tpu.memory_space<vmem>> -> memref<96xi32, #tpu.memory_space<vmem>>
      %dma_wait3A_135 = tpu.memref_slice %arg3[%mul3A_125] : memref<322560xi32, #tpu.memory_space<hbm>> -> memref<96xi32, #tpu.memory_space<hbm>>
      tpu.wait_dma2 semaphore(%arg18 : memref<!tpu.dma_semaphore, #tpu.memory_space<semaphore_mem>>) src(%dma_wait3A_135 : memref<96xi32, #tpu.memory_space<hbm>>) dst(%dma_wait3A_134 : memref<96xi32, #tpu.memory_space<vmem>>)
      %add3A_136 = arith.constant 2 : i32
      %add3A_137 = arith.addi %mul3A_105, %add3A_136 : i32
      %lt3A_138 = arith.cmpi slt, %add3A_137, %select_n3A : i32
      %convert_element_type3A_139 = arith.extui %lt3A_138 : i1 to i32
      %cond3A_140 = arith.constant 0 : i32
      %cond3A_141 = arith.cmpi ne, %convert_element_type3A_139, %cond3A_140 : i32
      scf.if %cond3A_141 {
        %add3A_197 = arith.constant 2 : i32
        %add3A_198 = arith.addi %mul3A_105, %add3A_197 : i32
        %add3A_199 = arith.addi %select_n3A_8, %add3A_198 : i32
        %mul3A_200 = arith.constant 96 : i32
        %mul3A_201 = arith.muli %add3A_199, %mul3A_200 : i32
        %rem3A_202 = arith.constant 4 : i32
        %rem3A_203 = arith.remsi %add3A_198, %rem3A_202 : i32
        %dma_start3A_204 = arith.constant 0 : i32
        %dma_start3A_205 = tpu.memref_slice %arg8[%rem3A_203, %dma_start3A_204] : memref<4x96xi32, #tpu.memory_space<vmem>> -> memref<1x96xi32, #tpu.memory_space<vmem>>
        %dma_start3A_206 = tpu.memref_squeeze %dma_start3A_205 : memref<1x96xi32, #tpu.memory_space<vmem>> -> memref<96xi32, #tpu.memory_space<vmem>>
        %dma_start3A_207 = tpu.memref_slice %arg3[%mul3A_201] : memref<322560xi32, #tpu.memory_space<hbm>> -> memref<96xi32, #tpu.memory_space<hbm>>
        %dma_start3A_208 = arith.constant 0 : i32
        %dma_start3A_209 = tpu.memref_slice %arg8[%rem3A_203, %dma_start3A_208] : memref<4x96xi32, #tpu.memory_space<vmem>> -> memref<1x96xi32, #tpu.memory_space<vmem>>
        %dma_start3A_210 = tpu.memref_squeeze %dma_start3A_209 : memref<1x96xi32, #tpu.memory_space<vmem>> -> memref<96xi32, #tpu.memory_space<vmem>>
        %dma_start3A_211 = tpu.memref_slice %arg3[%mul3A_201] : memref<322560xi32, #tpu.memory_space<hbm>> -> memref<96xi32, #tpu.memory_space<hbm>>
        tpu.enqueue_dma source(%dma_start3A_211 : memref<96xi32, #tpu.memory_space<hbm>>) target(%dma_start3A_210 : memref<96xi32, #tpu.memory_space<vmem>>) target_semaphore(%arg18 : memref<!tpu.dma_semaphore, #tpu.memory_space<semaphore_mem>>)
      } else {
      }
      %rem3A_142 = arith.constant 4 : i32
      %rem3A_143 = arith.remsi %mul3A_105, %rem3A_142 : i32
      %dma_start3A_144 = arith.constant 0 : i32
      %dma_start3A_145 = tpu.memref_slice %arg8[%rem3A_143, %dma_start3A_144] : memref<4x96xi32, #tpu.memory_space<vmem>> -> memref<1x96xi32, #tpu.memory_space<vmem>>
      %dma_start3A_146 = tpu.memref_squeeze %dma_start3A_145 : memref<1x96xi32, #tpu.memory_space<vmem>> -> memref<96xi32, #tpu.memory_space<vmem>>
      %dma_start3A_147 = arith.constant 0 : i32
      %dma_start3A_148 = arith.constant 0 : i32
      %dma_start3A_149 = tpu.memref_slice %arg13[%dma_start3A_147, %dma_start3A_148] : memref<10240x128xf32, #tpu.memory_space<vmem_shared>> -> memref<10240x128xf32, #tpu.memory_space<vmem_shared>>
      tpu.enqueue_indirect_dma source(%arg11 : memref<96x128xf32, #tpu.memory_space<vmem>>) target(%dma_start3A_149 : memref<10240x128xf32, #tpu.memory_space<vmem_shared>>) offsets(%dma_start3A_146 : memref<96xi32, #tpu.memory_space<vmem>>) semaphore(%arg16 : memref<!tpu.dma_semaphore, #tpu.memory_space<semaphore_mem>>) {add = true}
      %gt3A_150 = arith.constant 0 : i32
      %gt3A_151 = arith.cmpi sgt, %while3A_103, %gt3A_150 : i32
      %convert_element_type3A_152 = arith.extui %gt3A_151 : i1 to i32
      %cond3A_153 = arith.constant 0 : i32
      %cond3A_154 = arith.cmpi ne, %convert_element_type3A_152, %cond3A_153 : i32
      scf.if %cond3A_154 {
        %sub3A_197 = arith.constant 2 : i32
        %sub3A_198 = arith.subi %add3A_107, %sub3A_197 : i32
        %rem3A_199 = arith.constant 4 : i32
        %rem3A_200 = arith.remsi %sub3A_198, %rem3A_199 : i32
        %dma_wait3A_201 = arith.constant 0 : i32
        %dma_wait3A_202 = tpu.memref_slice %arg8[%rem3A_200, %dma_wait3A_201] : memref<4x96xi32, #tpu.memory_space<vmem>> -> memref<1x96xi32, #tpu.memory_space<vmem>>
        %dma_wait3A_203 = tpu.memref_squeeze %dma_wait3A_202 : memref<1x96xi32, #tpu.memory_space<vmem>> -> memref<96xi32, #tpu.memory_space<vmem>>
        %dma_wait3A_204 = arith.constant 0 : i32
        %dma_wait3A_205 = arith.constant 0 : i32
        %dma_wait3A_206 = tpu.memref_slice %arg13[%dma_wait3A_204, %dma_wait3A_205] : memref<10240x128xf32, #tpu.memory_space<vmem_shared>> -> memref<10240x128xf32, #tpu.memory_space<vmem_shared>>
        tpu.wait_indirect_dma semaphore(%arg17 : memref<!tpu.dma_semaphore, #tpu.memory_space<semaphore_mem>>) src(%arg12 : memref<96x128xf32, #tpu.memory_space<vmem>>) dst(%dma_wait3A_206 : memref<10240x128xf32, #tpu.memory_space<vmem_shared>>)
      } else {
      }
      %mul3A_155 = arith.constant 96 : i32
      %mul3A_156 = arith.muli %add3A_107, %mul3A_155 : i32
      %dma_wait3A_157 = tpu.memref_slice %arg7[%mul3A_156] : memref<11520xi32, #tpu.memory_space<vmem>> -> memref<96xi32, #tpu.memory_space<vmem>>
      %dma_wait3A_158 = arith.constant 0 : i32
      %dma_wait3A_159 = arith.constant 0 : i32
      %dma_wait3A_160 = tpu.memref_slice %arg4[%dma_wait3A_158, %dma_wait3A_159] : memref<10000x64xi32, #tpu.memory_space<hbm>> -> memref<10000x64xi32, #tpu.memory_space<hbm>>
      tpu.wait_indirect_dma semaphore(%arg15 : memref<!tpu.dma_semaphore, #tpu.memory_space<semaphore_mem>>) src(%dma_wait3A_160 : memref<10000x64xi32, #tpu.memory_space<hbm>>) dst(%arg10 : memref<96x64xi32, #tpu.memory_space<vmem>>)
      %parallel_loop3A_161 = arith.constant 0 : i32
      %parallel_loop3A_162 = arith.constant 96 : i32
      %parallel_loop3A_163 = arith.constant 1 : i32
      scf.for %parallel_loop3A_197 = %parallel_loop3A_161 to %parallel_loop3A_162 step %parallel_loop3A_163  : i32 {
        %parallel_loop3A_198 = arith.index_cast %parallel_loop3A_197 : i32 to index
        %parallel_loop3A_199 = arith.constant 0 : index
        %parallel_loop3A_200 = tpu.vector_load %arg10[%parallel_loop3A_198, %parallel_loop3A_199] {strides = array<i32>} : memref<96x64xi32, #tpu.memory_space<vmem>>, vector<1x16xi32>,
        %parallel_loop3A_201 = vector.shape_cast %parallel_loop3A_200 : vector<1x16xi32> to vector<16xi32>
        %parallel_loop3A_202 = arith.constant 16 : i32
        %parallel_loop3A_203 = vector.broadcast %parallel_loop3A_202 : i32 to vector<16xi32>
        %parallel_loop3A_204 = arith.shli %parallel_loop3A_201, %parallel_loop3A_203 : vector<16xi32>
        %parallel_loop3A_205 = tpu.bitcast %parallel_loop3A_204 : vector<16xi32> -> vector<16xf32>
        %parallel_loop3A_206 = arith.constant -65536 : i32
        %parallel_loop3A_207 = vector.broadcast %parallel_loop3A_206 : i32 to vector<16xi32>
        %parallel_loop3A_208 = arith.andi %parallel_loop3A_201, %parallel_loop3A_207 : vector<16xi32>
        %parallel_loop3A_209 = tpu.bitcast %parallel_loop3A_208 : vector<16xi32> -> vector<16xf32>
        %parallel_loop3A_210 = arith.index_cast %parallel_loop3A_197 : i32 to index
        %parallel_loop3A_211 = arith.constant 0 : index
        %parallel_loop3A_212 = tpu.vector_load %arg12[%parallel_loop3A_210, %parallel_loop3A_211] {strides = array<i32>} : memref<96x128xf32, #tpu.memory_space<vmem>>, vector<1x16xf32>,
        %parallel_loop3A_213 = vector.shape_cast %parallel_loop3A_212 : vector<1x16xf32> to vector<16xf32>
        %parallel_loop3A_214 = vector.shape_cast %parallel_loop3A_205 : vector<16xf32> to vector<1x16xf32>
        tpu.vector_store %arg12[%parallel_loop3A_210, %parallel_loop3A_211], %parallel_loop3A_214 {strides = array<i32>} : memref<96x128xf32, #tpu.memory_space<vmem>>, vector<1x16xf32>,
        %parallel_loop3A_215 = arith.index_cast %parallel_loop3A_197 : i32 to index
        %parallel_loop3A_216 = arith.constant 64 : index
        %parallel_loop3A_217 = tpu.vector_load %arg12[%parallel_loop3A_215, %parallel_loop3A_216] {strides = array<i32>} : memref<96x128xf32, #tpu.memory_space<vmem>>, vector<1x16xf32>,
        %parallel_loop3A_218 = vector.shape_cast %parallel_loop3A_217 : vector<1x16xf32> to vector<16xf32>
        %parallel_loop3A_219 = vector.shape_cast %parallel_loop3A_209 : vector<16xf32> to vector<1x16xf32>
        tpu.vector_store %arg12[%parallel_loop3A_215, %parallel_loop3A_216], %parallel_loop3A_219 {strides = array<i32>} : memref<96x128xf32, #tpu.memory_space<vmem>>, vector<1x16xf32>,
        %parallel_loop3A_220 = arith.index_cast %parallel_loop3A_197 : i32 to index
        %parallel_loop3A_221 = arith.constant 16 : index
        %parallel_loop3A_222 = tpu.vector_load %arg10[%parallel_loop3A_220, %parallel_loop3A_221] {strides = array<i32>} : memref<96x64xi32, #tpu.memory_space<vmem>>, vector<1x16xi32>,
        %parallel_loop3A_223 = vector.shape_cast %parallel_loop3A_222 : vector<1x16xi32> to vector<16xi32>
        %parallel_loop3A_224 = arith.constant 16 : i32
        %parallel_loop3A_225 = vector.broadcast %parallel_loop3A_224 : i32 to vector<16xi32>
        %parallel_loop3A_226 = arith.shli %parallel_loop3A_223, %parallel_loop3A_225 : vector<16xi32>
        %parallel_loop3A_227 = tpu.bitcast %parallel_loop3A_226 : vector<16xi32> -> vector<16xf32>
        %parallel_loop3A_228 = arith.constant -65536 : i32
        %parallel_loop3A_229 = vector.broadcast %parallel_loop3A_228 : i32 to vector<16xi32>
        %parallel_loop3A_230 = arith.andi %parallel_loop3A_223, %parallel_loop3A_229 : vector<16xi32>
        %parallel_loop3A_231 = tpu.bitcast %parallel_loop3A_230 : vector<16xi32> -> vector<16xf32>
        %parallel_loop3A_232 = arith.index_cast %parallel_loop3A_197 : i32 to index
        %parallel_loop3A_233 = arith.constant 16 : index
        %parallel_loop3A_234 = tpu.vector_load %arg12[%parallel_loop3A_232, %parallel_loop3A_233] {strides = array<i32>} : memref<96x128xf32, #tpu.memory_space<vmem>>, vector<1x16xf32>,
        %parallel_loop3A_235 = vector.shape_cast %parallel_loop3A_234 : vector<1x16xf32> to vector<16xf32>
        %parallel_loop3A_236 = vector.shape_cast %parallel_loop3A_227 : vector<16xf32> to vector<1x16xf32>
        tpu.vector_store %arg12[%parallel_loop3A_232, %parallel_loop3A_233], %parallel_loop3A_236 {strides = array<i32>} : memref<96x128xf32, #tpu.memory_space<vmem>>, vector<1x16xf32>,
        %parallel_loop3A_237 = arith.index_cast %parallel_loop3A_197 : i32 to index
        %parallel_loop3A_238 = arith.constant 80 : index
        %parallel_loop3A_239 = tpu.vector_load %arg12[%parallel_loop3A_237, %parallel_loop3A_238] {strides = array<i32>} : memref<96x128xf32, #tpu.memory_space<vmem>>, vector<1x16xf32>,
        %parallel_loop3A_240 = vector.shape_cast %parallel_loop3A_239 : vector<1x16xf32> to vector<16xf32>
        %parallel_loop3A_241 = vector.shape_cast %parallel_loop3A_231 : vector<16xf32> to vector<1x16xf32>
        tpu.vector_store %arg12[%parallel_loop3A_237, %parallel_loop3A_238], %parallel_loop3A_241 {strides = array<i32>} : memref<96x128xf32, #tpu.memory_space<vmem>>, vector<1x16xf32>,
        %parallel_loop3A_242 = arith.index_cast %parallel_loop3A_197 : i32 to index
        %parallel_loop3A_243 = arith.constant 32 : index
        %parallel_loop3A_244 = tpu.vector_load %arg10[%parallel_loop3A_242, %parallel_loop3A_243] {strides = array<i32>} : memref<96x64xi32, #tpu.memory_space<vmem>>, vector<1x16xi32>,
        %parallel_loop3A_245 = vector.shape_cast %parallel_loop3A_244 : vector<1x16xi32> to vector<16xi32>
        %parallel_loop3A_246 = arith.constant 16 : i32
        %parallel_loop3A_247 = vector.broadcast %parallel_loop3A_246 : i32 to vector<16xi32>
        %parallel_loop3A_248 = arith.shli %parallel_loop3A_245, %parallel_loop3A_247 : vector<16xi32>
        %parallel_loop3A_249 = tpu.bitcast %parallel_loop3A_248 : vector<16xi32> -> vector<16xf32>
        %parallel_loop3A_250 = arith.constant -65536 : i32
        %parallel_loop3A_251 = vector.broadcast %parallel_loop3A_250 : i32 to vector<16xi32>
        %parallel_loop3A_252 = arith.andi %parallel_loop3A_245, %parallel_loop3A_251 : vector<16xi32>
        %parallel_loop3A_253 = tpu.bitcast %parallel_loop3A_252 : vector<16xi32> -> vector<16xf32>
        %parallel_loop3A_254 = arith.index_cast %parallel_loop3A_197 : i32 to index
        %parallel_loop3A_255 = arith.constant 32 : index
        %parallel_loop3A_256 = tpu.vector_load %arg12[%parallel_loop3A_254, %parallel_loop3A_255] {strides = array<i32>} : memref<96x128xf32, #tpu.memory_space<vmem>>, vector<1x16xf32>,
        %parallel_loop3A_257 = vector.shape_cast %parallel_loop3A_256 : vector<1x16xf32> to vector<16xf32>
        %parallel_loop3A_258 = vector.shape_cast %parallel_loop3A_249 : vector<16xf32> to vector<1x16xf32>
        tpu.vector_store %arg12[%parallel_loop3A_254, %parallel_loop3A_255], %parallel_loop3A_258 {strides = array<i32>} : memref<96x128xf32, #tpu.memory_space<vmem>>, vector<1x16xf32>,
        %parallel_loop3A_259 = arith.index_cast %parallel_loop3A_197 : i32 to index
        %parallel_loop3A_260 = arith.constant 96 : index
        %parallel_loop3A_261 = tpu.vector_load %arg12[%parallel_loop3A_259, %parallel_loop3A_260] {strides = array<i32>} : memref<96x128xf32, #tpu.memory_space<vmem>>, vector<1x16xf32>,
        %parallel_loop3A_262 = vector.shape_cast %parallel_loop3A_261 : vector<1x16xf32> to vector<16xf32>
        %parallel_loop3A_263 = vector.shape_cast %parallel_loop3A_253 : vector<16xf32> to vector<1x16xf32>
        tpu.vector_store %arg12[%parallel_loop3A_259, %parallel_loop3A_260], %parallel_loop3A_263 {strides = array<i32>} : memref<96x128xf32, #tpu.memory_space<vmem>>, vector<1x16xf32>,
        %parallel_loop3A_264 = arith.index_cast %parallel_loop3A_197 : i32 to index
        %parallel_loop3A_265 = arith.constant 48 : index
        %parallel_loop3A_266 = tpu.vector_load %arg10[%parallel_loop3A_264, %parallel_loop3A_265] {strides = array<i32>} : memref<96x64xi32, #tpu.memory_space<vmem>>, vector<1x16xi32>,
        %parallel_loop3A_267 = vector.shape_cast %parallel_loop3A_266 : vector<1x16xi32> to vector<16xi32>
        %parallel_loop3A_268 = arith.constant 16 : i32
        %parallel_loop3A_269 = vector.broadcast %parallel_loop3A_268 : i32 to vector<16xi32>
        %parallel_loop3A_270 = arith.shli %parallel_loop3A_267, %parallel_loop3A_269 : vector<16xi32>
        %parallel_loop3A_271 = tpu.bitcast %parallel_loop3A_270 : vector<16xi32> -> vector<16xf32>
        %parallel_loop3A_272 = arith.constant -65536 : i32
        %parallel_loop3A_273 = vector.broadcast %parallel_loop3A_272 : i32 to vector<16xi32>
        %parallel_loop3A_274 = arith.andi %parallel_loop3A_267, %parallel_loop3A_273 : vector<16xi32>
        %parallel_loop3A_275 = tpu.bitcast %parallel_loop3A_274 : vector<16xi32> -> vector<16xf32>
        %parallel_loop3A_276 = arith.index_cast %parallel_loop3A_197 : i32 to index
        %parallel_loop3A_277 = arith.constant 48 : index
        %parallel_loop3A_278 = tpu.vector_load %arg12[%parallel_loop3A_276, %parallel_loop3A_277] {strides = array<i32>} : memref<96x128xf32, #tpu.memory_space<vmem>>, vector<1x16xf32>,
        %parallel_loop3A_279 = vector.shape_cast %parallel_loop3A_278 : vector<1x16xf32> to vector<16xf32>
        %parallel_loop3A_280 = vector.shape_cast %parallel_loop3A_271 : vector<16xf32> to vector<1x16xf32>
        tpu.vector_store %arg12[%parallel_loop3A_276, %parallel_loop3A_277], %parallel_loop3A_280 {strides = array<i32>} : memref<96x128xf32, #tpu.memory_space<vmem>>, vector<1x16xf32>,
        %parallel_loop3A_281 = arith.index_cast %parallel_loop3A_197 : i32 to index
        %parallel_loop3A_282 = arith.constant 112 : index
        %parallel_loop3A_283 = tpu.vector_load %arg12[%parallel_loop3A_281, %parallel_loop3A_282] {strides = array<i32>} : memref<96x128xf32, #tpu.memory_space<vmem>>, vector<1x16xf32>,
        %parallel_loop3A_284 = vector.shape_cast %parallel_loop3A_283 : vector<1x16xf32> to vector<16xf32>
        %parallel_loop3A_285 = vector.shape_cast %parallel_loop3A_275 : vector<16xf32> to vector<1x16xf32>
        tpu.vector_store %arg12[%parallel_loop3A_281, %parallel_loop3A_282], %parallel_loop3A_285 {strides = array<i32>} : memref<96x128xf32, #tpu.memory_space<vmem>>, vector<1x16xf32>,
      } {sc.loop_unroll_factor = 4 : i64, sc.parallel_access}
      %add3A_164 = arith.constant 2 : i32
      %add3A_165 = arith.addi %add3A_107, %add3A_164 : i32
      %lt3A_166 = arith.cmpi slt, %add3A_165, %select_n3A : i32
      %convert_element_type3A_167 = arith.extui %lt3A_166 : i1 to i32
      %cond3A_168 = arith.constant 0 : i32
      %cond3A_169 = arith.cmpi ne, %convert_element_type3A_167, %cond3A_168 : i32
      scf.if %cond3A_169 {
        %add3A_197 = arith.constant 2 : i32
        %add3A_198 = arith.addi %add3A_107, %add3A_197 : i32
        %mul3A_199 = arith.constant 96 : i32
        %mul3A_200 = arith.muli %add3A_198, %mul3A_199 : i32
        %dma_start3A_201 = tpu.memref_slice %arg7[%mul3A_200] : memref<11520xi32, #tpu.memory_space<vmem>> -> memref<96xi32, #tpu.memory_space<vmem>>
        %dma_start3A_202 = arith.constant 0 : i32
        %dma_start3A_203 = arith.constant 0 : i32
        %dma_start3A_204 = tpu.memref_slice %arg4[%dma_start3A_202, %dma_start3A_203] : memref<10000x64xi32, #tpu.memory_space<hbm>> -> memref<10000x64xi32, #tpu.memory_space<hbm>>
        tpu.enqueue_indirect_dma source(%dma_start3A_204 : memref<10000x64xi32, #tpu.memory_space<hbm>>) target(%arg10 : memref<96x64xi32, #tpu.memory_space<vmem>>) offsets(%dma_start3A_201 : memref<96xi32, #tpu.memory_space<vmem>>) semaphore(%arg15 : memref<!tpu.dma_semaphore, #tpu.memory_space<semaphore_mem>>)
      } else {
      }
      %add3A_170 = arith.addi %select_n3A_8, %add3A_107 : i32
      %mul3A_171 = arith.constant 96 : i32
      %mul3A_172 = arith.muli %add3A_170, %mul3A_171 : i32
      %rem3A_173 = arith.constant 4 : i32
      %rem3A_174 = arith.remsi %add3A_107, %rem3A_173 : i32
      %dma_wait3A_175 = arith.constant 0 : i32
      %dma_wait3A_176 = tpu.memref_slice %arg8[%rem3A_174, %dma_wait3A_175] : memref<4x96xi32, #tpu.memory_space<vmem>> -> memref<1x96xi32, #tpu.memory_space<vmem>>
      %dma_wait3A_177 = tpu.memref_squeeze %dma_wait3A_176 : memref<1x96xi32, #tpu.memory_space<vmem>> -> memref<96xi32, #tpu.memory_space<vmem>>
      %dma_wait3A_178 = tpu.memref_slice %arg3[%mul3A_172] : memref<322560xi32, #tpu.memory_space<hbm>> -> memref<96xi32, #tpu.memory_space<hbm>>
      %dma_wait3A_179 = arith.constant 0 : i32
      %dma_wait3A_180 = tpu.memref_slice %arg8[%rem3A_174, %dma_wait3A_179] : memref<4x96xi32, #tpu.memory_space<vmem>> -> memref<1x96xi32, #tpu.memory_space<vmem>>
      %dma_wait3A_181 = tpu.memref_squeeze %dma_wait3A_180 : memref<1x96xi32, #tpu.memory_space<vmem>> -> memref<96xi32, #tpu.memory_space<vmem>>
      %dma_wait3A_182 = tpu.memref_slice %arg3[%mul3A_172] : memref<322560xi32, #tpu.memory_space<hbm>> -> memref<96xi32, #tpu.memory_space<hbm>>
      tpu.wait_dma2 semaphore(%arg19 : memref<!tpu.dma_semaphore, #tpu.memory_space<semaphore_mem>>) src(%dma_wait3A_182 : memref<96xi32, #tpu.memory_space<hbm>>) dst(%dma_wait3A_181 : memref<96xi32, #tpu.memory_space<vmem>>)
      %add3A_183 = arith.constant 2 : i32
      %add3A_184 = arith.addi %add3A_107, %add3A_183 : i32
      %lt3A_185 = arith.cmpi slt, %add3A_184, %select_n3A : i32
      %convert_element_type3A_186 = arith.extui %lt3A_185 : i1 to i32
      %cond3A_187 = arith.constant 0 : i32
      %cond3A_188 = arith.cmpi ne, %convert_element_type3A_186, %cond3A_187 : i32
      scf.if %cond3A_188 {
        %add3A_197 = arith.constant 2 : i32
        %add3A_198 = arith.addi %add3A_107, %add3A_197 : i32
        %add3A_199 = arith.addi %select_n3A_8, %add3A_198 : i32
        %mul3A_200 = arith.constant 96 : i32
        %mul3A_201 = arith.muli %add3A_199, %mul3A_200 : i32
        %rem3A_202 = arith.constant 4 : i32
        %rem3A_203 = arith.remsi %add3A_198, %rem3A_202 : i32
        %dma_start3A_204 = arith.constant 0 : i32
        %dma_start3A_205 = tpu.memref_slice %arg8[%rem3A_203, %dma_start3A_204] : memref<4x96xi32, #tpu.memory_space<vmem>> -> memref<1x96xi32, #tpu.memory_space<vmem>>
        %dma_start3A_206 = tpu.memref_squeeze %dma_start3A_205 : memref<1x96xi32, #tpu.memory_space<vmem>> -> memref<96xi32, #tpu.memory_space<vmem>>
        %dma_start3A_207 = tpu.memref_slice %arg3[%mul3A_201] : memref<322560xi32, #tpu.memory_space<hbm>> -> memref<96xi32, #tpu.memory_space<hbm>>
        %dma_start3A_208 = arith.constant 0 : i32
        %dma_start3A_209 = tpu.memref_slice %arg8[%rem3A_203, %dma_start3A_208] : memref<4x96xi32, #tpu.memory_space<vmem>> -> memref<1x96xi32, #tpu.memory_space<vmem>>
        %dma_start3A_210 = tpu.memref_squeeze %dma_start3A_209 : memref<1x96xi32, #tpu.memory_space<vmem>> -> memref<96xi32, #tpu.memory_space<vmem>>
        %dma_start3A_211 = tpu.memref_slice %arg3[%mul3A_201] : memref<322560xi32, #tpu.memory_space<hbm>> -> memref<96xi32, #tpu.memory_space<hbm>>
        tpu.enqueue_dma source(%dma_start3A_211 : memref<96xi32, #tpu.memory_space<hbm>>) target(%dma_start3A_210 : memref<96xi32, #tpu.memory_space<vmem>>) target_semaphore(%arg19 : memref<!tpu.dma_semaphore, #tpu.memory_space<semaphore_mem>>)
      } else {
      }
      %rem3A_189 = arith.constant 4 : i32
      %rem3A_190 = arith.remsi %add3A_107, %rem3A_189 : i32
      %dma_start3A_191 = arith.constant 0 : i32
      %dma_start3A_192 = tpu.memref_slice %arg8[%rem3A_190, %dma_start3A_191] : memref<4x96xi32, #tpu.memory_space<vmem>> -> memref<1x96xi32, #tpu.memory_space<vmem>>
      %dma_start3A_193 = tpu.memref_squeeze %dma_start3A_192 : memref<1x96xi32, #tpu.memory_space<vmem>> -> memref<96xi32, #tpu.memory_space<vmem>>
      %dma_start3A_194 = arith.constant 0 : i32
      %dma_start3A_195 = arith.constant 0 : i32
      %dma_start3A_196 = tpu.memref_slice %arg13[%dma_start3A_194, %dma_start3A_195] : memref<10240x128xf32, #tpu.memory_space<vmem_shared>> -> memref<10240x128xf32, #tpu.memory_space<vmem_shared>>
      tpu.enqueue_indirect_dma source(%arg12 : memref<96x128xf32, #tpu.memory_space<vmem>>) target(%dma_start3A_196 : memref<10240x128xf32, #tpu.memory_space<vmem_shared>>) offsets(%dma_start3A_193 : memref<96xi32, #tpu.memory_space<vmem>>) semaphore(%arg17 : memref<!tpu.dma_semaphore, #tpu.memory_space<semaphore_mem>>) {add = true}
    }
    %while3A_78 = arith.constant 1 : i32
    scf.for %while3A_103 = %while3A_76 to %while3A_72 step %while3A_78  : i32 {
      %mul3A_104 = arith.constant 2 : i32
      %mul3A_105 = arith.muli %mul3A_104, %while3A_103 : i32
      %add3A_106 = arith.constant 1 : i32
      %add3A_107 = arith.addi %mul3A_105, %add3A_106 : i32
      %gt3A = arith.constant 0 : i32
      %gt3A_108 = arith.cmpi sgt, %while3A_103, %gt3A : i32
      %convert_element_type3A = arith.extui %gt3A_108 : i1 to i32
      %cond3A = arith.constant 0 : i32
      %cond3A_109 = arith.cmpi ne, %convert_element_type3A, %cond3A : i32
      scf.if %cond3A_109 {
        %sub3A_197 = arith.constant 2 : i32
        %sub3A_198 = arith.subi %mul3A_105, %sub3A_197 : i32
        %rem3A_199 = arith.constant 4 : i32
        %rem3A_200 = arith.remsi %sub3A_198, %rem3A_199 : i32
        %dma_wait3A_201 = arith.constant 0 : i32
        %dma_wait3A_202 = tpu.memref_slice %arg8[%rem3A_200, %dma_wait3A_201] : memref<4x96xi32, #tpu.memory_space<vmem>> -> memref<1x96xi32, #tpu.memory_space<vmem>>
        %dma_wait3A_203 = tpu.memref_squeeze %dma_wait3A_202 : memref<1x96xi32, #tpu.memory_space<vmem>> -> memref<96xi32, #tpu.memory_space<vmem>>
        %dma_wait3A_204 = arith.constant 0 : i32
        %dma_wait3A_205 = arith.constant 0 : i32
        %dma_wait3A_206 = tpu.memref_slice %arg13[%dma_wait3A_204, %dma_wait3A_205] : memref<10240x128xf32, #tpu.memory_space<vmem_shared>> -> memref<10240x128xf32, #tpu.memory_space<vmem_shared>>
        tpu.wait_indirect_dma semaphore(%arg16 : memref<!tpu.dma_semaphore, #tpu.memory_space<semaphore_mem>>) src(%arg11 : memref<96x128xf32, #tpu.memory_space<vmem>>) dst(%dma_wait3A_206 : memref<10240x128xf32, #tpu.memory_space<vmem_shared>>)
      } else {
      }
      %mul3A_110 = arith.constant 96 : i32
      %mul3A_111 = arith.muli %mul3A_105, %mul3A_110 : i32
      %dma_wait3A_112 = tpu.memref_slice %arg7[%mul3A_111] : memref<11520xi32, #tpu.memory_space<vmem>> -> memref<96xi32, #tpu.memory_space<vmem>>
      %dma_wait3A_113 = arith.constant 0 : i32
      %dma_wait3A_114 = arith.constant 0 : i32
      %dma_wait3A_115 = tpu.memref_slice %arg4[%dma_wait3A_113, %dma_wait3A_114] : memref<10000x64xi32, #tpu.memory_space<hbm>> -> memref<10000x64xi32, #tpu.memory_space<hbm>>
      tpu.wait_indirect_dma semaphore(%arg14 : memref<!tpu.dma_semaphore, #tpu.memory_space<semaphore_mem>>) src(%dma_wait3A_115 : memref<10000x64xi32, #tpu.memory_space<hbm>>) dst(%arg9 : memref<96x64xi32, #tpu.memory_space<vmem>>)
      %parallel_loop3A = arith.constant 0 : i32
      %parallel_loop3A_116 = arith.constant 96 : i32
      %parallel_loop3A_117 = arith.constant 1 : i32
      scf.for %parallel_loop3A_197 = %parallel_loop3A to %parallel_loop3A_116 step %parallel_loop3A_117  : i32 {
        %parallel_loop3A_198 = arith.index_cast %parallel_loop3A_197 : i32 to index
        %parallel_loop3A_199 = arith.constant 0 : index
        %parallel_loop3A_200 = tpu.vector_load %arg9[%parallel_loop3A_198, %parallel_loop3A_199] {strides = array<i32>} : memref<96x64xi32, #tpu.memory_space<vmem>>, vector<1x16xi32>,
        %parallel_loop3A_201 = vector.shape_cast %parallel_loop3A_200 : vector<1x16xi32> to vector<16xi32>
        %parallel_loop3A_202 = arith.constant 16 : i32
        %parallel_loop3A_203 = vector.broadcast %parallel_loop3A_202 : i32 to vector<16xi32>
        %parallel_loop3A_204 = arith.shli %parallel_loop3A_201, %parallel_loop3A_203 : vector<16xi32>
        %parallel_loop3A_205 = tpu.bitcast %parallel_loop3A_204 : vector<16xi32> -> vector<16xf32>
        %parallel_loop3A_206 = arith.constant -65536 : i32
        %parallel_loop3A_207 = vector.broadcast %parallel_loop3A_206 : i32 to vector<16xi32>
        %parallel_loop3A_208 = arith.andi %parallel_loop3A_201, %parallel_loop3A_207 : vector<16xi32>
        %parallel_loop3A_209 = tpu.bitcast %parallel_loop3A_208 : vector<16xi32> -> vector<16xf32>
        %parallel_loop3A_210 = arith.index_cast %parallel_loop3A_197 : i32 to index
        %parallel_loop3A_211 = arith.constant 0 : index
        %parallel_loop3A_212 = tpu.vector_load %arg11[%parallel_loop3A_210, %parallel_loop3A_211] {strides = array<i32>} : memref<96x128xf32, #tpu.memory_space<vmem>>, vector<1x16xf32>,
        %parallel_loop3A_213 = vector.shape_cast %parallel_loop3A_212 : vector<1x16xf32> to vector<16xf32>
        %parallel_loop3A_214 = vector.shape_cast %parallel_loop3A_205 : vector<16xf32> to vector<1x16xf32>
        tpu.vector_store %arg11[%parallel_loop3A_210, %parallel_loop3A_211], %parallel_loop3A_214 {strides = array<i32>} : memref<96x128xf32, #tpu.memory_space<vmem>>, vector<1x16xf32>,
        %parallel_loop3A_215 = arith.index_cast %parallel_loop3A_197 : i32 to index
        %parallel_loop3A_216 = arith.constant 64 : index
        %parallel_loop3A_217 = tpu.vector_load %arg11[%parallel_loop3A_215, %parallel_loop3A_216] {strides = array<i32>} : memref<96x128xf32, #tpu.memory_space<vmem>>, vector<1x16xf32>,
        %parallel_loop3A_218 = vector.shape_cast %parallel_loop3A_217 : vector<1x16xf32> to vector<16xf32>
        %parallel_loop3A_219 = vector.shape_cast %parallel_loop3A_209 : vector<16xf32> to vector<1x16xf32>
        tpu.vector_store %arg11[%parallel_loop3A_215, %parallel_loop3A_216], %parallel_loop3A_219 {strides = array<i32>} : memref<96x128xf32, #tpu.memory_space<vmem>>, vector<1x16xf32>,
        %parallel_loop3A_220 = arith.index_cast %parallel_loop3A_197 : i32 to index
        %parallel_loop3A_221 = arith.constant 16 : index
        %parallel_loop3A_222 = tpu.vector_load %arg9[%parallel_loop3A_220, %parallel_loop3A_221] {strides = array<i32>} : memref<96x64xi32, #tpu.memory_space<vmem>>, vector<1x16xi32>,
        %parallel_loop3A_223 = vector.shape_cast %parallel_loop3A_222 : vector<1x16xi32> to vector<16xi32>
        %parallel_loop3A_224 = arith.constant 16 : i32
        %parallel_loop3A_225 = vector.broadcast %parallel_loop3A_224 : i32 to vector<16xi32>
        %parallel_loop3A_226 = arith.shli %parallel_loop3A_223, %parallel_loop3A_225 : vector<16xi32>
        %parallel_loop3A_227 = tpu.bitcast %parallel_loop3A_226 : vector<16xi32> -> vector<16xf32>
        %parallel_loop3A_228 = arith.constant -65536 : i32
        %parallel_loop3A_229 = vector.broadcast %parallel_loop3A_228 : i32 to vector<16xi32>
        %parallel_loop3A_230 = arith.andi %parallel_loop3A_223, %parallel_loop3A_229 : vector<16xi32>
        %parallel_loop3A_231 = tpu.bitcast %parallel_loop3A_230 : vector<16xi32> -> vector<16xf32>
        %parallel_loop3A_232 = arith.index_cast %parallel_loop3A_197 : i32 to index
        %parallel_loop3A_233 = arith.constant 16 : index
        %parallel_loop3A_234 = tpu.vector_load %arg11[%parallel_loop3A_232, %parallel_loop3A_233] {strides = array<i32>} : memref<96x128xf32, #tpu.memory_space<vmem>>, vector<1x16xf32>,
        %parallel_loop3A_235 = vector.shape_cast %parallel_loop3A_234 : vector<1x16xf32> to vector<16xf32>
        %parallel_loop3A_236 = vector.shape_cast %parallel_loop3A_227 : vector<16xf32> to vector<1x16xf32>
        tpu.vector_store %arg11[%parallel_loop3A_232, %parallel_loop3A_233], %parallel_loop3A_236 {strides = array<i32>} : memref<96x128xf32, #tpu.memory_space<vmem>>, vector<1x16xf32>,
        %parallel_loop3A_237 = arith.index_cast %parallel_loop3A_197 : i32 to index
        %parallel_loop3A_238 = arith.constant 80 : index
        %parallel_loop3A_239 = tpu.vector_load %arg11[%parallel_loop3A_237, %parallel_loop3A_238] {strides = array<i32>} : memref<96x128xf32, #tpu.memory_space<vmem>>, vector<1x16xf32>,
        %parallel_loop3A_240 = vector.shape_cast %parallel_loop3A_239 : vector<1x16xf32> to vector<16xf32>
        %parallel_loop3A_241 = vector.shape_cast %parallel_loop3A_231 : vector<16xf32> to vector<1x16xf32>
        tpu.vector_store %arg11[%parallel_loop3A_237, %parallel_loop3A_238], %parallel_loop3A_241 {strides = array<i32>} : memref<96x128xf32, #tpu.memory_space<vmem>>, vector<1x16xf32>,
        %parallel_loop3A_242 = arith.index_cast %parallel_loop3A_197 : i32 to index
        %parallel_loop3A_243 = arith.constant 32 : index
        %parallel_loop3A_244 = tpu.vector_load %arg9[%parallel_loop3A_242, %parallel_loop3A_243] {strides = array<i32>} : memref<96x64xi32, #tpu.memory_space<vmem>>, vector<1x16xi32>,
        %parallel_loop3A_245 = vector.shape_cast %parallel_loop3A_244 : vector<1x16xi32> to vector<16xi32>
        %parallel_loop3A_246 = arith.constant 16 : i32
        %parallel_loop3A_247 = vector.broadcast %parallel_loop3A_246 : i32 to vector<16xi32>
        %parallel_loop3A_248 = arith.shli %parallel_loop3A_245, %parallel_loop3A_247 : vector<16xi32>
        %parallel_loop3A_249 = tpu.bitcast %parallel_loop3A_248 : vector<16xi32> -> vector<16xf32>
        %parallel_loop3A_250 = arith.constant -65536 : i32
        %parallel_loop3A_251 = vector.broadcast %parallel_loop3A_250 : i32 to vector<16xi32>
        %parallel_loop3A_252 = arith.andi %parallel_loop3A_245, %parallel_loop3A_251 : vector<16xi32>
        %parallel_loop3A_253 = tpu.bitcast %parallel_loop3A_252 : vector<16xi32> -> vector<16xf32>
        %parallel_loop3A_254 = arith.index_cast %parallel_loop3A_197 : i32 to index
        %parallel_loop3A_255 = arith.constant 32 : index
        %parallel_loop3A_256 = tpu.vector_load %arg11[%parallel_loop3A_254, %parallel_loop3A_255] {strides = array<i32>} : memref<96x128xf32, #tpu.memory_space<vmem>>, vector<1x16xf32>,
        %parallel_loop3A_257 = vector.shape_cast %parallel_loop3A_256 : vector<1x16xf32> to vector<16xf32>
        %parallel_loop3A_258 = vector.shape_cast %parallel_loop3A_249 : vector<16xf32> to vector<1x16xf32>
        tpu.vector_store %arg11[%parallel_loop3A_254, %parallel_loop3A_255], %parallel_loop3A_258 {strides = array<i32>} : memref<96x128xf32, #tpu.memory_space<vmem>>, vector<1x16xf32>,
        %parallel_loop3A_259 = arith.index_cast %parallel_loop3A_197 : i32 to index
        %parallel_loop3A_260 = arith.constant 96 : index
        %parallel_loop3A_261 = tpu.vector_load %arg11[%parallel_loop3A_259, %parallel_loop3A_260] {strides = array<i32>} : memref<96x128xf32, #tpu.memory_space<vmem>>, vector<1x16xf32>,
        %parallel_loop3A_262 = vector.shape_cast %parallel_loop3A_261 : vector<1x16xf32> to vector<16xf32>
        %parallel_loop3A_263 = vector.shape_cast %parallel_loop3A_253 : vector<16xf32> to vector<1x16xf32>
        tpu.vector_store %arg11[%parallel_loop3A_259, %parallel_loop3A_260], %parallel_loop3A_263 {strides = array<i32>} : memref<96x128xf32, #tpu.memory_space<vmem>>, vector<1x16xf32>,
        %parallel_loop3A_264 = arith.index_cast %parallel_loop3A_197 : i32 to index
        %parallel_loop3A_265 = arith.constant 48 : index
        %parallel_loop3A_266 = tpu.vector_load %arg9[%parallel_loop3A_264, %parallel_loop3A_265] {strides = array<i32>} : memref<96x64xi32, #tpu.memory_space<vmem>>, vector<1x16xi32>,
        %parallel_loop3A_267 = vector.shape_cast %parallel_loop3A_266 : vector<1x16xi32> to vector<16xi32>
        %parallel_loop3A_268 = arith.constant 16 : i32
        %parallel_loop3A_269 = vector.broadcast %parallel_loop3A_268 : i32 to vector<16xi32>
        %parallel_loop3A_270 = arith.shli %parallel_loop3A_267, %parallel_loop3A_269 : vector<16xi32>
        %parallel_loop3A_271 = tpu.bitcast %parallel_loop3A_270 : vector<16xi32> -> vector<16xf32>
        %parallel_loop3A_272 = arith.constant -65536 : i32
        %parallel_loop3A_273 = vector.broadcast %parallel_loop3A_272 : i32 to vector<16xi32>
        %parallel_loop3A_274 = arith.andi %parallel_loop3A_267, %parallel_loop3A_273 : vector<16xi32>
        %parallel_loop3A_275 = tpu.bitcast %parallel_loop3A_274 : vector<16xi32> -> vector<16xf32>
        %parallel_loop3A_276 = arith.index_cast %parallel_loop3A_197 : i32 to index
        %parallel_loop3A_277 = arith.constant 48 : index
        %parallel_loop3A_278 = tpu.vector_load %arg11[%parallel_loop3A_276, %parallel_loop3A_277] {strides = array<i32>} : memref<96x128xf32, #tpu.memory_space<vmem>>, vector<1x16xf32>,
        %parallel_loop3A_279 = vector.shape_cast %parallel_loop3A_278 : vector<1x16xf32> to vector<16xf32>
        %parallel_loop3A_280 = vector.shape_cast %parallel_loop3A_271 : vector<16xf32> to vector<1x16xf32>
        tpu.vector_store %arg11[%parallel_loop3A_276, %parallel_loop3A_277], %parallel_loop3A_280 {strides = array<i32>} : memref<96x128xf32, #tpu.memory_space<vmem>>, vector<1x16xf32>,
        %parallel_loop3A_281 = arith.index_cast %parallel_loop3A_197 : i32 to index
        %parallel_loop3A_282 = arith.constant 112 : index
        %parallel_loop3A_283 = tpu.vector_load %arg11[%parallel_loop3A_281, %parallel_loop3A_282] {strides = array<i32>} : memref<96x128xf32, #tpu.memory_space<vmem>>, vector<1x16xf32>,
        %parallel_loop3A_284 = vector.shape_cast %parallel_loop3A_283 : vector<1x16xf32> to vector<16xf32>
        %parallel_loop3A_285 = vector.shape_cast %parallel_loop3A_275 : vector<16xf32> to vector<1x16xf32>
        tpu.vector_store %arg11[%parallel_loop3A_281, %parallel_loop3A_282], %parallel_loop3A_285 {strides = array<i32>} : memref<96x128xf32, #tpu.memory_space<vmem>>, vector<1x16xf32>,
      } {sc.loop_unroll_factor = 4 : i64, sc.parallel_access}
      %add3A_118 = arith.constant 2 : i32
      %add3A_119 = arith.addi %mul3A_105, %add3A_118 : i32
      %lt3A = arith.cmpi slt, %add3A_119, %select_n3A : i32
      %convert_element_type3A_120 = arith.extui %lt3A : i1 to i32
      %cond3A_121 = arith.constant 0 : i32
      %cond3A_122 = arith.cmpi ne, %convert_element_type3A_120, %cond3A_121 : i32
      scf.if %cond3A_122 {
        %add3A_197 = arith.constant 2 : i32
        %add3A_198 = arith.addi %mul3A_105, %add3A_197 : i32
        %mul3A_199 = arith.constant 96 : i32
        %mul3A_200 = arith.muli %add3A_198, %mul3A_199 : i32
        %dma_start3A_201 = tpu.memref_slice %arg7[%mul3A_200] : memref<11520xi32, #tpu.memory_space<vmem>> -> memref<96xi32, #tpu.memory_space<vmem>>
        %dma_start3A_202 = arith.constant 0 : i32
        %dma_start3A_203 = arith.constant 0 : i32
        %dma_start3A_204 = tpu.memref_slice %arg4[%dma_start3A_202, %dma_start3A_203] : memref<10000x64xi32, #tpu.memory_space<hbm>> -> memref<10000x64xi32, #tpu.memory_space<hbm>>
        tpu.enqueue_indirect_dma source(%dma_start3A_204 : memref<10000x64xi32, #tpu.memory_space<hbm>>) target(%arg9 : memref<96x64xi32, #tpu.memory_space<vmem>>) offsets(%dma_start3A_201 : memref<96xi32, #tpu.memory_space<vmem>>) semaphore(%arg14 : memref<!tpu.dma_semaphore, #tpu.memory_space<semaphore_mem>>)
      } else {
      }
      %add3A_123 = arith.addi %select_n3A_8, %mul3A_105 : i32
      %mul3A_124 = arith.constant 96 : i32
      %mul3A_125 = arith.muli %add3A_123, %mul3A_124 : i32
      %rem3A_126 = arith.constant 4 : i32
      %rem3A_127 = arith.remsi %mul3A_105, %rem3A_126 : i32
      %dma_wait3A_128 = arith.constant 0 : i32
      %dma_wait3A_129 = tpu.memref_slice %arg8[%rem3A_127, %dma_wait3A_128] : memref<4x96xi32, #tpu.memory_space<vmem>> -> memref<1x96xi32, #tpu.memory_space<vmem>>
      %dma_wait3A_130 = tpu.memref_squeeze %dma_wait3A_129 : memref<1x96xi32, #tpu.memory_space<vmem>> -> memref<96xi32, #tpu.memory_space<vmem>>
      %dma_wait3A_131 = tpu.memref_slice %arg3[%mul3A_125] : memref<322560xi32, #tpu.memory_space<hbm>> -> memref<96xi32, #tpu.memory_space<hbm>>
      %dma_wait3A_132 = arith.constant 0 : i32
      %dma_wait3A_133 = tpu.memref_slice %arg8[%rem3A_127, %dma_wait3A_132] : memref<4x96xi32, #tpu.memory_space<vmem>> -> memref<1x96xi32, #tpu.memory_space<vmem>>
      %dma_wait3A_134 = tpu.memref_squeeze %dma_wait3A_133 : memref<1x96xi32, #tpu.memory_space<vmem>> -> memref<96xi32, #tpu.memory_space<vmem>>
      %dma_wait3A_135 = tpu.memref_slice %arg3[%mul3A_125] : memref<322560xi32, #tpu.memory_space<hbm>> -> memref<96xi32, #tpu.memory_space<hbm>>
      tpu.wait_dma2 semaphore(%arg18 : memref<!tpu.dma_semaphore, #tpu.memory_space<semaphore_mem>>) src(%dma_wait3A_135 : memref<96xi32, #tpu.memory_space<hbm>>) dst(%dma_wait3A_134 : memref<96xi32, #tpu.memory_space<vmem>>)
      %add3A_136 = arith.constant 2 : i32
      %add3A_137 = arith.addi %mul3A_105, %add3A_136 : i32
      %lt3A_138 = arith.cmpi slt, %add3A_137, %select_n3A : i32
      %convert_element_type3A_139 = arith.extui %lt3A_138 : i1 to i32
      %cond3A_140 = arith.constant 0 : i32
      %cond3A_141 = arith.cmpi ne, %convert_element_type3A_139, %cond3A_140 : i32
      scf.if %cond3A_141 {
        %add3A_197 = arith.constant 2 : i32
        %add3A_198 = arith.addi %mul3A_105, %add3A_197 : i32
        %add3A_199 = arith.addi %select_n3A_8, %add3A_198 : i32
        %mul3A_200 = arith.constant 96 : i32
        %mul3A_201 = arith.muli %add3A_199, %mul3A_200 : i32
        %rem3A_202 = arith.constant 4 : i32
        %rem3A_203 = arith.remsi %add3A_198, %rem3A_202 : i32
        %dma_start3A_204 = arith.constant 0 : i32
        %dma_start3A_205 = tpu.memref_slice %arg8[%rem3A_203, %dma_start3A_204] : memref<4x96xi32, #tpu.memory_space<vmem>> -> memref<1x96xi32, #tpu.memory_space<vmem>>
        %dma_start3A_206 = tpu.memref_squeeze %dma_start3A_205 : memref<1x96xi32, #tpu.memory_space<vmem>> -> memref<96xi32, #tpu.memory_space<vmem>>
        %dma_start3A_207 = tpu.memref_slice %arg3[%mul3A_201] : memref<322560xi32, #tpu.memory_space<hbm>> -> memref<96xi32, #tpu.memory_space<hbm>>
        %dma_start3A_208 = arith.constant 0 : i32
        %dma_start3A_209 = tpu.memref_slice %arg8[%rem3A_203, %dma_start3A_208] : memref<4x96xi32, #tpu.memory_space<vmem>> -> memref<1x96xi32, #tpu.memory_space<vmem>>
        %dma_start3A_210 = tpu.memref_squeeze %dma_start3A_209 : memref<1x96xi32, #tpu.memory_space<vmem>> -> memref<96xi32, #tpu.memory_space<vmem>>
        %dma_start3A_211 = tpu.memref_slice %arg3[%mul3A_201] : memref<322560xi32, #tpu.memory_space<hbm>> -> memref<96xi32, #tpu.memory_space<hbm>>
        tpu.enqueue_dma source(%dma_start3A_211 : memref<96xi32, #tpu.memory_space<hbm>>) target(%dma_start3A_210 : memref<96xi32, #tpu.memory_space<vmem>>) target_semaphore(%arg18 : memref<!tpu.dma_semaphore, #tpu.memory_space<semaphore_mem>>)
      } else {
      }
      %rem3A_142 = arith.constant 4 : i32
      %rem3A_143 = arith.remsi %mul3A_105, %rem3A_142 : i32
      %dma_start3A_144 = arith.constant 0 : i32
      %dma_start3A_145 = tpu.memref_slice %arg8[%rem3A_143, %dma_start3A_144] : memref<4x96xi32, #tpu.memory_space<vmem>> -> memref<1x96xi32, #tpu.memory_space<vmem>>
      %dma_start3A_146 = tpu.memref_squeeze %dma_start3A_145 : memref<1x96xi32, #tpu.memory_space<vmem>> -> memref<96xi32, #tpu.memory_space<vmem>>
      %dma_start3A_147 = arith.constant 0 : i32
      %dma_start3A_148 = arith.constant 0 : i32
      %dma_start3A_149 = tpu.memref_slice %arg13[%dma_start3A_147, %dma_start3A_148] : memref<10240x128xf32, #tpu.memory_space<vmem_shared>> -> memref<10240x128xf32, #tpu.memory_space<vmem_shared>>
      tpu.enqueue_indirect_dma source(%arg11 : memref<96x128xf32, #tpu.memory_space<vmem>>) target(%dma_start3A_149 : memref<10240x128xf32, #tpu.memory_space<vmem_shared>>) offsets(%dma_start3A_146 : memref<96xi32, #tpu.memory_space<vmem>>) semaphore(%arg16 : memref<!tpu.dma_semaphore, #tpu.memory_space<semaphore_mem>>) {add = true}
      %gt3A_150 = arith.constant 0 : i32
      %gt3A_151 = arith.cmpi sgt, %while3A_103, %gt3A_150 : i32
      %convert_element_type3A_152 = arith.extui %gt3A_151 : i1 to i32
      %cond3A_153 = arith.constant 0 : i32
      %cond3A_154 = arith.cmpi ne, %convert_element_type3A_152, %cond3A_153 : i32
      scf.if %cond3A_154 {
        %sub3A_197 = arith.constant 2 : i32
        %sub3A_198 = arith.subi %add3A_107, %sub3A_197 : i32
        %rem3A_199 = arith.constant 4 : i32
        %rem3A_200 = arith.remsi %sub3A_198, %rem3A_199 : i32
        %dma_wait3A_201 = arith.constant 0 : i32
        %dma_wait3A_202 = tpu.memref_slice %arg8[%rem3A_200, %dma_wait3A_201] : memref<4x96xi32, #tpu.memory_space<vmem>> -> memref<1x96xi32, #tpu.memory_space<vmem>>
        %dma_wait3A_203 = tpu.memref_squeeze %dma_wait3A_202 : memref<1x96xi32, #tpu.memory_space<vmem>> -> memref<96xi32, #tpu.memory_space<vmem>>
        %dma_wait3A_204 = arith.constant 0 : i32
        %dma_wait3A_205 = arith.constant 0 : i32
        %dma_wait3A_206 = tpu.memref_slice %arg13[%dma_wait3A_204, %dma_wait3A_205] : memref<10240x128xf32, #tpu.memory_space<vmem_shared>> -> memref<10240x128xf32, #tpu.memory_space<vmem_shared>>
        tpu.wait_indirect_dma semaphore(%arg17 : memref<!tpu.dma_semaphore, #tpu.memory_space<semaphore_mem>>) src(%arg12 : memref<96x128xf32, #tpu.memory_space<vmem>>) dst(%dma_wait3A_206 : memref<10240x128xf32, #tpu.memory_space<vmem_shared>>)
      } else {
      }
      %mul3A_155 = arith.constant 96 : i32
      %mul3A_156 = arith.muli %add3A_107, %mul3A_155 : i32
      %dma_wait3A_157 = tpu.memref_slice %arg7[%mul3A_156] : memref<11520xi32, #tpu.memory_space<vmem>> -> memref<96xi32, #tpu.memory_space<vmem>>
      %dma_wait3A_158 = arith.constant 0 : i32
      %dma_wait3A_159 = arith.constant 0 : i32
      %dma_wait3A_160 = tpu.memref_slice %arg4[%dma_wait3A_158, %dma_wait3A_159] : memref<10000x64xi32, #tpu.memory_space<hbm>> -> memref<10000x64xi32, #tpu.memory_space<hbm>>
      tpu.wait_indirect_dma semaphore(%arg15 : memref<!tpu.dma_semaphore, #tpu.memory_space<semaphore_mem>>) src(%dma_wait3A_160 : memref<10000x64xi32, #tpu.memory_space<hbm>>) dst(%arg10 : memref<96x64xi32, #tpu.memory_space<vmem>>)
      %parallel_loop3A_161 = arith.constant 0 : i32
      %parallel_loop3A_162 = arith.constant 96 : i32
      %parallel_loop3A_163 = arith.constant 1 : i32
      scf.for %parallel_loop3A_197 = %parallel_loop3A_161 to %parallel_loop3A_162 step %parallel_loop3A_163  : i32 {
        %parallel_loop3A_198 = arith.index_cast %parallel_loop3A_197 : i32 to index
        %parallel_loop3A_199 = arith.constant 0 : index
        %parallel_loop3A_200 = tpu.vector_load %arg10[%parallel_loop3A_198, %parallel_loop3A_199] {strides = array<i32>} : memref<96x64xi32, #tpu.memory_space<vmem>>, vector<1x16xi32>,
        %parallel_loop3A_201 = vector.shape_cast %parallel_loop3A_200 : vector<1x16xi32> to vector<16xi32>
        %parallel_loop3A_202 = arith.constant 16 : i32
        %parallel_loop3A_203 = vector.broadcast %parallel_loop3A_202 : i32 to vector<16xi32>
        %parallel_loop3A_204 = arith.shli %parallel_loop3A_201, %parallel_loop3A_203 : vector<16xi32>
        %parallel_loop3A_205 = tpu.bitcast %parallel_loop3A_204 : vector<16xi32> -> vector<16xf32>
        %parallel_loop3A_206 = arith.constant -65536 : i32
        %parallel_loop3A_207 = vector.broadcast %parallel_loop3A_206 : i32 to vector<16xi32>
        %parallel_loop3A_208 = arith.andi %parallel_loop3A_201, %parallel_loop3A_207 : vector<16xi32>
        %parallel_loop3A_209 = tpu.bitcast %parallel_loop3A_208 : vector<16xi32> -> vector<16xf32>
        %parallel_loop3A_210 = arith.index_cast %parallel_loop3A_197 : i32 to index
        %parallel_loop3A_211 = arith.constant 0 : index
        %parallel_loop3A_212 = tpu.vector_load %arg12[%parallel_loop3A_210, %parallel_loop3A_211] {strides = array<i32>} : memref<96x128xf32, #tpu.memory_space<vmem>>, vector<1x16xf32>,
        %parallel_loop3A_213 = vector.shape_cast %parallel_loop3A_212 : vector<1x16xf32> to vector<16xf32>
        %parallel_loop3A_214 = vector.shape_cast %parallel_loop3A_205 : vector<16xf32> to vector<1x16xf32>
        tpu.vector_store %arg12[%parallel_loop3A_210, %parallel_loop3A_211], %parallel_loop3A_214 {strides = array<i32>} : memref<96x128xf32, #tpu.memory_space<vmem>>, vector<1x16xf32>,
        %parallel_loop3A_215 = arith.index_cast %parallel_loop3A_197 : i32 to index
        %parallel_loop3A_216 = arith.constant 64 : index
        %parallel_loop3A_217 = tpu.vector_load %arg12[%parallel_loop3A_215, %parallel_loop3A_216] {strides = array<i32>} : memref<96x128xf32, #tpu.memory_space<vmem>>, vector<1x16xf32>,
        %parallel_loop3A_218 = vector.shape_cast %parallel_loop3A_217 : vector<1x16xf32> to vector<16xf32>
        %parallel_loop3A_219 = vector.shape_cast %parallel_loop3A_209 : vector<16xf32> to vector<1x16xf32>
        tpu.vector_store %arg12[%parallel_loop3A_215, %parallel_loop3A_216], %parallel_loop3A_219 {strides = array<i32>} : memref<96x128xf32, #tpu.memory_space<vmem>>, vector<1x16xf32>,
        %parallel_loop3A_220 = arith.index_cast %parallel_loop3A_197 : i32 to index
        %parallel_loop3A_221 = arith.constant 16 : index
        %parallel_loop3A_222 = tpu.vector_load %arg10[%parallel_loop3A_220, %parallel_loop3A_221] {strides = array<i32>} : memref<96x64xi32, #tpu.memory_space<vmem>>, vector<1x16xi32>,
        %parallel_loop3A_223 = vector.shape_cast %parallel_loop3A_222 : vector<1x16xi32> to vector<16xi32>
        %parallel_loop3A_224 = arith.constant 16 : i32
        %parallel_loop3A_225 = vector.broadcast %parallel_loop3A_224 : i32 to vector<16xi32>
        %parallel_loop3A_226 = arith.shli %parallel_loop3A_223, %parallel_loop3A_225 : vector<16xi32>
        %parallel_loop3A_227 = tpu.bitcast %parallel_loop3A_226 : vector<16xi32> -> vector<16xf32>
        %parallel_loop3A_228 = arith.constant -65536 : i32
        %parallel_loop3A_229 = vector.broadcast %parallel_loop3A_228 : i32 to vector<16xi32>
        %parallel_loop3A_230 = arith.andi %parallel_loop3A_223, %parallel_loop3A_229 : vector<16xi32>
        %parallel_loop3A_231 = tpu.bitcast %parallel_loop3A_230 : vector<16xi32> -> vector<16xf32>
        %parallel_loop3A_232 = arith.index_cast %parallel_loop3A_197 : i32 to index
        %parallel_loop3A_233 = arith.constant 16 : index
        %parallel_loop3A_234 = tpu.vector_load %arg12[%parallel_loop3A_232, %parallel_loop3A_233] {strides = array<i32>} : memref<96x128xf32, #tpu.memory_space<vmem>>, vector<1x16xf32>,
        %parallel_loop3A_235 = vector.shape_cast %parallel_loop3A_234 : vector<1x16xf32> to vector<16xf32>
        %parallel_loop3A_236 = vector.shape_cast %parallel_loop3A_227 : vector<16xf32> to vector<1x16xf32>
        tpu.vector_store %arg12[%parallel_loop3A_232, %parallel_loop3A_233], %parallel_loop3A_236 {strides = array<i32>} : memref<96x128xf32, #tpu.memory_space<vmem>>, vector<1x16xf32>,
        %parallel_loop3A_237 = arith.index_cast %parallel_loop3A_197 : i32 to index
        %parallel_loop3A_238 = arith.constant 80 : index
        %parallel_loop3A_239 = tpu.vector_load %arg12[%parallel_loop3A_237, %parallel_loop3A_238] {strides = array<i32>} : memref<96x128xf32, #tpu.memory_space<vmem>>, vector<1x16xf32>,
        %parallel_loop3A_240 = vector.shape_cast %parallel_loop3A_239 : vector<1x16xf32> to vector<16xf32>
        %parallel_loop3A_241 = vector.shape_cast %parallel_loop3A_231 : vector<16xf32> to vector<1x16xf32>
        tpu.vector_store %arg12[%parallel_loop3A_237, %parallel_loop3A_238], %parallel_loop3A_241 {strides = array<i32>} : memref<96x128xf32, #tpu.memory_space<vmem>>, vector<1x16xf32>,
        %parallel_loop3A_242 = arith.index_cast %parallel_loop3A_197 : i32 to index
        %parallel_loop3A_243 = arith.constant 32 : index
        %parallel_loop3A_244 = tpu.vector_load %arg10[%parallel_loop3A_242, %parallel_loop3A_243] {strides = array<i32>} : memref<96x64xi32, #tpu.memory_space<vmem>>, vector<1x16xi32>,
        %parallel_loop3A_245 = vector.shape_cast %parallel_loop3A_244 : vector<1x16xi32> to vector<16xi32>
        %parallel_loop3A_246 = arith.constant 16 : i32
        %parallel_loop3A_247 = vector.broadcast %parallel_loop3A_246 : i32 to vector<16xi32>
        %parallel_loop3A_248 = arith.shli %parallel_loop3A_245, %parallel_loop3A_247 : vector<16xi32>
        %parallel_loop3A_249 = tpu.bitcast %parallel_loop3A_248 : vector<16xi32> -> vector<16xf32>
        %parallel_loop3A_250 = arith.constant -65536 : i32
        %parallel_loop3A_251 = vector.broadcast %parallel_loop3A_250 : i32 to vector<16xi32>
        %parallel_loop3A_252 = arith.andi %parallel_loop3A_245, %parallel_loop3A_251 : vector<16xi32>
        %parallel_loop3A_253 = tpu.bitcast %parallel_loop3A_252 : vector<16xi32> -> vector<16xf32>
        %parallel_loop3A_254 = arith.index_cast %parallel_loop3A_197 : i32 to index
        %parallel_loop3A_255 = arith.constant 32 : index
        %parallel_loop3A_256 = tpu.vector_load %arg12[%parallel_loop3A_254, %parallel_loop3A_255] {strides = array<i32>} : memref<96x128xf32, #tpu.memory_space<vmem>>, vector<1x16xf32>,
        %parallel_loop3A_257 = vector.shape_cast %parallel_loop3A_256 : vector<1x16xf32> to vector<16xf32>
        %parallel_loop3A_258 = vector.shape_cast %parallel_loop3A_249 : vector<16xf32> to vector<1x16xf32>
        tpu.vector_store %arg12[%parallel_loop3A_254, %parallel_loop3A_255], %parallel_loop3A_258 {strides = array<i32>} : memref<96x128xf32, #tpu.memory_space<vmem>>, vector<1x16xf32>,
        %parallel_loop3A_259 = arith.index_cast %parallel_loop3A_197 : i32 to index
        %parallel_loop3A_260 = arith.constant 96 : index
        %parallel_loop3A_261 = tpu.vector_load %arg12[%parallel_loop3A_259, %parallel_loop3A_260] {strides = array<i32>} : memref<96x128xf32, #tpu.memory_space<vmem>>, vector<1x16xf32>,
        %parallel_loop3A_262 = vector.shape_cast %parallel_loop3A_261 : vector<1x16xf32> to vector<16xf32>
        %parallel_loop3A_263 = vector.shape_cast %parallel_loop3A_253 : vector<16xf32> to vector<1x16xf32>
        tpu.vector_store %arg12[%parallel_loop3A_259, %parallel_loop3A_260], %parallel_loop3A_263 {strides = array<i32>} : memref<96x128xf32, #tpu.memory_space<vmem>>, vector<1x16xf32>,
        %parallel_loop3A_264 = arith.index_cast %parallel_loop3A_197 : i32 to index
        %parallel_loop3A_265 = arith.constant 48 : index
        %parallel_loop3A_266 = tpu.vector_load %arg10[%parallel_loop3A_264, %parallel_loop3A_265] {strides = array<i32>} : memref<96x64xi32, #tpu.memory_space<vmem>>, vector<1x16xi32>,
        %parallel_loop3A_267 = vector.shape_cast %parallel_loop3A_266 : vector<1x16xi32> to vector<16xi32>
        %parallel_loop3A_268 = arith.constant 16 : i32
        %parallel_loop3A_269 = vector.broadcast %parallel_loop3A_268 : i32 to vector<16xi32>
        %parallel_loop3A_270 = arith.shli %parallel_loop3A_267, %parallel_loop3A_269 : vector<16xi32>
        %parallel_loop3A_271 = tpu.bitcast %parallel_loop3A_270 : vector<16xi32> -> vector<16xf32>
        %parallel_loop3A_272 = arith.constant -65536 : i32
        %parallel_loop3A_273 = vector.broadcast %parallel_loop3A_272 : i32 to vector<16xi32>
        %parallel_loop3A_274 = arith.andi %parallel_loop3A_267, %parallel_loop3A_273 : vector<16xi32>
        %parallel_loop3A_275 = tpu.bitcast %parallel_loop3A_274 : vector<16xi32> -> vector<16xf32>
        %parallel_loop3A_276 = arith.index_cast %parallel_loop3A_197 : i32 to index
        %parallel_loop3A_277 = arith.constant 48 : index
        %parallel_loop3A_278 = tpu.vector_load %arg12[%parallel_loop3A_276, %parallel_loop3A_277] {strides = array<i32>} : memref<96x128xf32, #tpu.memory_space<vmem>>, vector<1x16xf32>,
        %parallel_loop3A_279 = vector.shape_cast %parallel_loop3A_278 : vector<1x16xf32> to vector<16xf32>
        %parallel_loop3A_280 = vector.shape_cast %parallel_loop3A_271 : vector<16xf32> to vector<1x16xf32>
        tpu.vector_store %arg12[%parallel_loop3A_276, %parallel_loop3A_277], %parallel_loop3A_280 {strides = array<i32>} : memref<96x128xf32, #tpu.memory_space<vmem>>, vector<1x16xf32>,
        %parallel_loop3A_281 = arith.index_cast %parallel_loop3A_197 : i32 to index
        %parallel_loop3A_282 = arith.constant 112 : index
        %parallel_loop3A_283 = tpu.vector_load %arg12[%parallel_loop3A_281, %parallel_loop3A_282] {strides = array<i32>} : memref<96x128xf32, #tpu.memory_space<vmem>>, vector<1x16xf32>,
        %parallel_loop3A_284 = vector.shape_cast %parallel_loop3A_283 : vector<1x16xf32> to vector<16xf32>
        %parallel_loop3A_285 = vector.shape_cast %parallel_loop3A_275 : vector<16xf32> to vector<1x16xf32>
        tpu.vector_store %arg12[%parallel_loop3A_281, %parallel_loop3A_282], %parallel_loop3A_285 {strides = array<i32>} : memref<96x128xf32, #tpu.memory_space<vmem>>, vector<1x16xf32>,
      } {sc.loop_unroll_factor = 4 : i64, sc.parallel_access}
      %add3A_164 = arith.constant 2 : i32
      %add3A_165 = arith.addi %add3A_107, %add3A_164 : i32
      %lt3A_166 = arith.cmpi slt, %add3A_165, %select_n3A : i32
      %convert_element_type3A_167 = arith.extui %lt3A_166 : i1 to i32
      %cond3A_168 = arith.constant 0 : i32
      %cond3A_169 = arith.cmpi ne, %convert_element_type3A_167, %cond3A_168 : i32
      scf.if %cond3A_169 {
        %add3A_197 = arith.constant 2 : i32
        %add3A_198 = arith.addi %add3A_107, %add3A_197 : i32
        %mul3A_199 = arith.constant 96 : i32
        %mul3A_200 = arith.muli %add3A_198, %mul3A_199 : i32
        %dma_start3A_201 = tpu.memref_slice %arg7[%mul3A_200] : memref<11520xi32, #tpu.memory_space<vmem>> -> memref<96xi32, #tpu.memory_space<vmem>>
        %dma_start3A_202 = arith.constant 0 : i32
        %dma_start3A_203 = arith.constant 0 : i32
        %dma_start3A_204 = tpu.memref_slice %arg4[%dma_start3A_202, %dma_start3A_203] : memref<10000x64xi32, #tpu.memory_space<hbm>> -> memref<10000x64xi32, #tpu.memory_space<hbm>>
        tpu.enqueue_indirect_dma source(%dma_start3A_204 : memref<10000x64xi32, #tpu.memory_space<hbm>>) target(%arg10 : memref<96x64xi32, #tpu.memory_space<vmem>>) offsets(%dma_start3A_201 : memref<96xi32, #tpu.memory_space<vmem>>) semaphore(%arg15 : memref<!tpu.dma_semaphore, #tpu.memory_space<semaphore_mem>>)
      } else {
      }
      %add3A_170 = arith.addi %select_n3A_8, %add3A_107 : i32
      %mul3A_171 = arith.constant 96 : i32
      %mul3A_172 = arith.muli %add3A_170, %mul3A_171 : i32
      %rem3A_173 = arith.constant 4 : i32
      %rem3A_174 = arith.remsi %add3A_107, %rem3A_173 : i32
      %dma_wait3A_175 = arith.constant 0 : i32
      %dma_wait3A_176 = tpu.memref_slice %arg8[%rem3A_174, %dma_wait3A_175] : memref<4x96xi32, #tpu.memory_space<vmem>> -> memref<1x96xi32, #tpu.memory_space<vmem>>
      %dma_wait3A_177 = tpu.memref_squeeze %dma_wait3A_176 : memref<1x96xi32, #tpu.memory_space<vmem>> -> memref<96xi32, #tpu.memory_space<vmem>>
      %dma_wait3A_178 = tpu.memref_slice %arg3[%mul3A_172] : memref<322560xi32, #tpu.memory_space<hbm>> -> memref<96xi32, #tpu.memory_space<hbm>>
      %dma_wait3A_179 = arith.constant 0 : i32
      %dma_wait3A_180 = tpu.memref_slice %arg8[%rem3A_174, %dma_wait3A_179] : memref<4x96xi32, #tpu.memory_space<vmem>> -> memref<1x96xi32, #tpu.memory_space<vmem>>
      %dma_wait3A_181 = tpu.memref_squeeze %dma_wait3A_180 : memref<1x96xi32, #tpu.memory_space<vmem>> -> memref<96xi32, #tpu.memory_space<vmem>>
      %dma_wait3A_182 = tpu.memref_slice %arg3[%mul3A_172] : memref<322560xi32, #tpu.memory_space<hbm>> -> memref<96xi32, #tpu.memory_space<hbm>>
      tpu.wait_dma2 semaphore(%arg19 : memref<!tpu.dma_semaphore, #tpu.memory_space<semaphore_mem>>) src(%dma_wait3A_182 : memref<96xi32, #tpu.memory_space<hbm>>) dst(%dma_wait3A_181 : memref<96xi32, #tpu.memory_space<vmem>>)
      %add3A_183 = arith.constant 2 : i32
      %add3A_184 = arith.addi %add3A_107, %add3A_183 : i32
      %lt3A_185 = arith.cmpi slt, %add3A_184, %select_n3A : i32
      %convert_element_type3A_186 = arith.extui %lt3A_185 : i1 to i32
      %cond3A_187 = arith.constant 0 : i32
      %cond3A_188 = arith.cmpi ne, %convert_element_type3A_186, %cond3A_187 : i32
      scf.if %cond3A_188 {
        %add3A_197 = arith.constant 2 : i32
        %add3A_198 = arith.addi %add3A_107, %add3A_197 : i32
        %add3A_199 = arith.addi %select_n3A_8, %add3A_198 : i32
        %mul3A_200 = arith.constant 96 : i32
        %mul3A_201 = arith.muli %add3A_199, %mul3A_200 : i32
        %rem3A_202 = arith.constant 4 : i32
        %rem3A_203 = arith.remsi %add3A_198, %rem3A_202 : i32
        %dma_start3A_204 = arith.constant 0 : i32
        %dma_start3A_205 = tpu.memref_slice %arg8[%rem3A_203, %dma_start3A_204] : memref<4x96xi32, #tpu.memory_space<vmem>> -> memref<1x96xi32, #tpu.memory_space<vmem>>
        %dma_start3A_206 = tpu.memref_squeeze %dma_start3A_205 : memref<1x96xi32, #tpu.memory_space<vmem>> -> memref<96xi32, #tpu.memory_space<vmem>>
        %dma_start3A_207 = tpu.memref_slice %arg3[%mul3A_201] : memref<322560xi32, #tpu.memory_space<hbm>> -> memref<96xi32, #tpu.memory_space<hbm>>
        %dma_start3A_208 = arith.constant 0 : i32
        %dma_start3A_209 = tpu.memref_slice %arg8[%rem3A_203, %dma_start3A_208] : memref<4x96xi32, #tpu.memory_space<vmem>> -> memref<1x96xi32, #tpu.memory_space<vmem>>
        %dma_start3A_210 = tpu.memref_squeeze %dma_start3A_209 : memref<1x96xi32, #tpu.memory_space<vmem>> -> memref<96xi32, #tpu.memory_space<vmem>>
        %dma_start3A_211 = tpu.memref_slice %arg3[%mul3A_201] : memref<322560xi32, #tpu.memory_space<hbm>> -> memref<96xi32, #tpu.memory_space<hbm>>
        tpu.enqueue_dma source(%dma_start3A_211 : memref<96xi32, #tpu.memory_space<hbm>>) target(%dma_start3A_210 : memref<96xi32, #tpu.memory_space<vmem>>) target_semaphore(%arg19 : memref<!tpu.dma_semaphore, #tpu.memory_space<semaphore_mem>>)
      } else {
      }
      %rem3A_189 = arith.constant 4 : i32
      %rem3A_190 = arith.remsi %add3A_107, %rem3A_189 : i32
      %dma_start3A_191 = arith.constant 0 : i32
      %dma_start3A_192 = tpu.memref_slice %arg8[%rem3A_190, %dma_start3A_191] : memref<4x96xi32, #tpu.memory_space<vmem>> -> memref<1x96xi32, #tpu.memory_space<vmem>>
      %dma_start3A_193 = tpu.memref_squeeze %dma_start3A_192 : memref<1x96xi32, #tpu.memory_space<vmem>> -> memref<96xi32, #tpu.memory_space<vmem>>
      %dma_start3A_194 = arith.constant 0 : i32
      %dma_start3A_195 = arith.constant 0 : i32
      %dma_start3A_196 = tpu.memref_slice %arg13[%dma_start3A_194, %dma_start3A_195] : memref<10240x128xf32, #tpu.memory_space<vmem_shared>> -> memref<10240x128xf32, #tpu.memory_space<vmem_shared>>
      tpu.enqueue_indirect_dma source(%arg12 : memref<96x128xf32, #tpu.memory_space<vmem>>) target(%dma_start3A_196 : memref<10240x128xf32, #tpu.memory_space<vmem_shared>>) offsets(%dma_start3A_193 : memref<96xi32, #tpu.memory_space<vmem>>) semaphore(%arg17 : memref<!tpu.dma_semaphore, #tpu.memory_space<semaphore_mem>>) {add = true}
    }
    %sub3A_79 = arith.constant 2 : i32
    %sub3A_80 = arith.subi %select_n3A, %sub3A_79 : i32
    %rem3A_81 = arith.constant 4 : i32
    %rem3A_82 = arith.remsi %sub3A_80, %rem3A_81 : i32
    %dma_wait3A = arith.constant 0 : i32
    %dma_wait3A_83 = tpu.memref_slice %arg8[%rem3A_82, %dma_wait3A] : memref<4x96xi32, #tpu.memory_space<vmem>> -> memref<1x96xi32, #tpu.memory_space<vmem>>
    %dma_wait3A_84 = tpu.memref_squeeze %dma_wait3A_83 : memref<1x96xi32, #tpu.memory_space<vmem>> -> memref<96xi32, #tpu.memory_space<vmem>>
    %dma_wait3A_85 = arith.constant 0 : i32
    %dma_wait3A_86 = arith.constant 0 : i32
    %dma_wait3A_87 = tpu.memref_slice %arg13[%dma_wait3A_85, %dma_wait3A_86] : memref<10240x128xf32, #tpu.memory_space<vmem_shared>> -> memref<10240x128xf32, #tpu.memory_space<vmem_shared>>
    tpu.wait_indirect_dma semaphore(%arg16 : memref<!tpu.dma_semaphore, #tpu.memory_space<semaphore_mem>>) src(%arg11 : memref<96x128xf32, #tpu.memory_space<vmem>>) dst(%dma_wait3A_87 : memref<10240x128xf32, #tpu.memory_space<vmem_shared>>)
    %sub3A_88 = arith.constant 1 : i32
    %sub3A_89 = arith.subi %select_n3A, %sub3A_88 : i32
    %rem3A_90 = arith.constant 4 : i32
    %rem3A_91 = arith.remsi %sub3A_89, %rem3A_90 : i32
    %dma_wait3A_92 = arith.constant 0 : i32
    %dma_wait3A_93 = tpu.memref_slice %arg8[%rem3A_91, %dma_wait3A_92] : memref<4x96xi32, #tpu.memory_space<vmem>> -> memref<1x96xi32, #tpu.memory_space<vmem>>
    %dma_wait3A_94 = tpu.memref_squeeze %dma_wait3A_93 : memref<1x96xi32, #tpu.memory_space<vmem>> -> memref<96xi32, #tpu.memory_space<vmem>>
    %dma_wait3A_95 = arith.constant 0 : i32
    %dma_wait3A_96 = arith.constant 0 : i32
    %dma_wait3A_97 = tpu.memref_slice %arg13[%dma_wait3A_95, %dma_wait3A_96] : memref<10240x128xf32, #tpu.memory_space<vmem_shared>> -> memref<10240x128xf32, #tpu.memory_space<vmem_shared>>
    tpu.wait_indirect_dma semaphore(%arg17 : memref<!tpu.dma_semaphore, #tpu.memory_space<semaphore_mem>>) src(%arg12 : memref<96x128xf32, #tpu.memory_space<vmem>>) dst(%dma_wait3A_97 : memref<10240x128xf32, #tpu.memory_space<vmem_shared>>)
    %barrier3A_98 = arith.constant 0 : index
    tpu.barrier barrier_id(%barrier3A_98)
    %mul3A_99 = arith.constant 640 : i32
    %mul3A_100 = arith.muli %arg1, %mul3A_99 : i32
    %mul3A_101 = arith.constant 640 : i32
    %mul3A_102 = arith.muli %arg1, %mul3A_101 : i32
    "tpu.region"() ({
      %run_scoped3A = tpu.sem_alloc : memref<!tpu.dma_semaphore, #tpu.memory_space<semaphore_mem>>
      %dma_start3A_103 = arith.constant 0 : i32
      %dma_start3A_104 = tpu.memref_slice %arg6[%arg0, %mul3A_102, %dma_start3A_103] : memref<2x10240x128xf32, #tpu.memory_space<hbm>> -> memref<1x640x128xf32, #tpu.memory_space<hbm>>
      %dma_start3A_105 = tpu.memref_squeeze %dma_start3A_104 : memref<1x640x128xf32, #tpu.memory_space<hbm>> -> memref<640x128xf32, #tpu.memory_space<hbm>>
      %dma_start3A_106 = arith.constant 0 : i32
      %dma_start3A_107 = tpu.memref_slice %arg13[%mul3A_100, %dma_start3A_106] : memref<10240x128xf32, #tpu.memory_space<vmem_shared>> -> memref<640x128xf32, #tpu.memory_space<vmem_shared>>
      tpu.enqueue_dma source(%dma_start3A_107 : memref<640x128xf32, #tpu.memory_space<vmem_shared>>) target(%dma_start3A_105 : memref<640x128xf32, #tpu.memory_space<hbm>>) target_semaphore(%run_scoped3A : memref<!tpu.dma_semaphore, #tpu.memory_space<semaphore_mem>>)
      %dma_wait3A_108 = arith.constant 0 : i32
      %dma_wait3A_109 = tpu.memref_slice %arg6[%arg0, %mul3A_102, %dma_wait3A_108] : memref<2x10240x128xf32, #tpu.memory_space<hbm>> -> memref<1x640x128xf32, #tpu.memory_space<hbm>>
      %dma_wait3A_110 = tpu.memref_squeeze %dma_wait3A_109 : memref<1x640x128xf32, #tpu.memory_space<hbm>> -> memref<640x128xf32, #tpu.memory_space<hbm>>
      %dma_wait3A_111 = arith.constant 0 : i32
      %dma_wait3A_112 = tpu.memref_slice %arg13[%mul3A_100, %dma_wait3A_111] : memref<10240x128xf32, #tpu.memory_space<vmem_shared>> -> memref<640x128xf32, #tpu.memory_space<vmem_shared>>
      tpu.wait_dma2 semaphore(%run_scoped3A : memref<!tpu.dma_semaphore, #tpu.memory_space<semaphore_mem>>) src(%dma_wait3A_112 : memref<640x128xf32, #tpu.memory_space<vmem_shared>>) dst(%dma_wait3A_110 : memref<640x128xf32, #tpu.memory_space<hbm>>)
      tpu.yield
    }) : () -> ()
    return
  }
}

#map = affine_map<(d0, d1) -> (0, 0, 0)>
#map1 = affine_map<(d0, d1) -> (0, 0)>
module attributes {stable_mosaic.version = 14 : i64} {
  func.func @_deg_body(%arg0: i32, %arg1: i32, %arg2: memref<32x105x96xi32, #tpu.memory_space<hbm>>, %arg3: memref<2x10240xf32, #tpu.memory_space<hbm>>, %arg4: memref<105x96xi32, #tpu.memory_space<vmem>>, %arg5: memref<96xf32, #tpu.memory_space<vmem>>, %arg6: memref<640xf32, #tpu.memory_space<vmem>>, %arg7: memref<10240xf32, #tpu.memory_space<vmem_shared>>, %arg8: memref<!tpu.dma_semaphore, #tpu.memory_space<semaphore_mem>>) attributes {dimension_semantics = [#tpu.dimension_semantics<core_parallel>, #tpu.dimension_semantics<subcore_parallel>], iteration_bounds = array<i64: 2, 16>, scalar_prefetch = 0 : i64, scratch_operands = 5 : i64, tpu.core_type = #tpu.core_type<sc_vector_subcore>, window_params = [{transform_indices = #map}, {transform_indices = #map1}]} {
    %mul3A = arith.constant 16 : i32
    %mul3A_0 = arith.muli %arg0, %mul3A : i32
    %add3A = arith.addi %mul3A_0, %arg1 : i32
    %eq3A = arith.constant 0 : i32
    %eq3A_1 = arith.cmpi eq, %arg0, %eq3A : i32
    %jit3A = arith.constant 1.000000e+00 : f32
    %jit3A_2 = arith.constant 0.000000e+00 : f32
    %select_n3A = arith.select %eq3A_1, %jit3A, %jit3A_2 : f32
    %broadcast_in_dim3A = arith.constant 1.000000e+00 : f32
    %broadcast_in_dim3A_3 = vector.broadcast %broadcast_in_dim3A : f32 to vector<16xf32>
    %mul3A_4 = vector.broadcast %select_n3A : f32 to vector<16xf32>
    %mul3A_5 = arith.mulf %broadcast_in_dim3A_3, %mul3A_4 : vector<16xf32>
    %swap3A = arith.constant 0 : index
    %swap3A_6 = tpu.vector_load %arg6[%swap3A] {strides = array<i32>} : memref<640xf32, #tpu.memory_space<vmem>>, vector<16xf32>,
    %swap3A_7 = vector.shape_cast %swap3A_6 : vector<16xf32> to vector<16xf32>
    %swap3A_8 = vector.shape_cast %mul3A_5 : vector<16xf32> to vector<16xf32>
    tpu.vector_store %arg6[%swap3A], %swap3A_8 {strides = array<i32>} : memref<640xf32, #tpu.memory_space<vmem>>, vector<16xf32>,
    %broadcast_in_dim3A_9 = arith.constant 1.000000e+00 : f32
    %broadcast_in_dim3A_10 = vector.broadcast %broadcast_in_dim3A_9 : f32 to vector<16xf32>
    %mul3A_11 = vector.broadcast %select_n3A : f32 to vector<16xf32>
    %mul3A_12 = arith.mulf %broadcast_in_dim3A_10, %mul3A_11 : vector<16xf32>
    %swap3A_13 = arith.constant 16 : index
    %swap3A_14 = tpu.vector_load %arg6[%swap3A_13] {strides = array<i32>} : memref<640xf32, #tpu.memory_space<vmem>>, vector<16xf32>,
    %swap3A_15 = vector.shape_cast %swap3A_14 : vector<16xf32> to vector<16xf32>
    %swap3A_16 = vector.shape_cast %mul3A_12 : vector<16xf32> to vector<16xf32>
    tpu.vector_store %arg6[%swap3A_13], %swap3A_16 {strides = array<i32>} : memref<640xf32, #tpu.memory_space<vmem>>, vector<16xf32>,
    %broadcast_in_dim3A_17 = arith.constant 1.000000e+00 : f32
    %broadcast_in_dim3A_18 = vector.broadcast %broadcast_in_dim3A_17 : f32 to vector<16xf32>
    %mul3A_19 = vector.broadcast %select_n3A : f32 to vector<16xf32>
    %mul3A_20 = arith.mulf %broadcast_in_dim3A_18, %mul3A_19 : vector<16xf32>
    %swap3A_21 = arith.constant 32 : index
    %swap3A_22 = tpu.vector_load %arg6[%swap3A_21] {strides = array<i32>} : memref<640xf32, #tpu.memory_space<vmem>>, vector<16xf32>,
    %swap3A_23 = vector.shape_cast %swap3A_22 : vector<16xf32> to vector<16xf32>
    %swap3A_24 = vector.shape_cast %mul3A_20 : vector<16xf32> to vector<16xf32>
    tpu.vector_store %arg6[%swap3A_21], %swap3A_24 {strides = array<i32>} : memref<640xf32, #tpu.memory_space<vmem>>, vector<16xf32>,
    %broadcast_in_dim3A_25 = arith.constant 1.000000e+00 : f32
    %broadcast_in_dim3A_26 = vector.broadcast %broadcast_in_dim3A_25 : f32 to vector<16xf32>
    %mul3A_27 = vector.broadcast %select_n3A : f32 to vector<16xf32>
    %mul3A_28 = arith.mulf %broadcast_in_dim3A_26, %mul3A_27 : vector<16xf32>
    %swap3A_29 = arith.constant 48 : index
    %swap3A_30 = tpu.vector_load %arg6[%swap3A_29] {strides = array<i32>} : memref<640xf32, #tpu.memory_space<vmem>>, vector<16xf32>,
    %swap3A_31 = vector.shape_cast %swap3A_30 : vector<16xf32> to vector<16xf32>
    %swap3A_32 = vector.shape_cast %mul3A_28 : vector<16xf32> to vector<16xf32>
    tpu.vector_store %arg6[%swap3A_29], %swap3A_32 {strides = array<i32>} : memref<640xf32, #tpu.memory_space<vmem>>, vector<16xf32>,
    %broadcast_in_dim3A_33 = arith.constant 1.000000e+00 : f32
    %broadcast_in_dim3A_34 = vector.broadcast %broadcast_in_dim3A_33 : f32 to vector<16xf32>
    %mul3A_35 = vector.broadcast %select_n3A : f32 to vector<16xf32>
    %mul3A_36 = arith.mulf %broadcast_in_dim3A_34, %mul3A_35 : vector<16xf32>
    %swap3A_37 = arith.constant 64 : index
    %swap3A_38 = tpu.vector_load %arg6[%swap3A_37] {strides = array<i32>} : memref<640xf32, #tpu.memory_space<vmem>>, vector<16xf32>,
    %swap3A_39 = vector.shape_cast %swap3A_38 : vector<16xf32> to vector<16xf32>
    %swap3A_40 = vector.shape_cast %mul3A_36 : vector<16xf32> to vector<16xf32>
    tpu.vector_store %arg6[%swap3A_37], %swap3A_40 {strides = array<i32>} : memref<640xf32, #tpu.memory_space<vmem>>, vector<16xf32>,
    %broadcast_in_dim3A_41 = arith.constant 1.000000e+00 : f32
    %broadcast_in_dim3A_42 = vector.broadcast %broadcast_in_dim3A_41 : f32 to vector<16xf32>
    %mul3A_43 = vector.broadcast %select_n3A : f32 to vector<16xf32>
    %mul3A_44 = arith.mulf %broadcast_in_dim3A_42, %mul3A_43 : vector<16xf32>
    %swap3A_45 = arith.constant 80 : index
    %swap3A_46 = tpu.vector_load %arg6[%swap3A_45] {strides = array<i32>} : memref<640xf32, #tpu.memory_space<vmem>>, vector<16xf32>,
    %swap3A_47 = vector.shape_cast %swap3A_46 : vector<16xf32> to vector<16xf32>
    %swap3A_48 = vector.shape_cast %mul3A_44 : vector<16xf32> to vector<16xf32>
    tpu.vector_store %arg6[%swap3A_45], %swap3A_48 {strides = array<i32>} : memref<640xf32, #tpu.memory_space<vmem>>, vector<16xf32>,
    %broadcast_in_dim3A_49 = arith.constant 1.000000e+00 : f32
    %broadcast_in_dim3A_50 = vector.broadcast %broadcast_in_dim3A_49 : f32 to vector<16xf32>
    %mul3A_51 = vector.broadcast %select_n3A : f32 to vector<16xf32>
    %mul3A_52 = arith.mulf %broadcast_in_dim3A_50, %mul3A_51 : vector<16xf32>
    %swap3A_53 = arith.constant 96 : index
    %swap3A_54 = tpu.vector_load %arg6[%swap3A_53] {strides = array<i32>} : memref<640xf32, #tpu.memory_space<vmem>>, vector<16xf32>,
    %swap3A_55 = vector.shape_cast %swap3A_54 : vector<16xf32> to vector<16xf32>
    %swap3A_56 = vector.shape_cast %mul3A_52 : vector<16xf32> to vector<16xf32>
    tpu.vector_store %arg6[%swap3A_53], %swap3A_56 {strides = array<i32>} : memref<640xf32, #tpu.memory_space<vmem>>, vector<16xf32>,
    %broadcast_in_dim3A_57 = arith.constant 1.000000e+00 : f32
    %broadcast_in_dim3A_58 = vector.broadcast %broadcast_in_dim3A_57 : f32 to vector<16xf32>
    %mul3A_59 = vector.broadcast %select_n3A : f32 to vector<16xf32>
    %mul3A_60 = arith.mulf %broadcast_in_dim3A_58, %mul3A_59 : vector<16xf32>
    %swap3A_61 = arith.constant 112 : index
    %swap3A_62 = tpu.vector_load %arg6[%swap3A_61] {strides = array<i32>} : memref<640xf32, #tpu.memory_space<vmem>>, vector<16xf32>,
    %swap3A_63 = vector.shape_cast %swap3A_62 : vector<16xf32> to vector<16xf32>
    %swap3A_64 = vector.shape_cast %mul3A_60 : vector<16xf32> to vector<16xf32>
    tpu.vector_store %arg6[%swap3A_61], %swap3A_64 {strides = array<i32>} : memref<640xf32, #tpu.memory_space<vmem>>, vector<16xf32>,
    %broadcast_in_dim3A_65 = arith.constant 1.000000e+00 : f32
    %broadcast_in_dim3A_66 = vector.broadcast %broadcast_in_dim3A_65 : f32 to vector<16xf32>
    %mul3A_67 = vector.broadcast %select_n3A : f32 to vector<16xf32>
    %mul3A_68 = arith.mulf %broadcast_in_dim3A_66, %mul3A_67 : vector<16xf32>
    %swap3A_69 = arith.constant 128 : index
    %swap3A_70 = tpu.vector_load %arg6[%swap3A_69] {strides = array<i32>} : memref<640xf32, #tpu.memory_space<vmem>>, vector<16xf32>,
    %swap3A_71 = vector.shape_cast %swap3A_70 : vector<16xf32> to vector<16xf32>
    %swap3A_72 = vector.shape_cast %mul3A_68 : vector<16xf32> to vector<16xf32>
    tpu.vector_store %arg6[%swap3A_69], %swap3A_72 {strides = array<i32>} : memref<640xf32, #tpu.memory_space<vmem>>, vector<16xf32>,
    %broadcast_in_dim3A_73 = arith.constant 1.000000e+00 : f32
    %broadcast_in_dim3A_74 = vector.broadcast %broadcast_in_dim3A_73 : f32 to vector<16xf32>
    %mul3A_75 = vector.broadcast %select_n3A : f32 to vector<16xf32>
    %mul3A_76 = arith.mulf %broadcast_in_dim3A_74, %mul3A_75 : vector<16xf32>
    %swap3A_77 = arith.constant 144 : index
    %swap3A_78 = tpu.vector_load %arg6[%swap3A_77] {strides = array<i32>} : memref<640xf32, #tpu.memory_space<vmem>>, vector<16xf32>,
    %swap3A_79 = vector.shape_cast %swap3A_78 : vector<16xf32> to vector<16xf32>
    %swap3A_80 = vector.shape_cast %mul3A_76 : vector<16xf32> to vector<16xf32>
    tpu.vector_store %arg6[%swap3A_77], %swap3A_80 {strides = array<i32>} : memref<640xf32, #tpu.memory_space<vmem>>, vector<16xf32>,
    %broadcast_in_dim3A_81 = arith.constant 1.000000e+00 : f32
    %broadcast_in_dim3A_82 = vector.broadcast %broadcast_in_dim3A_81 : f32 to vector<16xf32>
    %mul3A_83 = vector.broadcast %select_n3A : f32 to vector<16xf32>
    %mul3A_84 = arith.mulf %broadcast_in_dim3A_82, %mul3A_83 : vector<16xf32>
    %swap3A_85 = arith.constant 160 : index
    %swap3A_86 = tpu.vector_load %arg6[%swap3A_85] {strides = array<i32>} : memref<640xf32, #tpu.memory_space<vmem>>, vector<16xf32>,
    %swap3A_87 = vector.shape_cast %swap3A_86 : vector<16xf32> to vector<16xf32>
    %swap3A_88 = vector.shape_cast %mul3A_84 : vector<16xf32> to vector<16xf32>
    tpu.vector_store %arg6[%swap3A_85], %swap3A_88 {strides = array<i32>} : memref<640xf32, #tpu.memory_space<vmem>>, vector<16xf32>,
    %broadcast_in_dim3A_89 = arith.constant 1.000000e+00 : f32
    %broadcast_in_dim3A_90 = vector.broadcast %broadcast_in_dim3A_89 : f32 to vector<16xf32>
    %mul3A_91 = vector.broadcast %select_n3A : f32 to vector<16xf32>
    %mul3A_92 = arith.mulf %broadcast_in_dim3A_90, %mul3A_91 : vector<16xf32>
    %swap3A_93 = arith.constant 176 : index
    %swap3A_94 = tpu.vector_load %arg6[%swap3A_93] {strides = array<i32>} : memref<640xf32, #tpu.memory_space<vmem>>, vector<16xf32>,
    %swap3A_95 = vector.shape_cast %swap3A_94 : vector<16xf32> to vector<16xf32>
    %swap3A_96 = vector.shape_cast %mul3A_92 : vector<16xf32> to vector<16xf32>
    tpu.vector_store %arg6[%swap3A_93], %swap3A_96 {strides = array<i32>} : memref<640xf32, #tpu.memory_space<vmem>>, vector<16xf32>,
    %broadcast_in_dim3A_97 = arith.constant 1.000000e+00 : f32
    %broadcast_in_dim3A_98 = vector.broadcast %broadcast_in_dim3A_97 : f32 to vector<16xf32>
    %mul3A_99 = vector.broadcast %select_n3A : f32 to vector<16xf32>
    %mul3A_100 = arith.mulf %broadcast_in_dim3A_98, %mul3A_99 : vector<16xf32>
    %swap3A_101 = arith.constant 192 : index
    %swap3A_102 = tpu.vector_load %arg6[%swap3A_101] {strides = array<i32>} : memref<640xf32, #tpu.memory_space<vmem>>, vector<16xf32>,
    %swap3A_103 = vector.shape_cast %swap3A_102 : vector<16xf32> to vector<16xf32>
    %swap3A_104 = vector.shape_cast %mul3A_100 : vector<16xf32> to vector<16xf32>
    tpu.vector_store %arg6[%swap3A_101], %swap3A_104 {strides = array<i32>} : memref<640xf32, #tpu.memory_space<vmem>>, vector<16xf32>,
    %broadcast_in_dim3A_105 = arith.constant 1.000000e+00 : f32
    %broadcast_in_dim3A_106 = vector.broadcast %broadcast_in_dim3A_105 : f32 to vector<16xf32>
    %mul3A_107 = vector.broadcast %select_n3A : f32 to vector<16xf32>
    %mul3A_108 = arith.mulf %broadcast_in_dim3A_106, %mul3A_107 : vector<16xf32>
    %swap3A_109 = arith.constant 208 : index
    %swap3A_110 = tpu.vector_load %arg6[%swap3A_109] {strides = array<i32>} : memref<640xf32, #tpu.memory_space<vmem>>, vector<16xf32>,
    %swap3A_111 = vector.shape_cast %swap3A_110 : vector<16xf32> to vector<16xf32>
    %swap3A_112 = vector.shape_cast %mul3A_108 : vector<16xf32> to vector<16xf32>
    tpu.vector_store %arg6[%swap3A_109], %swap3A_112 {strides = array<i32>} : memref<640xf32, #tpu.memory_space<vmem>>, vector<16xf32>,
    %broadcast_in_dim3A_113 = arith.constant 1.000000e+00 : f32
    %broadcast_in_dim3A_114 = vector.broadcast %broadcast_in_dim3A_113 : f32 to vector<16xf32>
    %mul3A_115 = vector.broadcast %select_n3A : f32 to vector<16xf32>
    %mul3A_116 = arith.mulf %broadcast_in_dim3A_114, %mul3A_115 : vector<16xf32>
    %swap3A_117 = arith.constant 224 : index
    %swap3A_118 = tpu.vector_load %arg6[%swap3A_117] {strides = array<i32>} : memref<640xf32, #tpu.memory_space<vmem>>, vector<16xf32>,
    %swap3A_119 = vector.shape_cast %swap3A_118 : vector<16xf32> to vector<16xf32>
    %swap3A_120 = vector.shape_cast %mul3A_116 : vector<16xf32> to vector<16xf32>
    tpu.vector_store %arg6[%swap3A_117], %swap3A_120 {strides = array<i32>} : memref<640xf32, #tpu.memory_space<vmem>>, vector<16xf32>,
    %broadcast_in_dim3A_121 = arith.constant 1.000000e+00 : f32
    %broadcast_in_dim3A_122 = vector.broadcast %broadcast_in_dim3A_121 : f32 to vector<16xf32>
    %mul3A_123 = vector.broadcast %select_n3A : f32 to vector<16xf32>
    %mul3A_124 = arith.mulf %broadcast_in_dim3A_122, %mul3A_123 : vector<16xf32>
    %swap3A_125 = arith.constant 240 : index
    %swap3A_126 = tpu.vector_load %arg6[%swap3A_125] {strides = array<i32>} : memref<640xf32, #tpu.memory_space<vmem>>, vector<16xf32>,
    %swap3A_127 = vector.shape_cast %swap3A_126 : vector<16xf32> to vector<16xf32>
    %swap3A_128 = vector.shape_cast %mul3A_124 : vector<16xf32> to vector<16xf32>
    tpu.vector_store %arg6[%swap3A_125], %swap3A_128 {strides = array<i32>} : memref<640xf32, #tpu.memory_space<vmem>>, vector<16xf32>,
    %broadcast_in_dim3A_129 = arith.constant 1.000000e+00 : f32
    %broadcast_in_dim3A_130 = vector.broadcast %broadcast_in_dim3A_129 : f32 to vector<16xf32>
    %mul3A_131 = vector.broadcast %select_n3A : f32 to vector<16xf32>
    %mul3A_132 = arith.mulf %broadcast_in_dim3A_130, %mul3A_131 : vector<16xf32>
    %swap3A_133 = arith.constant 256 : index
    %swap3A_134 = tpu.vector_load %arg6[%swap3A_133] {strides = array<i32>} : memref<640xf32, #tpu.memory_space<vmem>>, vector<16xf32>,
    %swap3A_135 = vector.shape_cast %swap3A_134 : vector<16xf32> to vector<16xf32>
    %swap3A_136 = vector.shape_cast %mul3A_132 : vector<16xf32> to vector<16xf32>
    tpu.vector_store %arg6[%swap3A_133], %swap3A_136 {strides = array<i32>} : memref<640xf32, #tpu.memory_space<vmem>>, vector<16xf32>,
    %broadcast_in_dim3A_137 = arith.constant 1.000000e+00 : f32
    %broadcast_in_dim3A_138 = vector.broadcast %broadcast_in_dim3A_137 : f32 to vector<16xf32>
    %mul3A_139 = vector.broadcast %select_n3A : f32 to vector<16xf32>
    %mul3A_140 = arith.mulf %broadcast_in_dim3A_138, %mul3A_139 : vector<16xf32>
    %swap3A_141 = arith.constant 272 : index
    %swap3A_142 = tpu.vector_load %arg6[%swap3A_141] {strides = array<i32>} : memref<640xf32, #tpu.memory_space<vmem>>, vector<16xf32>,
    %swap3A_143 = vector.shape_cast %swap3A_142 : vector<16xf32> to vector<16xf32>
    %swap3A_144 = vector.shape_cast %mul3A_140 : vector<16xf32> to vector<16xf32>
    tpu.vector_store %arg6[%swap3A_141], %swap3A_144 {strides = array<i32>} : memref<640xf32, #tpu.memory_space<vmem>>, vector<16xf32>,
    %broadcast_in_dim3A_145 = arith.constant 1.000000e+00 : f32
    %broadcast_in_dim3A_146 = vector.broadcast %broadcast_in_dim3A_145 : f32 to vector<16xf32>
    %mul3A_147 = vector.broadcast %select_n3A : f32 to vector<16xf32>
    %mul3A_148 = arith.mulf %broadcast_in_dim3A_146, %mul3A_147 : vector<16xf32>
    %swap3A_149 = arith.constant 288 : index
    %swap3A_150 = tpu.vector_load %arg6[%swap3A_149] {strides = array<i32>} : memref<640xf32, #tpu.memory_space<vmem>>, vector<16xf32>,
    %swap3A_151 = vector.shape_cast %swap3A_150 : vector<16xf32> to vector<16xf32>
    %swap3A_152 = vector.shape_cast %mul3A_148 : vector<16xf32> to vector<16xf32>
    tpu.vector_store %arg6[%swap3A_149], %swap3A_152 {strides = array<i32>} : memref<640xf32, #tpu.memory_space<vmem>>, vector<16xf32>,
    %broadcast_in_dim3A_153 = arith.constant 1.000000e+00 : f32
    %broadcast_in_dim3A_154 = vector.broadcast %broadcast_in_dim3A_153 : f32 to vector<16xf32>
    %mul3A_155 = vector.broadcast %select_n3A : f32 to vector<16xf32>
    %mul3A_156 = arith.mulf %broadcast_in_dim3A_154, %mul3A_155 : vector<16xf32>
    %swap3A_157 = arith.constant 304 : index
    %swap3A_158 = tpu.vector_load %arg6[%swap3A_157] {strides = array<i32>} : memref<640xf32, #tpu.memory_space<vmem>>, vector<16xf32>,
    %swap3A_159 = vector.shape_cast %swap3A_158 : vector<16xf32> to vector<16xf32>
    %swap3A_160 = vector.shape_cast %mul3A_156 : vector<16xf32> to vector<16xf32>
    tpu.vector_store %arg6[%swap3A_157], %swap3A_160 {strides = array<i32>} : memref<640xf32, #tpu.memory_space<vmem>>, vector<16xf32>,
    %broadcast_in_dim3A_161 = arith.constant 1.000000e+00 : f32
    %broadcast_in_dim3A_162 = vector.broadcast %broadcast_in_dim3A_161 : f32 to vector<16xf32>
    %mul3A_163 = vector.broadcast %select_n3A : f32 to vector<16xf32>
    %mul3A_164 = arith.mulf %broadcast_in_dim3A_162, %mul3A_163 : vector<16xf32>
    %swap3A_165 = arith.constant 320 : index
    %swap3A_166 = tpu.vector_load %arg6[%swap3A_165] {strides = array<i32>} : memref<640xf32, #tpu.memory_space<vmem>>, vector<16xf32>,
    %swap3A_167 = vector.shape_cast %swap3A_166 : vector<16xf32> to vector<16xf32>
    %swap3A_168 = vector.shape_cast %mul3A_164 : vector<16xf32> to vector<16xf32>
    tpu.vector_store %arg6[%swap3A_165], %swap3A_168 {strides = array<i32>} : memref<640xf32, #tpu.memory_space<vmem>>, vector<16xf32>,
    %broadcast_in_dim3A_169 = arith.constant 1.000000e+00 : f32
    %broadcast_in_dim3A_170 = vector.broadcast %broadcast_in_dim3A_169 : f32 to vector<16xf32>
    %mul3A_171 = vector.broadcast %select_n3A : f32 to vector<16xf32>
    %mul3A_172 = arith.mulf %broadcast_in_dim3A_170, %mul3A_171 : vector<16xf32>
    %swap3A_173 = arith.constant 336 : index
    %swap3A_174 = tpu.vector_load %arg6[%swap3A_173] {strides = array<i32>} : memref<640xf32, #tpu.memory_space<vmem>>, vector<16xf32>,
    %swap3A_175 = vector.shape_cast %swap3A_174 : vector<16xf32> to vector<16xf32>
    %swap3A_176 = vector.shape_cast %mul3A_172 : vector<16xf32> to vector<16xf32>
    tpu.vector_store %arg6[%swap3A_173], %swap3A_176 {strides = array<i32>} : memref<640xf32, #tpu.memory_space<vmem>>, vector<16xf32>,
    %broadcast_in_dim3A_177 = arith.constant 1.000000e+00 : f32
    %broadcast_in_dim3A_178 = vector.broadcast %broadcast_in_dim3A_177 : f32 to vector<16xf32>
    %mul3A_179 = vector.broadcast %select_n3A : f32 to vector<16xf32>
    %mul3A_180 = arith.mulf %broadcast_in_dim3A_178, %mul3A_179 : vector<16xf32>
    %swap3A_181 = arith.constant 352 : index
    %swap3A_182 = tpu.vector_load %arg6[%swap3A_181] {strides = array<i32>} : memref<640xf32, #tpu.memory_space<vmem>>, vector<16xf32>,
    %swap3A_183 = vector.shape_cast %swap3A_182 : vector<16xf32> to vector<16xf32>
    %swap3A_184 = vector.shape_cast %mul3A_180 : vector<16xf32> to vector<16xf32>
    tpu.vector_store %arg6[%swap3A_181], %swap3A_184 {strides = array<i32>} : memref<640xf32, #tpu.memory_space<vmem>>, vector<16xf32>,
    %broadcast_in_dim3A_185 = arith.constant 1.000000e+00 : f32
    %broadcast_in_dim3A_186 = vector.broadcast %broadcast_in_dim3A_185 : f32 to vector<16xf32>
    %mul3A_187 = vector.broadcast %select_n3A : f32 to vector<16xf32>
    %mul3A_188 = arith.mulf %broadcast_in_dim3A_186, %mul3A_187 : vector<16xf32>
    %swap3A_189 = arith.constant 368 : index
    %swap3A_190 = tpu.vector_load %arg6[%swap3A_189] {strides = array<i32>} : memref<640xf32, #tpu.memory_space<vmem>>, vector<16xf32>,
    %swap3A_191 = vector.shape_cast %swap3A_190 : vector<16xf32> to vector<16xf32>
    %swap3A_192 = vector.shape_cast %mul3A_188 : vector<16xf32> to vector<16xf32>
    tpu.vector_store %arg6[%swap3A_189], %swap3A_192 {strides = array<i32>} : memref<640xf32, #tpu.memory_space<vmem>>, vector<16xf32>,
    %broadcast_in_dim3A_193 = arith.constant 1.000000e+00 : f32
    %broadcast_in_dim3A_194 = vector.broadcast %broadcast_in_dim3A_193 : f32 to vector<16xf32>
    %mul3A_195 = vector.broadcast %select_n3A : f32 to vector<16xf32>
    %mul3A_196 = arith.mulf %broadcast_in_dim3A_194, %mul3A_195 : vector<16xf32>
    %swap3A_197 = arith.constant 384 : index
    %swap3A_198 = tpu.vector_load %arg6[%swap3A_197] {strides = array<i32>} : memref<640xf32, #tpu.memory_space<vmem>>, vector<16xf32>,
    %swap3A_199 = vector.shape_cast %swap3A_198 : vector<16xf32> to vector<16xf32>
    %swap3A_200 = vector.shape_cast %mul3A_196 : vector<16xf32> to vector<16xf32>
    tpu.vector_store %arg6[%swap3A_197], %swap3A_200 {strides = array<i32>} : memref<640xf32, #tpu.memory_space<vmem>>, vector<16xf32>,
    %broadcast_in_dim3A_201 = arith.constant 1.000000e+00 : f32
    %broadcast_in_dim3A_202 = vector.broadcast %broadcast_in_dim3A_201 : f32 to vector<16xf32>
    %mul3A_203 = vector.broadcast %select_n3A : f32 to vector<16xf32>
    %mul3A_204 = arith.mulf %broadcast_in_dim3A_202, %mul3A_203 : vector<16xf32>
    %swap3A_205 = arith.constant 400 : index
    %swap3A_206 = tpu.vector_load %arg6[%swap3A_205] {strides = array<i32>} : memref<640xf32, #tpu.memory_space<vmem>>, vector<16xf32>,
    %swap3A_207 = vector.shape_cast %swap3A_206 : vector<16xf32> to vector<16xf32>
    %swap3A_208 = vector.shape_cast %mul3A_204 : vector<16xf32> to vector<16xf32>
    tpu.vector_store %arg6[%swap3A_205], %swap3A_208 {strides = array<i32>} : memref<640xf32, #tpu.memory_space<vmem>>, vector<16xf32>,
    %broadcast_in_dim3A_209 = arith.constant 1.000000e+00 : f32
    %broadcast_in_dim3A_210 = vector.broadcast %broadcast_in_dim3A_209 : f32 to vector<16xf32>
    %mul3A_211 = vector.broadcast %select_n3A : f32 to vector<16xf32>
    %mul3A_212 = arith.mulf %broadcast_in_dim3A_210, %mul3A_211 : vector<16xf32>
    %swap3A_213 = arith.constant 416 : index
    %swap3A_214 = tpu.vector_load %arg6[%swap3A_213] {strides = array<i32>} : memref<640xf32, #tpu.memory_space<vmem>>, vector<16xf32>,
    %swap3A_215 = vector.shape_cast %swap3A_214 : vector<16xf32> to vector<16xf32>
    %swap3A_216 = vector.shape_cast %mul3A_212 : vector<16xf32> to vector<16xf32>
    tpu.vector_store %arg6[%swap3A_213], %swap3A_216 {strides = array<i32>} : memref<640xf32, #tpu.memory_space<vmem>>, vector<16xf32>,
    %broadcast_in_dim3A_217 = arith.constant 1.000000e+00 : f32
    %broadcast_in_dim3A_218 = vector.broadcast %broadcast_in_dim3A_217 : f32 to vector<16xf32>
    %mul3A_219 = vector.broadcast %select_n3A : f32 to vector<16xf32>
    %mul3A_220 = arith.mulf %broadcast_in_dim3A_218, %mul3A_219 : vector<16xf32>
    %swap3A_221 = arith.constant 432 : index
    %swap3A_222 = tpu.vector_load %arg6[%swap3A_221] {strides = array<i32>} : memref<640xf32, #tpu.memory_space<vmem>>, vector<16xf32>,
    %swap3A_223 = vector.shape_cast %swap3A_222 : vector<16xf32> to vector<16xf32>
    %swap3A_224 = vector.shape_cast %mul3A_220 : vector<16xf32> to vector<16xf32>
    tpu.vector_store %arg6[%swap3A_221], %swap3A_224 {strides = array<i32>} : memref<640xf32, #tpu.memory_space<vmem>>, vector<16xf32>,
    %broadcast_in_dim3A_225 = arith.constant 1.000000e+00 : f32
    %broadcast_in_dim3A_226 = vector.broadcast %broadcast_in_dim3A_225 : f32 to vector<16xf32>
    %mul3A_227 = vector.broadcast %select_n3A : f32 to vector<16xf32>
    %mul3A_228 = arith.mulf %broadcast_in_dim3A_226, %mul3A_227 : vector<16xf32>
    %swap3A_229 = arith.constant 448 : index
    %swap3A_230 = tpu.vector_load %arg6[%swap3A_229] {strides = array<i32>} : memref<640xf32, #tpu.memory_space<vmem>>, vector<16xf32>,
    %swap3A_231 = vector.shape_cast %swap3A_230 : vector<16xf32> to vector<16xf32>
    %swap3A_232 = vector.shape_cast %mul3A_228 : vector<16xf32> to vector<16xf32>
    tpu.vector_store %arg6[%swap3A_229], %swap3A_232 {strides = array<i32>} : memref<640xf32, #tpu.memory_space<vmem>>, vector<16xf32>,
    %broadcast_in_dim3A_233 = arith.constant 1.000000e+00 : f32
    %broadcast_in_dim3A_234 = vector.broadcast %broadcast_in_dim3A_233 : f32 to vector<16xf32>
    %mul3A_235 = vector.broadcast %select_n3A : f32 to vector<16xf32>
    %mul3A_236 = arith.mulf %broadcast_in_dim3A_234, %mul3A_235 : vector<16xf32>
    %swap3A_237 = arith.constant 464 : index
    %swap3A_238 = tpu.vector_load %arg6[%swap3A_237] {strides = array<i32>} : memref<640xf32, #tpu.memory_space<vmem>>, vector<16xf32>,
    %swap3A_239 = vector.shape_cast %swap3A_238 : vector<16xf32> to vector<16xf32>
    %swap3A_240 = vector.shape_cast %mul3A_236 : vector<16xf32> to vector<16xf32>
    tpu.vector_store %arg6[%swap3A_237], %swap3A_240 {strides = array<i32>} : memref<640xf32, #tpu.memory_space<vmem>>, vector<16xf32>,
    %broadcast_in_dim3A_241 = arith.constant 1.000000e+00 : f32
    %broadcast_in_dim3A_242 = vector.broadcast %broadcast_in_dim3A_241 : f32 to vector<16xf32>
    %mul3A_243 = vector.broadcast %select_n3A : f32 to vector<16xf32>
    %mul3A_244 = arith.mulf %broadcast_in_dim3A_242, %mul3A_243 : vector<16xf32>
    %swap3A_245 = arith.constant 480 : index
    %swap3A_246 = tpu.vector_load %arg6[%swap3A_245] {strides = array<i32>} : memref<640xf32, #tpu.memory_space<vmem>>, vector<16xf32>,
    %swap3A_247 = vector.shape_cast %swap3A_246 : vector<16xf32> to vector<16xf32>
    %swap3A_248 = vector.shape_cast %mul3A_244 : vector<16xf32> to vector<16xf32>
    tpu.vector_store %arg6[%swap3A_245], %swap3A_248 {strides = array<i32>} : memref<640xf32, #tpu.memory_space<vmem>>, vector<16xf32>,
    %broadcast_in_dim3A_249 = arith.constant 1.000000e+00 : f32
    %broadcast_in_dim3A_250 = vector.broadcast %broadcast_in_dim3A_249 : f32 to vector<16xf32>
    %mul3A_251 = vector.broadcast %select_n3A : f32 to vector<16xf32>
    %mul3A_252 = arith.mulf %broadcast_in_dim3A_250, %mul3A_251 : vector<16xf32>
    %swap3A_253 = arith.constant 496 : index
    %swap3A_254 = tpu.vector_load %arg6[%swap3A_253] {strides = array<i32>} : memref<640xf32, #tpu.memory_space<vmem>>, vector<16xf32>,
    %swap3A_255 = vector.shape_cast %swap3A_254 : vector<16xf32> to vector<16xf32>
    %swap3A_256 = vector.shape_cast %mul3A_252 : vector<16xf32> to vector<16xf32>
    tpu.vector_store %arg6[%swap3A_253], %swap3A_256 {strides = array<i32>} : memref<640xf32, #tpu.memory_space<vmem>>, vector<16xf32>,
    %broadcast_in_dim3A_257 = arith.constant 1.000000e+00 : f32
    %broadcast_in_dim3A_258 = vector.broadcast %broadcast_in_dim3A_257 : f32 to vector<16xf32>
    %mul3A_259 = vector.broadcast %select_n3A : f32 to vector<16xf32>
    %mul3A_260 = arith.mulf %broadcast_in_dim3A_258, %mul3A_259 : vector<16xf32>
    %swap3A_261 = arith.constant 512 : index
    %swap3A_262 = tpu.vector_load %arg6[%swap3A_261] {strides = array<i32>} : memref<640xf32, #tpu.memory_space<vmem>>, vector<16xf32>,
    %swap3A_263 = vector.shape_cast %swap3A_262 : vector<16xf32> to vector<16xf32>
    %swap3A_264 = vector.shape_cast %mul3A_260 : vector<16xf32> to vector<16xf32>
    tpu.vector_store %arg6[%swap3A_261], %swap3A_264 {strides = array<i32>} : memref<640xf32, #tpu.memory_space<vmem>>, vector<16xf32>,
    %broadcast_in_dim3A_265 = arith.constant 1.000000e+00 : f32
    %broadcast_in_dim3A_266 = vector.broadcast %broadcast_in_dim3A_265 : f32 to vector<16xf32>
    %mul3A_267 = vector.broadcast %select_n3A : f32 to vector<16xf32>
    %mul3A_268 = arith.mulf %broadcast_in_dim3A_266, %mul3A_267 : vector<16xf32>
    %swap3A_269 = arith.constant 528 : index
    %swap3A_270 = tpu.vector_load %arg6[%swap3A_269] {strides = array<i32>} : memref<640xf32, #tpu.memory_space<vmem>>, vector<16xf32>,
    %swap3A_271 = vector.shape_cast %swap3A_270 : vector<16xf32> to vector<16xf32>
    %swap3A_272 = vector.shape_cast %mul3A_268 : vector<16xf32> to vector<16xf32>
    tpu.vector_store %arg6[%swap3A_269], %swap3A_272 {strides = array<i32>} : memref<640xf32, #tpu.memory_space<vmem>>, vector<16xf32>,
    %broadcast_in_dim3A_273 = arith.constant 1.000000e+00 : f32
    %broadcast_in_dim3A_274 = vector.broadcast %broadcast_in_dim3A_273 : f32 to vector<16xf32>
    %mul3A_275 = vector.broadcast %select_n3A : f32 to vector<16xf32>
    %mul3A_276 = arith.mulf %broadcast_in_dim3A_274, %mul3A_275 : vector<16xf32>
    %swap3A_277 = arith.constant 544 : index
    %swap3A_278 = tpu.vector_load %arg6[%swap3A_277] {strides = array<i32>} : memref<640xf32, #tpu.memory_space<vmem>>, vector<16xf32>,
    %swap3A_279 = vector.shape_cast %swap3A_278 : vector<16xf32> to vector<16xf32>
    %swap3A_280 = vector.shape_cast %mul3A_276 : vector<16xf32> to vector<16xf32>
    tpu.vector_store %arg6[%swap3A_277], %swap3A_280 {strides = array<i32>} : memref<640xf32, #tpu.memory_space<vmem>>, vector<16xf32>,
    %broadcast_in_dim3A_281 = arith.constant 1.000000e+00 : f32
    %broadcast_in_dim3A_282 = vector.broadcast %broadcast_in_dim3A_281 : f32 to vector<16xf32>
    %mul3A_283 = vector.broadcast %select_n3A : f32 to vector<16xf32>
    %mul3A_284 = arith.mulf %broadcast_in_dim3A_282, %mul3A_283 : vector<16xf32>
    %swap3A_285 = arith.constant 560 : index
    %swap3A_286 = tpu.vector_load %arg6[%swap3A_285] {strides = array<i32>} : memref<640xf32, #tpu.memory_space<vmem>>, vector<16xf32>,
    %swap3A_287 = vector.shape_cast %swap3A_286 : vector<16xf32> to vector<16xf32>
    %swap3A_288 = vector.shape_cast %mul3A_284 : vector<16xf32> to vector<16xf32>
    tpu.vector_store %arg6[%swap3A_285], %swap3A_288 {strides = array<i32>} : memref<640xf32, #tpu.memory_space<vmem>>, vector<16xf32>,
    %broadcast_in_dim3A_289 = arith.constant 1.000000e+00 : f32
    %broadcast_in_dim3A_290 = vector.broadcast %broadcast_in_dim3A_289 : f32 to vector<16xf32>
    %mul3A_291 = vector.broadcast %select_n3A : f32 to vector<16xf32>
    %mul3A_292 = arith.mulf %broadcast_in_dim3A_290, %mul3A_291 : vector<16xf32>
    %swap3A_293 = arith.constant 576 : index
    %swap3A_294 = tpu.vector_load %arg6[%swap3A_293] {strides = array<i32>} : memref<640xf32, #tpu.memory_space<vmem>>, vector<16xf32>,
    %swap3A_295 = vector.shape_cast %swap3A_294 : vector<16xf32> to vector<16xf32>
    %swap3A_296 = vector.shape_cast %mul3A_292 : vector<16xf32> to vector<16xf32>
    tpu.vector_store %arg6[%swap3A_293], %swap3A_296 {strides = array<i32>} : memref<640xf32, #tpu.memory_space<vmem>>, vector<16xf32>,
    %broadcast_in_dim3A_297 = arith.constant 1.000000e+00 : f32
    %broadcast_in_dim3A_298 = vector.broadcast %broadcast_in_dim3A_297 : f32 to vector<16xf32>
    %mul3A_299 = vector.broadcast %select_n3A : f32 to vector<16xf32>
    %mul3A_300 = arith.mulf %broadcast_in_dim3A_298, %mul3A_299 : vector<16xf32>
    %swap3A_301 = arith.constant 592 : index
    %swap3A_302 = tpu.vector_load %arg6[%swap3A_301] {strides = array<i32>} : memref<640xf32, #tpu.memory_space<vmem>>, vector<16xf32>,
    %swap3A_303 = vector.shape_cast %swap3A_302 : vector<16xf32> to vector<16xf32>
    %swap3A_304 = vector.shape_cast %mul3A_300 : vector<16xf32> to vector<16xf32>
    tpu.vector_store %arg6[%swap3A_301], %swap3A_304 {strides = array<i32>} : memref<640xf32, #tpu.memory_space<vmem>>, vector<16xf32>,
    %broadcast_in_dim3A_305 = arith.constant 1.000000e+00 : f32
    %broadcast_in_dim3A_306 = vector.broadcast %broadcast_in_dim3A_305 : f32 to vector<16xf32>
    %mul3A_307 = vector.broadcast %select_n3A : f32 to vector<16xf32>
    %mul3A_308 = arith.mulf %broadcast_in_dim3A_306, %mul3A_307 : vector<16xf32>
    %swap3A_309 = arith.constant 608 : index
    %swap3A_310 = tpu.vector_load %arg6[%swap3A_309] {strides = array<i32>} : memref<640xf32, #tpu.memory_space<vmem>>, vector<16xf32>,
    %swap3A_311 = vector.shape_cast %swap3A_310 : vector<16xf32> to vector<16xf32>
    %swap3A_312 = vector.shape_cast %mul3A_308 : vector<16xf32> to vector<16xf32>
    tpu.vector_store %arg6[%swap3A_309], %swap3A_312 {strides = array<i32>} : memref<640xf32, #tpu.memory_space<vmem>>, vector<16xf32>,
    %broadcast_in_dim3A_313 = arith.constant 1.000000e+00 : f32
    %broadcast_in_dim3A_314 = vector.broadcast %broadcast_in_dim3A_313 : f32 to vector<16xf32>
    %mul3A_315 = vector.broadcast %select_n3A : f32 to vector<16xf32>
    %mul3A_316 = arith.mulf %broadcast_in_dim3A_314, %mul3A_315 : vector<16xf32>
    %swap3A_317 = arith.constant 624 : index
    %swap3A_318 = tpu.vector_load %arg6[%swap3A_317] {strides = array<i32>} : memref<640xf32, #tpu.memory_space<vmem>>, vector<16xf32>,
    %swap3A_319 = vector.shape_cast %swap3A_318 : vector<16xf32> to vector<16xf32>
    %swap3A_320 = vector.shape_cast %mul3A_316 : vector<16xf32> to vector<16xf32>
    tpu.vector_store %arg6[%swap3A_317], %swap3A_320 {strides = array<i32>} : memref<640xf32, #tpu.memory_space<vmem>>, vector<16xf32>,
    %broadcast_in_dim3A_321 = arith.constant 1.000000e+00 : f32
    %broadcast_in_dim3A_322 = vector.broadcast %broadcast_in_dim3A_321 : f32 to vector<16xf32>
    %swap3A_323 = arith.constant 0 : index
    %swap3A_324 = tpu.vector_load %arg5[%swap3A_323] {strides = array<i32>} : memref<96xf32, #tpu.memory_space<vmem>>, vector<16xf32>,
    %swap3A_325 = vector.shape_cast %swap3A_324 : vector<16xf32> to vector<16xf32>
    %swap3A_326 = vector.shape_cast %broadcast_in_dim3A_322 : vector<16xf32> to vector<16xf32>
    tpu.vector_store %arg5[%swap3A_323], %swap3A_326 {strides = array<i32>} : memref<96xf32, #tpu.memory_space<vmem>>, vector<16xf32>,
    %broadcast_in_dim3A_327 = arith.constant 1.000000e+00 : f32
    %broadcast_in_dim3A_328 = vector.broadcast %broadcast_in_dim3A_327 : f32 to vector<16xf32>
    %swap3A_329 = arith.constant 16 : index
    %swap3A_330 = tpu.vector_load %arg5[%swap3A_329] {strides = array<i32>} : memref<96xf32, #tpu.memory_space<vmem>>, vector<16xf32>,
    %swap3A_331 = vector.shape_cast %swap3A_330 : vector<16xf32> to vector<16xf32>
    %swap3A_332 = vector.shape_cast %broadcast_in_dim3A_328 : vector<16xf32> to vector<16xf32>
    tpu.vector_store %arg5[%swap3A_329], %swap3A_332 {strides = array<i32>} : memref<96xf32, #tpu.memory_space<vmem>>, vector<16xf32>,
    %broadcast_in_dim3A_333 = arith.constant 1.000000e+00 : f32
    %broadcast_in_dim3A_334 = vector.broadcast %broadcast_in_dim3A_333 : f32 to vector<16xf32>
    %swap3A_335 = arith.constant 32 : index
    %swap3A_336 = tpu.vector_load %arg5[%swap3A_335] {strides = array<i32>} : memref<96xf32, #tpu.memory_space<vmem>>, vector<16xf32>,
    %swap3A_337 = vector.shape_cast %swap3A_336 : vector<16xf32> to vector<16xf32>
    %swap3A_338 = vector.shape_cast %broadcast_in_dim3A_334 : vector<16xf32> to vector<16xf32>
    tpu.vector_store %arg5[%swap3A_335], %swap3A_338 {strides = array<i32>} : memref<96xf32, #tpu.memory_space<vmem>>, vector<16xf32>,
    %broadcast_in_dim3A_339 = arith.constant 1.000000e+00 : f32
    %broadcast_in_dim3A_340 = vector.broadcast %broadcast_in_dim3A_339 : f32 to vector<16xf32>
    %swap3A_341 = arith.constant 48 : index
    %swap3A_342 = tpu.vector_load %arg5[%swap3A_341] {strides = array<i32>} : memref<96xf32, #tpu.memory_space<vmem>>, vector<16xf32>,
    %swap3A_343 = vector.shape_cast %swap3A_342 : vector<16xf32> to vector<16xf32>
    %swap3A_344 = vector.shape_cast %broadcast_in_dim3A_340 : vector<16xf32> to vector<16xf32>
    tpu.vector_store %arg5[%swap3A_341], %swap3A_344 {strides = array<i32>} : memref<96xf32, #tpu.memory_space<vmem>>, vector<16xf32>,
    %broadcast_in_dim3A_345 = arith.constant 1.000000e+00 : f32
    %broadcast_in_dim3A_346 = vector.broadcast %broadcast_in_dim3A_345 : f32 to vector<16xf32>
    %swap3A_347 = arith.constant 64 : index
    %swap3A_348 = tpu.vector_load %arg5[%swap3A_347] {strides = array<i32>} : memref<96xf32, #tpu.memory_space<vmem>>, vector<16xf32>,
    %swap3A_349 = vector.shape_cast %swap3A_348 : vector<16xf32> to vector<16xf32>
    %swap3A_350 = vector.shape_cast %broadcast_in_dim3A_346 : vector<16xf32> to vector<16xf32>
    tpu.vector_store %arg5[%swap3A_347], %swap3A_350 {strides = array<i32>} : memref<96xf32, #tpu.memory_space<vmem>>, vector<16xf32>,
    %broadcast_in_dim3A_351 = arith.constant 1.000000e+00 : f32
    %broadcast_in_dim3A_352 = vector.broadcast %broadcast_in_dim3A_351 : f32 to vector<16xf32>
    %swap3A_353 = arith.constant 80 : index
    %swap3A_354 = tpu.vector_load %arg5[%swap3A_353] {strides = array<i32>} : memref<96xf32, #tpu.memory_space<vmem>>, vector<16xf32>,
    %swap3A_355 = vector.shape_cast %swap3A_354 : vector<16xf32> to vector<16xf32>
    %swap3A_356 = vector.shape_cast %broadcast_in_dim3A_352 : vector<16xf32> to vector<16xf32>
    tpu.vector_store %arg5[%swap3A_353], %swap3A_356 {strides = array<i32>} : memref<96xf32, #tpu.memory_space<vmem>>, vector<16xf32>,
    %mul3A_357 = arith.constant 640 : i32
    %mul3A_358 = arith.muli %arg1, %mul3A_357 : i32
    "tpu.region"() ({
      %run_scoped3A = tpu.sem_alloc : memref<!tpu.dma_semaphore, #tpu.memory_space<semaphore_mem>>
      %dma_start3A = tpu.memref_slice %arg7[%mul3A_358] : memref<10240xf32, #tpu.memory_space<vmem_shared>> -> memref<640xf32, #tpu.memory_space<vmem_shared>>
      %dma_start3A_369 = tpu.memref_slice %arg7[%mul3A_358] : memref<10240xf32, #tpu.memory_space<vmem_shared>> -> memref<640xf32, #tpu.memory_space<vmem_shared>>
      tpu.enqueue_dma source(%arg6 : memref<640xf32, #tpu.memory_space<vmem>>) target(%dma_start3A_369 : memref<640xf32, #tpu.memory_space<vmem_shared>>) target_semaphore(%run_scoped3A : memref<!tpu.dma_semaphore, #tpu.memory_space<semaphore_mem>>)
      %dma_wait3A = tpu.memref_slice %arg7[%mul3A_358] : memref<10240xf32, #tpu.memory_space<vmem_shared>> -> memref<640xf32, #tpu.memory_space<vmem_shared>>
      %dma_wait3A_370 = tpu.memref_slice %arg7[%mul3A_358] : memref<10240xf32, #tpu.memory_space<vmem_shared>> -> memref<640xf32, #tpu.memory_space<vmem_shared>>
      tpu.wait_dma2 semaphore(%run_scoped3A : memref<!tpu.dma_semaphore, #tpu.memory_space<semaphore_mem>>) src(%arg6 : memref<640xf32, #tpu.memory_space<vmem>>) dst(%dma_wait3A_370 : memref<640xf32, #tpu.memory_space<vmem_shared>>)
      tpu.yield
    }) : () -> ()
    "tpu.region"() ({
      %run_scoped3A = tpu.sem_alloc : memref<!tpu.dma_semaphore, #tpu.memory_space<semaphore_mem>>
      %dma_start3A = arith.constant 0 : i32
      %dma_start3A_369 = arith.constant 0 : i32
      %dma_start3A_370 = tpu.memref_slice %arg2[%add3A, %dma_start3A, %dma_start3A_369] : memref<32x105x96xi32, #tpu.memory_space<hbm>> -> memref<1x105x96xi32, #tpu.memory_space<hbm>>
      %dma_start3A_371 = tpu.memref_squeeze %dma_start3A_370 : memref<1x105x96xi32, #tpu.memory_space<hbm>> -> memref<105x96xi32, #tpu.memory_space<hbm>>
      %dma_start3A_372 = arith.constant 0 : i32
      %dma_start3A_373 = arith.constant 0 : i32
      %dma_start3A_374 = tpu.memref_slice %arg2[%add3A, %dma_start3A_372, %dma_start3A_373] : memref<32x105x96xi32, #tpu.memory_space<hbm>> -> memref<1x105x96xi32, #tpu.memory_space<hbm>>
      %dma_start3A_375 = tpu.memref_squeeze %dma_start3A_374 : memref<1x105x96xi32, #tpu.memory_space<hbm>> -> memref<105x96xi32, #tpu.memory_space<hbm>>
      tpu.enqueue_dma source(%dma_start3A_375 : memref<105x96xi32, #tpu.memory_space<hbm>>) target(%arg4 : memref<105x96xi32, #tpu.memory_space<vmem>>) target_semaphore(%run_scoped3A : memref<!tpu.dma_semaphore, #tpu.memory_space<semaphore_mem>>)
      %dma_wait3A = arith.constant 0 : i32
      %dma_wait3A_376 = arith.constant 0 : i32
      %dma_wait3A_377 = tpu.memref_slice %arg2[%add3A, %dma_wait3A, %dma_wait3A_376] : memref<32x105x96xi32, #tpu.memory_space<hbm>> -> memref<1x105x96xi32, #tpu.memory_space<hbm>>
      %dma_wait3A_378 = tpu.memref_squeeze %dma_wait3A_377 : memref<1x105x96xi32, #tpu.memory_space<hbm>> -> memref<105x96xi32, #tpu.memory_space<hbm>>
      %dma_wait3A_379 = arith.constant 0 : i32
      %dma_wait3A_380 = arith.constant 0 : i32
      %dma_wait3A_381 = tpu.memref_slice %arg2[%add3A, %dma_wait3A_379, %dma_wait3A_380] : memref<32x105x96xi32, #tpu.memory_space<hbm>> -> memref<1x105x96xi32, #tpu.memory_space<hbm>>
      %dma_wait3A_382 = tpu.memref_squeeze %dma_wait3A_381 : memref<1x105x96xi32, #tpu.memory_space<hbm>> -> memref<105x96xi32, #tpu.memory_space<hbm>>
      tpu.wait_dma2 semaphore(%run_scoped3A : memref<!tpu.dma_semaphore, #tpu.memory_space<semaphore_mem>>) src(%dma_wait3A_382 : memref<105x96xi32, #tpu.memory_space<hbm>>) dst(%arg4 : memref<105x96xi32, #tpu.memory_space<vmem>>)
      tpu.yield
    }) : () -> ()
    %barrier3A = arith.constant 0 : index
    tpu.barrier barrier_id(%barrier3A)
    %scan3A = arith.constant 0 : i32
    %scan3A_359 = arith.constant 0 : i32
    %scan3A_360 = arith.constant 105 : i32
    %scan3A_361 = arith.addi %scan3A_359, %scan3A_360 : i32
    %scan3A_362 = arith.constant 1 : i32
    scf.for %scan3A_369 = %scan3A_359 to %scan3A_361 step %scan3A_362  : i32 {
      "tpu.region"() ({
        %run_scoped3A = tpu.sem_alloc : memref<!tpu.dma_semaphore, #tpu.memory_space<semaphore_mem>>
        %dma_start3A = arith.constant 0 : i32
        %dma_start3A_370 = tpu.memref_slice %arg4[%scan3A_369, %dma_start3A] : memref<105x96xi32, #tpu.memory_space<vmem>> -> memref<1x96xi32, #tpu.memory_space<vmem>>
        %dma_start3A_371 = tpu.memref_squeeze %dma_start3A_370 : memref<1x96xi32, #tpu.memory_space<vmem>> -> memref<96xi32, #tpu.memory_space<vmem>>
        %dma_start3A_372 = arith.constant 0 : i32
        %dma_start3A_373 = tpu.memref_slice %arg7[%dma_start3A_372] : memref<10240xf32, #tpu.memory_space<vmem_shared>> -> memref<10240xf32, #tpu.memory_space<vmem_shared>>
        tpu.enqueue_indirect_dma source(%arg5 : memref<96xf32, #tpu.memory_space<vmem>>) target(%dma_start3A_373 : memref<10240xf32, #tpu.memory_space<vmem_shared>>) offsets(%dma_start3A_371 : memref<96xi32, #tpu.memory_space<vmem>>) semaphore(%run_scoped3A : memref<!tpu.dma_semaphore, #tpu.memory_space<semaphore_mem>>) {add = true}
        %dma_wait3A = arith.constant 0 : i32
        %dma_wait3A_374 = tpu.memref_slice %arg4[%scan3A_369, %dma_wait3A] : memref<105x96xi32, #tpu.memory_space<vmem>> -> memref<1x96xi32, #tpu.memory_space<vmem>>
        %dma_wait3A_375 = tpu.memref_squeeze %dma_wait3A_374 : memref<1x96xi32, #tpu.memory_space<vmem>> -> memref<96xi32, #tpu.memory_space<vmem>>
        %dma_wait3A_376 = arith.constant 0 : i32
        %dma_wait3A_377 = tpu.memref_slice %arg7[%dma_wait3A_376] : memref<10240xf32, #tpu.memory_space<vmem_shared>> -> memref<10240xf32, #tpu.memory_space<vmem_shared>>
        tpu.wait_indirect_dma semaphore(%run_scoped3A : memref<!tpu.dma_semaphore, #tpu.memory_space<semaphore_mem>>) src(%arg5 : memref<96xf32, #tpu.memory_space<vmem>>) dst(%dma_wait3A_377 : memref<10240xf32, #tpu.memory_space<vmem_shared>>)
        tpu.yield
      }) : () -> ()
    }
    %scan3A_363 = arith.constant 105 : i32
    %barrier3A_364 = arith.constant 0 : index
    tpu.barrier barrier_id(%barrier3A_364)
    %mul3A_365 = arith.constant 640 : i32
    %mul3A_366 = arith.muli %arg1, %mul3A_365 : i32
    %mul3A_367 = arith.constant 640 : i32
    %mul3A_368 = arith.muli %arg1, %mul3A_367 : i32
    "tpu.region"() ({
      %run_scoped3A = tpu.sem_alloc : memref<!tpu.dma_semaphore, #tpu.memory_space<semaphore_mem>>
      %dma_start3A = tpu.memref_slice %arg3[%arg0, %mul3A_368] : memref<2x10240xf32, #tpu.memory_space<hbm>> -> memref<1x640xf32, #tpu.memory_space<hbm>>
      %dma_start3A_369 = tpu.memref_squeeze %dma_start3A : memref<1x640xf32, #tpu.memory_space<hbm>> -> memref<640xf32, #tpu.memory_space<hbm>>
      %dma_start3A_370 = tpu.memref_slice %arg7[%mul3A_366] : memref<10240xf32, #tpu.memory_space<vmem_shared>> -> memref<640xf32, #tpu.memory_space<vmem_shared>>
      tpu.enqueue_dma source(%dma_start3A_370 : memref<640xf32, #tpu.memory_space<vmem_shared>>) target(%dma_start3A_369 : memref<640xf32, #tpu.memory_space<hbm>>) target_semaphore(%run_scoped3A : memref<!tpu.dma_semaphore, #tpu.memory_space<semaphore_mem>>)
      %dma_wait3A = tpu.memref_slice %arg3[%arg0, %mul3A_368] : memref<2x10240xf32, #tpu.memory_space<hbm>> -> memref<1x640xf32, #tpu.memory_space<hbm>>
      %dma_wait3A_371 = tpu.memref_squeeze %dma_wait3A : memref<1x640xf32, #tpu.memory_space<hbm>> -> memref<640xf32, #tpu.memory_space<hbm>>
      %dma_wait3A_372 = tpu.memref_slice %arg7[%mul3A_366] : memref<10240xf32, #tpu.memory_space<vmem_shared>> -> memref<640xf32, #tpu.memory_space<vmem_shared>>
      tpu.wait_dma2 semaphore(%run_scoped3A : memref<!tpu.dma_semaphore, #tpu.memory_space<semaphore_mem>>) src(%dma_wait3A_372 : memref<640xf32, #tpu.memory_space<vmem_shared>>) dst(%dma_wait3A_371 : memref<640xf32, #tpu.memory_space<hbm>>)
      tpu.yield
    }) : () -> ()
    return
  }
}

module attributes {stable_mosaic.version = 14 : i64} {
  func.func @_y_body(%arg0: i32, %arg1: memref<1000x128xf32, #tpu.memory_space<vmem>>, %arg2: memref<128x64xf32, #tpu.memory_space<vmem>>, %arg3: memref<128x64xf32, #tpu.memory_space<vmem>>, %arg4: memref<1000x1xf32, #tpu.memory_space<vmem>>, %arg5: memref<1000x1xf32, #tpu.memory_space<vmem>>, %arg6: memref<1000x64xi32, #tpu.memory_space<vmem>>, %arg7: memref<1000x1xf32, #tpu.memory_space<vmem>>) attributes {dimension_semantics = [#tpu.dimension_semantics<arbitrary>], iteration_bounds = array<i64: 10>, scalar_prefetch = 0 : i64, scratch_operands = 0 : i64, tpu.core_type = #tpu.core_type<tc>, window_params = [{transform_indices = @transform_0, window_bounds = array<i64: 1000, 128>}, {pipeline_mode = #tpu.pipeline_mode<synchronous>, transform_indices = @transform_1, window_bounds = array<i64: 128, 64>}, {pipeline_mode = #tpu.pipeline_mode<synchronous>, transform_indices = @transform_2, window_bounds = array<i64: 128, 64>}, {transform_indices = @transform_3, window_bounds = array<i64: 1000, 1>}, {transform_indices = @transform_4, window_bounds = array<i64: 1000, 1>}, {transform_indices = @transform_5, window_bounds = array<i64: 1000, 64>}, {transform_indices = @transform_6, window_bounds = array<i64: 1000, 1>}]} {
    %get3A = arith.constant 0 : index
    %get3A_0 = arith.constant 0 : index
    %get3A_1 = vector.load %arg4[%get3A, %get3A_0] : memref<1000x1xf32, #tpu.memory_space<vmem>>, vector<1000x1xf32>
    %get3A_2 = arith.constant 0 : index
    %get3A_3 = arith.constant 0 : index
    %get3A_4 = vector.load %arg5[%get3A_2, %get3A_3] : memref<1000x1xf32, #tpu.memory_space<vmem>>, vector<1000x1xf32>
    %add3A = arith.addf %get3A_1, %get3A_4 : vector<1000x1xf32>
    %rsqrt3A = math.rsqrt %add3A : vector<1000x1xf32>
    %get3A_5 = arith.constant 0 : index
    %get3A_6 = arith.constant 0 : index
    %get3A_7 = vector.load %arg1[%get3A_5, %get3A_6] : memref<1000x128xf32, #tpu.memory_space<vmem>>, vector<1000x128xf32>
    %get3A_8 = arith.constant 0 : index
    %get3A_9 = arith.constant 0 : index
    %get3A_10 = vector.load %arg2[%get3A_8, %get3A_9] : memref<128x64xf32, #tpu.memory_space<vmem>>, vector<128x64xf32>
    %dot_general3A = arith.constant dense<0.000000e+00> : vector<1000x64xf32>
    %dot_general3A_11 = tpu.matmul %get3A_7, %get3A_10, %dot_general3A {dimension_numbers = #tpu.dot_dimension_numbers<[1], [0], [0], [1], [0, 0, 1, 1], [], []>, transpose_lhs_hint = false} : vector<1000x128xf32>, vector<128x64xf32>, vector<1000x64xf32> -> vector<1000x64xf32>
    %mul3A = vector.broadcast %rsqrt3A : vector<1000x1xf32> to vector<1000x64xf32>
    %mul3A_12 = arith.mulf %dot_general3A_11, %mul3A : vector<1000x64xf32>
    %get3A_13 = arith.constant 0 : index
    %get3A_14 = arith.constant 0 : index
    %get3A_15 = vector.load %arg3[%get3A_13, %get3A_14] : memref<128x64xf32, #tpu.memory_space<vmem>>, vector<128x64xf32>
    %dot_general3A_16 = arith.constant dense<0.000000e+00> : vector<1000x64xf32>
    %dot_general3A_17 = tpu.matmul %get3A_7, %get3A_15, %dot_general3A_16 {dimension_numbers = #tpu.dot_dimension_numbers<[1], [0], [0], [1], [0, 0, 1, 1], [], []>, transpose_lhs_hint = false} : vector<1000x128xf32>, vector<128x64xf32>, vector<1000x64xf32> -> vector<1000x64xf32>
    %mul3A_18 = vector.broadcast %rsqrt3A : vector<1000x1xf32> to vector<1000x64xf32>
    %mul3A_19 = arith.mulf %dot_general3A_17, %mul3A_18 : vector<1000x64xf32>
    %convert_element_type3A = arith.truncf %mul3A_12 : vector<1000x64xf32> to vector<1000x64xbf16>
    %bitcast_convert_type3A = tpu.bitcast %convert_element_type3A : vector<1000x64xbf16> -> vector<1000x64xi16>
    %convert_element_type3A_20 = arith.truncf %mul3A_19 : vector<1000x64xf32> to vector<1000x64xbf16>
    %bitcast_convert_type3A_21 = tpu.bitcast %convert_element_type3A_20 : vector<1000x64xbf16> -> vector<1000x64xi16>
    %convert_element_type3A_22 = arith.extui %bitcast_convert_type3A : vector<1000x64xi16> to vector<1000x64xi32>
    %convert_element_type3A_23 = arith.extui %bitcast_convert_type3A_21 : vector<1000x64xi16> to vector<1000x64xi32>
    %shift_left3A = arith.constant 16 : i32
    %shift_left3A_24 = vector.broadcast %shift_left3A : i32 to vector<1000x64xi32>
    %shift_left3A_25 = arith.shli %convert_element_type3A_23, %shift_left3A_24 : vector<1000x64xi32>
    %or3A = arith.ori %convert_element_type3A_22, %shift_left3A_25 : vector<1000x64xi32>
    %swap3A = arith.constant 0 : index
    %swap3A_26 = arith.constant 0 : index
    %swap3A_27 = vector.load %arg6[%swap3A, %swap3A_26] : memref<1000x64xi32, #tpu.memory_space<vmem>>, vector<1000x64xi32>
    tpu.vector_store %arg6[%swap3A, %swap3A_26], %or3A {strides = array<i32>} : memref<1000x64xi32, #tpu.memory_space<vmem>>, vector<1000x64xi32>,
    %swap3A_28 = arith.constant 0 : index
    %swap3A_29 = arith.constant 0 : index
    %swap3A_30 = vector.load %arg7[%swap3A_28, %swap3A_29] : memref<1000x1xf32, #tpu.memory_space<vmem>>, vector<1000x1xf32>
    tpu.vector_store %arg7[%swap3A_28, %swap3A_29], %rsqrt3A {strides = array<i32>} : memref<1000x1xf32, #tpu.memory_space<vmem>>, vector<1000x1xf32>,
    return
  }
  func.func @transform_0(%arg0: i32) -> (i32, i32) {
    %c0_i32 = arith.constant 0 : i32
    %c0_i32_0 = arith.constant 0 : i32
    return %arg0, %c0_i32 : i32, i32
  }
  func.func @transform_1(%arg0: i32) -> (i32, i32) {
    %c0_i32 = arith.constant 0 : i32
    %c0_i32_0 = arith.constant 0 : i32
    %c0_i32_1 = arith.constant 0 : i32
    return %c0_i32, %c0_i32_0 : i32, i32
  }
  func.func @transform_2(%arg0: i32) -> (i32, i32) {
    %c0_i32 = arith.constant 0 : i32
    %c0_i32_0 = arith.constant 0 : i32
    %c0_i32_1 = arith.constant 0 : i32
    return %c0_i32, %c0_i32_0 : i32, i32
  }
  func.func @transform_3(%arg0: i32) -> (i32, i32) {
    %c0_i32 = arith.constant 0 : i32
    %c0_i32_0 = arith.constant 0 : i32
    return %arg0, %c0_i32 : i32, i32
  }
  func.func @transform_4(%arg0: i32) -> (i32, i32) {
    %c0_i32 = arith.constant 0 : i32
    %c0_i32_0 = arith.constant 0 : i32
    return %arg0, %c0_i32 : i32, i32
  }
  func.func @transform_5(%arg0: i32) -> (i32, i32) {
    %c0_i32 = arith.constant 0 : i32
    %c0_i32_0 = arith.constant 0 : i32
    return %arg0, %c0_i32 : i32, i32
  }
  func.func @transform_6(%arg0: i32) -> (i32, i32) {
    %c0_i32 = arith.constant 0 : i32
    %c0_i32_0 = arith.constant 0 : i32
    return %arg0, %c0_i32 : i32, i32
  }
}

module attributes {stable_mosaic.version = 14 : i64} {
  func.func @_final_body(%arg0: i32, %arg1: memref<1000x128xf32, #tpu.memory_space<vmem>>, %arg2: memref<1000x128xf32, #tpu.memory_space<vmem>>, %arg3: memref<1000x64xi32, #tpu.memory_space<vmem>>, %arg4: memref<1000x1xf32, #tpu.memory_space<vmem>>, %arg5: memref<1000x1xi32, #tpu.memory_space<vmem>>, %arg6: memref<1x128xf32, #tpu.memory_space<vmem>>, %arg7: memref<128x64xf32, #tpu.memory_space<vmem>>, %arg8: memref<1x64xf32, #tpu.memory_space<vmem>>, %arg9: memref<64x64xf32, #tpu.memory_space<vmem>>, %arg10: memref<64x128xf32, #tpu.memory_space<vmem>>) attributes {dimension_semantics = [#tpu.dimension_semantics<arbitrary>], iteration_bounds = array<i64: 10>, scalar_prefetch = 0 : i64, scratch_operands = 1 : i64, tpu.core_type = #tpu.core_type<tc>, window_params = [{transform_indices = @transform_0, window_bounds = array<i64: 1000, 128>}, {transform_indices = @transform_1, window_bounds = array<i64: 1000, 128>}, {transform_indices = @transform_2, window_bounds = array<i64: 1000, 64>}, {transform_indices = @transform_3, window_bounds = array<i64: 1000, 1>}, {transform_indices = @transform_4, window_bounds = array<i64: 1000, 1>}, {pipeline_mode = #tpu.pipeline_mode<synchronous>, transform_indices = @transform_5, window_bounds = array<i64: 1, 128>}, {pipeline_mode = #tpu.pipeline_mode<synchronous>, transform_indices = @transform_6, window_bounds = array<i64: 128, 64>}, {pipeline_mode = #tpu.pipeline_mode<synchronous>, transform_indices = @transform_7, window_bounds = array<i64: 1, 64>}, {pipeline_mode = #tpu.pipeline_mode<synchronous>, transform_indices = @transform_8, window_bounds = array<i64: 64, 64>}]} {
    %eq3A = arith.constant 0 : i32
    %eq3A_0 = arith.cmpi eq, %arg0, %eq3A : i32
    %convert_element_type3A = arith.extui %eq3A_0 : i1 to i32
    %cond3A = arith.constant 0 : i32
    %cond3A_1 = arith.cmpi ne, %convert_element_type3A, %cond3A : i32
    scf.if %cond3A_1 {
      %broadcast_in_dim3A = arith.constant 0.000000e+00 : f32
      %broadcast_in_dim3A_53 = vector.broadcast %broadcast_in_dim3A : f32 to vector<64x128xf32>
      %swap3A = arith.constant 0 : index
      %swap3A_54 = arith.constant 0 : index
      %swap3A_55 = vector.load %arg10[%swap3A, %swap3A_54] : memref<64x128xf32, #tpu.memory_space<vmem>>, vector<64x128xf32>
      tpu.vector_store %arg10[%swap3A, %swap3A_54], %broadcast_in_dim3A_53 {strides = array<i32>} : memref<64x128xf32, #tpu.memory_space<vmem>>, vector<64x128xf32>,
    } else {
    }
    %get3A = arith.constant 0 : index
    %get3A_2 = arith.constant 0 : index
    %get3A_3 = vector.load %arg3[%get3A, %get3A_2] : memref<1000x64xi32, #tpu.memory_space<vmem>>, vector<1000x64xi32>
    %shift_left3A = arith.constant 16 : i32
    %shift_left3A_4 = vector.broadcast %shift_left3A : i32 to vector<1000x64xi32>
    %shift_left3A_5 = arith.shli %get3A_3, %shift_left3A_4 : vector<1000x64xi32>
    %bitcast_convert_type3A = tpu.bitcast %shift_left3A_5 : vector<1000x64xi32> -> vector<1000x64xf32>
    %and3A = arith.constant -65536 : i32
    %and3A_6 = vector.broadcast %and3A : i32 to vector<1000x64xi32>
    %and3A_7 = arith.andi %get3A_3, %and3A_6 : vector<1000x64xi32>
    %bitcast_convert_type3A_8 = tpu.bitcast %and3A_7 : vector<1000x64xi32> -> vector<1000x64xf32>
    %concatenate3A = tpu.concatenate %bitcast_convert_type3A, %bitcast_convert_type3A_8 in 1 : vector<1000x64xf32>, vector<1000x64xf32> -> vector<1000x128xf32>
    %get3A_9 = arith.constant 0 : index
    %get3A_10 = arith.constant 0 : index
    %get3A_11 = vector.load %arg4[%get3A_9, %get3A_10] : memref<1000x1xf32, #tpu.memory_space<vmem>>, vector<1000x1xf32>
    %get3A_12 = arith.constant 0 : index
    %get3A_13 = arith.constant 0 : index
    %get3A_14 = vector.load %arg1[%get3A_12, %get3A_13] : memref<1000x128xf32, #tpu.memory_space<vmem>>, vector<1000x128xf32>
    %get3A_15 = arith.constant 0 : index
    %get3A_16 = arith.constant 0 : index
    %get3A_17 = vector.load %arg2[%get3A_15, %get3A_16] : memref<1000x128xf32, #tpu.memory_space<vmem>>, vector<1000x128xf32>
    %add3A = arith.addf %get3A_14, %get3A_17 : vector<1000x128xf32>
    %add3A_18 = arith.addf %add3A, %concatenate3A : vector<1000x128xf32>
    %mul3A = vector.broadcast %get3A_11 : vector<1000x1xf32> to vector<1000x128xf32>
    %mul3A_19 = arith.mulf %mul3A, %add3A_18 : vector<1000x128xf32>
    %get3A_20 = arith.constant 0 : index
    %get3A_21 = arith.constant 0 : index
    %get3A_22 = vector.load %arg6[%get3A_20, %get3A_21] : memref<1x128xf32, #tpu.memory_space<vmem>>, vector<1x128xf32>
    %add3A_23 = vector.broadcast %get3A_22 : vector<1x128xf32> to vector<1000x128xf32>
    %add3A_24 = arith.addf %mul3A_19, %add3A_23 : vector<1000x128xf32>
    %max3A = arith.constant 0.000000e+00 : f32
    %max3A_25 = vector.broadcast %max3A : f32 to vector<1000x128xf32>
    %max3A_26 = arith.maximumf %add3A_24, %max3A_25 : vector<1000x128xf32>
    %get3A_27 = arith.constant 0 : index
    %get3A_28 = arith.constant 0 : index
    %get3A_29 = vector.load %arg5[%get3A_27, %get3A_28] : memref<1000x1xi32, #tpu.memory_space<vmem>>, vector<1000x1xi32>
    %get3A_30 = arith.constant 0 : index
    %get3A_31 = arith.constant 0 : index
    %get3A_32 = vector.load %arg5[%get3A_30, %get3A_31] : memref<1000x1xi32, #tpu.memory_space<vmem>>, vector<1x1xi32>
    %get3A_33 = vector.extract %get3A_32[0, 0] : i32 from vector<1x1xi32>
    %get3A_34 = arith.constant 999 : index
    %get3A_35 = arith.constant 0 : index
    %get3A_36 = vector.load %arg5[%get3A_34, %get3A_35] : memref<1000x1xi32, #tpu.memory_space<vmem>>, vector<1x1xi32>
    %get3A_37 = vector.extract %get3A_36[0, 0] : i32 from vector<1x1xi32>
    %add3A_38 = arith.constant 1 : i32
    %add3A_39 = arith.addi %get3A_37, %add3A_38 : i32
    %while3A = arith.constant 0 : i32
    %while3A_40 = arith.subi %add3A_39, %get3A_33 : i32
    %while3A_41 = arith.addi %get3A_33, %while3A_40 : i32
    %while3A_42 = arith.constant 1 : i32
    %while3A_43 = arith.divsi %while3A_40, %while3A_42 : i32
    %while3A_44 = arith.muli %while3A_43, %while3A_42 : i32
    %while3A_45 = arith.addi %get3A_33, %while3A_44 : i32
    %while3A_46 = arith.constant 1 : i32
    scf.for %while3A_53 = %get3A_33 to %while3A_45 step %while3A_46  : i32 {
      %eq3A_54 = vector.broadcast %while3A_53 : i32 to vector<1000x1xi32>
      %eq3A_55 = arith.cmpi eq, %get3A_29, %eq3A_54 : vector<1000x1xi32>
      %jit3A = arith.constant 0.000000e+00 : f32
      %broadcast_in_dim3A = vector.shape_cast %eq3A_55 : vector<1000x1xi1> to vector<1000x1xi1>
      %broadcast_in_dim3A_56 = vector.broadcast %broadcast_in_dim3A : vector<1000x1xi1> to vector<1000x128xi1>
      %broadcast_in_dim3A_57 = vector.broadcast %jit3A : f32 to vector<1000x128xf32>
      %select_n3A = arith.select %broadcast_in_dim3A_56, %max3A_26, %broadcast_in_dim3A_57 : vector<1000x128xi1>, vector<1000x128xf32>
      %reduce_max3A = arith.constant dense<0xFF800000> : vector<128xf32>
      %reduce_max3A_58 = vector.multi_reduction <maximumf>, %select_n3A, %reduce_max3A [0] : vector<1000x128xf32> to vector<128xf32>
      %broadcast_in_dim3A_59 = vector.shape_cast %reduce_max3A_58 : vector<128xf32> to vector<1x128xf32>
      %get3A_60 = arith.index_cast %while3A_53 : i32 to index
      %get3A_61 = arith.constant 0 : index
      %get3A_62 = vector.load %arg10[%get3A_60, %get3A_61] : memref<64x128xf32, #tpu.memory_space<vmem>>, vector<1x128xf32>
      %max3A_63 = arith.maximumf %get3A_62, %broadcast_in_dim3A_59 : vector<1x128xf32>
      %swap3A = arith.index_cast %while3A_53 : i32 to index
      %swap3A_64 = arith.constant 0 : index
      %swap3A_65 = vector.load %arg10[%swap3A, %swap3A_64] : memref<64x128xf32, #tpu.memory_space<vmem>>, vector<1x128xf32>
      tpu.vector_store %arg10[%swap3A, %swap3A_64], %max3A_63 {strides = array<i32>} : memref<64x128xf32, #tpu.memory_space<vmem>>, vector<1x128xf32>,
    }
    %while3A_47 = arith.constant 1 : i32
    scf.for %while3A_53 = %while3A_45 to %while3A_41 step %while3A_47  : i32 {
      %eq3A_54 = vector.broadcast %while3A_53 : i32 to vector<1000x1xi32>
      %eq3A_55 = arith.cmpi eq, %get3A_29, %eq3A_54 : vector<1000x1xi32>
      %jit3A = arith.constant 0.000000e+00 : f32
      %broadcast_in_dim3A = vector.shape_cast %eq3A_55 : vector<1000x1xi1> to vector<1000x1xi1>
      %broadcast_in_dim3A_56 = vector.broadcast %broadcast_in_dim3A : vector<1000x1xi1> to vector<1000x128xi1>
      %broadcast_in_dim3A_57 = vector.broadcast %jit3A : f32 to vector<1000x128xf32>
      %select_n3A = arith.select %broadcast_in_dim3A_56, %max3A_26, %broadcast_in_dim3A_57 : vector<1000x128xi1>, vector<1000x128xf32>
      %reduce_max3A = arith.constant dense<0xFF800000> : vector<128xf32>
      %reduce_max3A_58 = vector.multi_reduction <maximumf>, %select_n3A, %reduce_max3A [0] : vector<1000x128xf32> to vector<128xf32>
      %broadcast_in_dim3A_59 = vector.shape_cast %reduce_max3A_58 : vector<128xf32> to vector<1x128xf32>
      %get3A_60 = arith.index_cast %while3A_53 : i32 to index
      %get3A_61 = arith.constant 0 : index
      %get3A_62 = vector.load %arg10[%get3A_60, %get3A_61] : memref<64x128xf32, #tpu.memory_space<vmem>>, vector<1x128xf32>
      %max3A_63 = arith.maximumf %get3A_62, %broadcast_in_dim3A_59 : vector<1x128xf32>
      %swap3A = arith.index_cast %while3A_53 : i32 to index
      %swap3A_64 = arith.constant 0 : index
      %swap3A_65 = vector.load %arg10[%swap3A, %swap3A_64] : memref<64x128xf32, #tpu.memory_space<vmem>>, vector<1x128xf32>
      tpu.vector_store %arg10[%swap3A, %swap3A_64], %max3A_63 {strides = array<i32>} : memref<64x128xf32, #tpu.memory_space<vmem>>, vector<1x128xf32>,
    }
    %eq3A_48 = arith.constant 9 : i32
    %eq3A_49 = arith.cmpi eq, %arg0, %eq3A_48 : i32
    %convert_element_type3A_50 = arith.extui %eq3A_49 : i1 to i32
    %cond3A_51 = arith.constant 0 : i32
    %cond3A_52 = arith.cmpi ne, %convert_element_type3A_50, %cond3A_51 : i32
    scf.if %cond3A_52 {
      %get3A_53 = arith.constant 0 : index
      %get3A_54 = arith.constant 0 : index
      %get3A_55 = vector.load %arg10[%get3A_53, %get3A_54] : memref<64x128xf32, #tpu.memory_space<vmem>>, vector<64x128xf32>
      %get3A_56 = arith.constant 0 : index
      %get3A_57 = arith.constant 0 : index
      %get3A_58 = vector.load %arg7[%get3A_56, %get3A_57] : memref<128x64xf32, #tpu.memory_space<vmem>>, vector<128x64xf32>
      %dot_general3A = arith.constant dense<0.000000e+00> : vector<64x64xf32>
      %dot_general3A_59 = tpu.matmul %get3A_55, %get3A_58, %dot_general3A {dimension_numbers = #tpu.dot_dimension_numbers<[1], [0], [0], [1], [0, 0, 1, 1], [], []>, transpose_lhs_hint = false} : vector<64x128xf32>, vector<128x64xf32>, vector<64x64xf32> -> vector<64x64xf32>
      %get3A_60 = arith.constant 0 : index
      %get3A_61 = arith.constant 0 : index
      %get3A_62 = vector.load %arg8[%get3A_60, %get3A_61] : memref<1x64xf32, #tpu.memory_space<vmem>>, vector<1x64xf32>
      %add3A_63 = vector.broadcast %get3A_62 : vector<1x64xf32> to vector<64x64xf32>
      %add3A_64 = arith.addf %dot_general3A_59, %add3A_63 : vector<64x64xf32>
      %max3A_65 = arith.constant 0.000000e+00 : f32
      %max3A_66 = vector.broadcast %max3A_65 : f32 to vector<64x64xf32>
      %max3A_67 = arith.maximumf %add3A_64, %max3A_66 : vector<64x64xf32>
      %swap3A = arith.constant 0 : index
      %swap3A_68 = arith.constant 0 : index
      %swap3A_69 = vector.load %arg9[%swap3A, %swap3A_68] : memref<64x64xf32, #tpu.memory_space<vmem>>, vector<64x64xf32>
      tpu.vector_store %arg9[%swap3A, %swap3A_68], %max3A_67 {strides = array<i32>} : memref<64x64xf32, #tpu.memory_space<vmem>>, vector<64x64xf32>,
    } else {
    }
    return
  }
  func.func @transform_0(%arg0: i32) -> (i32, i32) {
    %c0_i32 = arith.constant 0 : i32
    %c0_i32_0 = arith.constant 0 : i32
    return %arg0, %c0_i32 : i32, i32
  }
  func.func @transform_1(%arg0: i32) -> (i32, i32) {
    %c0_i32 = arith.constant 0 : i32
    %c0_i32_0 = arith.constant 0 : i32
    return %arg0, %c0_i32 : i32, i32
  }
  func.func @transform_2(%arg0: i32) -> (i32, i32) {
    %c0_i32 = arith.constant 0 : i32
    %c0_i32_0 = arith.constant 0 : i32
    return %arg0, %c0_i32 : i32, i32
  }
  func.func @transform_3(%arg0: i32) -> (i32, i32) {
    %c0_i32 = arith.constant 0 : i32
    %c0_i32_0 = arith.constant 0 : i32
    return %arg0, %c0_i32 : i32, i32
  }
  func.func @transform_4(%arg0: i32) -> (i32, i32) {
    %c0_i32 = arith.constant 0 : i32
    %c0_i32_0 = arith.constant 0 : i32
    return %arg0, %c0_i32 : i32, i32
  }
  func.func @transform_5(%arg0: i32) -> (i32, i32) {
    %c0_i32 = arith.constant 0 : i32
    %c0_i32_0 = arith.constant 0 : i32
    %c0_i32_1 = arith.constant 0 : i32
    return %c0_i32, %c0_i32_0 : i32, i32
  }
  func.func @transform_6(%arg0: i32) -> (i32, i32) {
    %c0_i32 = arith.constant 0 : i32
    %c0_i32_0 = arith.constant 0 : i32
    %c0_i32_1 = arith.constant 0 : i32
    return %c0_i32, %c0_i32_0 : i32, i32
  }
  func.func @transform_7(%arg0: i32) -> (i32, i32) {
    %c0_i32 = arith.constant 0 : i32
    %c0_i32_0 = arith.constant 0 : i32
    %c0_i32_1 = arith.constant 0 : i32
    return %c0_i32, %c0_i32_0 : i32, i32
  }
  func.func @transform_8(%arg0: i32) -> (i32, i32) {
    %c0_i32 = arith.constant 0 : i32
    %c0_i32_0 = arith.constant 0 : i32
    %c0_i32_1 = arith.constant 0 : i32
    return %c0_i32, %c0_i32_0 : i32, i32
  }
}

</mosaic_0001>

<sc_bundles>
// kernel: kernel.6.cloned.1.call-start
scs
__scs_entry_jumppad:
0x0: {  	(pc) =	sbr.rel $0x88, $3  }
0x1: {  	(tag) =	ssettag $0x0;
	lr =	simm.s32 $0x1  }
0x2: {  	[smem:$0x3F9A] =	sst lr;
	_ =	strace $0xD0000000  }
0x3: {  	_ = 	snop  }
0x4: {  	_ = 	snop  }
0x5: {  	_ = 	snop  }
0x6: {  	_ = 	snop  }
0x7: {  	_ = 	snop  }
__scs_overlays_trampoline_lowered:
0x8: {  	[smem:$0x3FA9] =	sst s0  }
0x9: {  	[smem:$0x3FAA] =	sst s1  }
0xa: {  	[smem:$0x3FAB] =	sst s2  }
0xb: {  	[smem:$0x3FAC] =	sst s3  }
0xc: {  	[smem:$0x3FAD] =	sst s4  }
0xd: {  	[smem:$0x3FAE] =	sst s5  }
0xe: {  	[smem:$0x3FAF] =	sst s6  }
0xf: {  	[smem:$0x3FB0] =	sst s7  }
0x10: {  	[smem:$0x3FB1] =	sst s8  }
0x11: {  	[smem:$0x3FB2] =	sst s9;
	s0 =	simm.s32 @!p0 $0x0  }
0x12: {  	s1 =	sld [smem:$0x3F98];
	s0 =	simm.s32 @p0 $0x1  }
0x13: {  	[smem:$0x3FB3] =	sst s0;
	s0 =	simm.s32 @!p1 $0x0  }
0x14: {  	s2 =	sld [smem:$0x3F97];
	s0 =	simm.s32 @p1 $0x1  }
0x15: {  	[smem:$0x3FB4] =	sst s0;
	s0 =	simm.s32 @!p2 $0x0  }
0x16: {  	s3 =	sld [smem:$0x3FDB];
	s0 =	simm.s32 @p2 $0x1  }
0x17: {  	s4 =	simm.s32 $0x1BF5;
	[smem:$0x3FB6] =	sst s0  }
0x18: {  	s0 =	sld [smem:$0x3F99];
	_ =	swait.ge [sflag:s4], $0x0  }
0x19: {  	s7 =	sld [smem:$0x3F9A]  }
0x1a: {  	s8 =	sadd.s32 $0xFFFFE003, lr  }
0x1b: {  	s9 =	sadd.s32 $0xFFFFFEF7, lr;
	s5 =	simm.s32 $0xFFFFFFFF;
	p2 =	slt.u32 s8, $0xFFFFF086  }
0x1c: {  	p1 =	slt.u32 s9, $0xF7A;
	s5 =	simm.s32 @!p2 $0x0  }
0x1d: {  	s5 =	simm.s32 @p1 $0x1;
	p0 =	seq.s32 s7, s2  }
0x1e: {  	s7 =	smul.u32 @!p0 $0xF7A, s2;
	p2 =	seq.s32 @!p0 s5, $0x0  }
0x1f: {  	s9 =	smul.u32 $0xF7A, s1;
	s8 =	simm.s32 @!p0 $0x1BF5;
	p2 =	por !p2, p0  }
0x20: {  	[sflag:s8] =	ssyncset.s32 @!p0 $0xFFFFF086;
	s6 =	sadd.s32 @!p0 s3, s7;
	s7 =	simm.s32 @!p0 $0x108  }
0x21: {  	s3 =	sadd.s32 s3, s9;
	s6 =	sadd.s32 @!p0 $0x88, s6;
	s7 =	simm.s32 @p2 $0x1082  }
0x22: {  	[simem:s7], [sflag:s8] =	dma.local @!p0 [hbm:s6], $0xF7A  }
0x23: {  	s9 =	sor.u32 $0xD0000000, s2;
	s6 =	simm.s32 $0x108;
	_ =	swait.ge @!p0 [sflag:s8], $0x0  }
0x24: {  	s3 =	sadd.s32 $0x88, s3;
	s6 =	simm.s32 @!p1 $0x1082;
	[sflag:s4] =	ssyncset.s32 $0xFFFFF086  }
0x25: {  	[simem:s6], [sflag:s4] =	dma.local [hbm:s3], $0xF7A  }
0x26: {  	[smem:$0x3F9A] =	sst s1;
	(tag) =	ssettag s2;
	_ =	strace s9  }
0x27: {  	s1 =	sld [smem:$0x3FAA]  }
0x28: {  	s2 =	sld [smem:$0x3FAB]  }
0x29: {  	s4 =	sld [smem:$0x3FAD]  }
0x2a: {  	p0 =	seq.s32 s5, $0x0;
	s5 =	sld [smem:$0x3FAE]  }
0x2b: {  	s6 =	sld [smem:$0x3FAF]  }
0x2c: {  	s7 =	sld [smem:$0x3FB0]  }
0x2d: {  	s3 =	simm.s32 $0x108;
	s8 =	sld [smem:$0x3FB1]  }
0x2e: {  	s3 =	simm.s32 @!p0 $0x1082;
	s9 =	sld [smem:$0x3FB2]  }
0x2f: {  	lr =	sadd.s32 s0, s3;
	s0 =	sld [smem:$0x3FA9]  }
0x30: {  	s3 =	sld [smem:$0x3FAC]  }
0x31: {  	[smem:$0x3FB5] =	sst s10  }
0x32: {  	s10 =	sld [smem:$0x3FB3];
	_ =	sdelay $0x3  }
0x33: {  	p0 =	seq.s32 s10, $0x1;
	s10 =	sld [smem:$0x3FB5];
	_ =	sdelay $0x3  }
0x34: {  	[smem:$0x3FB5] =	sst s10  }
0x35: {  	s10 =	sld [smem:$0x3FB4];
	_ =	sdelay $0x3  }
0x36: {  	p1 =	seq.s32 s10, $0x1;
	s10 =	sld [smem:$0x3FB5];
	_ =	sdelay $0x3  }
0x37: {  	[smem:$0x3FB5] =	sst s10  }
0x38: {  	s10 =	sld [smem:$0x3FB6]  }
0x39: {  	_ = 	snop;
	(pc) =	sbr.ind lr, $3  }
0x3a: {  	_ = 	snop  }
0x3b: {  	_ = 	snop  }
0x3c: {  	p2 =	seq.s32 s10, $0x1;
	s10 =	sld [smem:$0x3FB5]  }
0x3d: {  	_ =	shalt  }
0x3e: {  	_ =	shalt  }
0x3f: {  	_ =	shalt  }
0x40: {  	_ =	shalt  }
0x41: {  	_ =	shalt  }
0x42: {  	_ =	shalt  }
0x43: {  	_ =	shalt  }
0x44: {  	_ =	shalt  }
0x45: {  	_ =	shalt  }
0x46: {  	_ =	shalt  }
0x47: {  	_ =	shalt  }
0x48: {  	_ =	shalt  }
0x49: {  	_ =	shalt  }
0x4a: {  	_ =	shalt  }
0x4b: {  	_ =	shalt  }
0x4c: {  	_ =	shalt  }
0x4d: {  	_ =	shalt  }
0x4e: {  	_ =	shalt  }
0x4f: {  	_ =	shalt  }
0x50: {  	_ =	shalt  }
0x51: {  	_ =	shalt  }
0x52: {  	_ =	shalt  }
0x53: {  	_ =	shalt  }
0x54: {  	_ =	shalt  }
0x55: {  	_ =	shalt  }
0x56: {  	_ =	shalt  }
0x57: {  	_ =	shalt  }
0x58: {  	_ =	shalt  }
0x59: {  	_ =	shalt  }
0x5a: {  	_ =	shalt  }
0x5b: {  	_ =	shalt  }
0x5c: {  	_ =	shalt  }
0x5d: {  	_ =	shalt  }
0x5e: {  	_ =	shalt  }
0x5f: {  	_ =	shalt  }
0x60: {  	_ =	shalt  }
0x61: {  	_ =	shalt  }
0x62: {  	_ =	shalt  }
0x63: {  	_ =	shalt  }
0x64: {  	_ =	shalt  }
0x65: {  	_ =	shalt  }
0x66: {  	_ =	shalt  }
0x67: {  	_ =	shalt  }
0x68: {  	_ =	shalt  }
0x69: {  	_ =	shalt  }
0x6a: {  	_ =	shalt  }
0x6b: {  	_ =	shalt  }
0x6c: {  	_ =	shalt  }
0x6d: {  	_ =	shalt  }
0x6e: {  	_ =	shalt  }
0x6f: {  	_ =	shalt  }
0x70: {  	_ =	shalt  }
0x71: {  	_ =	shalt  }
0x72: {  	_ =	shalt  }
0x73: {  	_ =	shalt  }
0x74: {  	_ =	shalt  }
0x75: {  	_ =	shalt  }
0x76: {  	_ =	shalt  }
0x77: {  	_ =	shalt  }
0x78: {  	_ =	shalt  }
0x79: {  	_ =	shalt  }
0x7a: {  	_ =	shalt  }
0x7b: {  	_ =	shalt  }
0x7c: {  	_ =	shalt  }
0x7d: {  	_ =	shalt  }
0x7e: {  	_ =	shalt  }
0x7f: {  	_ =	shalt  }
0x80: {  	_ =	shalt  }
0x81: {  	_ =	shalt  }
0x82: {  	_ =	shalt  }
0x83: {  	_ =	shalt  }
0x84: {  	_ =	shalt  }
0x85: {  	_ =	shalt  }
0x86: {  	_ =	shalt  }
0x87: {  	_ =	shalt  }
.Lfunc_end0:
.L_simem_size_0:
called_computation_lowered:
.L_overlay_start_0:
0x88: {  	s2 =	sld [smem:$0x3FD9]  }
0x89: {  	s3 =	sld [smem:$0x3FFE];
	_ =	sdelay $0x1  }
0x8a: {  	s1 =	srdreg.scid  }
0x8b: {  	s0 =	sand.u32 $0x1, s1  }
0x8c: {  	s16 =	sshll.u32 s0, $0xA;
	s2 =	sadd.s32 s3, s2  }
0x8d: {  	s2 =	sadd.s32 s2, s16  }
0x8e: {  	[smem:$0x3FC1] =	sst s2  }
0x8f: {  	_ = 	snop  }
0x90: {  	(tm) =	ssettm $0x1  }
0x91: {  	s17 =	sld [smem:$0x3FFB];
	_ =	sdelay $0x3  }
0x92: {  	_ =	strace s17  }
0x93: {  	s2 =	sld [smem:$0x3FFC];
	_ =	sdelay $0x3  }
0x94: {  	_ =	strace s2  }
0x95: {  	s2 =	sld [smem:$0x3FFD];
	_ =	sdelay $0x3  }
0x96: {  	_ =	strace s2  }
0x97: {  	_ =	strace $0x8FFFFFFF  }
0x98: {  	s18 =	sld [smem:$0x3FDB];
	_ =	sdelay $0x1  }
0x99: {  	s19 =	simm.s32 $_scs_section_size  }
0x9a: {  	s4 =	simm.s32 $_size__tile_overlayer_lowered;
	s5 =	simm.s32 $_tile_overlayer_lowered  }
0x9b: {  	s22 =	simm.s32 $0x1BFF;
	s21 =	sshll.u32 s5, $0x1;
	s2 =	sadd.s32 s19, s18  }
0x9c: {  	s6 =	simm.s32 $0x0;
	s20 =	sshll.u32 s4, $0x1;
	s4 =	sadd.s32 s21, s2  }
0x9d: {  	[timem:s6], [sflag:s22] =	dma.local [hbm:s4], s20  }
0x9e: {  	_ =	swait.ge [sflag:s22], s20  }
0x9f: {  	s3 =	ssub.s32 $0x0, s20;
	[sflag:s22] =	ssyncset.done $0x0  }
0xa0: {  	[sflag:s22] =	ssyncadd.s32 s3;
	_ =	sdelay $0x1  }
0xa1: {  	s23 =	simm.s32 $0x1B8B  }
0xa2: {  	_ =	swait.ge [sflag:s23], $0x1  }
0xa3: {  	[sflag:s23] =	ssyncset.done $0x0  }
0xa4: {  	s25 =	simm.s32 $0x1B8E;
	s24 =	sld [smem:$0x3FFE];
	[sflag:s23] =	ssyncadd.s32 $0xFFFFFFFF  }
0xa5: {  	s26 =	simm.s32 $execute0_lowered;
	[smem:$0x3FD2] =	sst s25  }
0xa6: {  	s4 =	sshll.u32 s26, $0x1;
	_ =	strace $0x80000046;
	[dreg:$0x1] =	wrdreg $0xFFFFFFFF  }
0xa7: {  	s28 =	simm.s32 $_size_execute0_lowered;
	s2 =	sadd.s32 s2, s4;
	[dreg:$0x0] =	wrdreg $0x0  }
0xa8: {  	s4 =	sshll.u32 s28, $0x1;
	[dreg:$0x2] =	wrdreg s2  }
0xa9: {  	[dreg:$0x3] =	wrdreg s4  }
0xaa: {  	[dreg:$0x4] =	wrdreg $0xC0  }
0xab: {  	_ =	task [dreg:s6], $0x5FFFF  }
0xac: {  	[dreg:$0x1] =	wrdreg $0xFFFFFFFF  }
0xad: {  	[dreg:$0x0] =	wrdreg $0x60  }
0xae: {  	[dreg:$0x2] =	wrdreg s24  }
0xaf: {  	[dreg:$0x3] =	wrdreg $0x3B000  }
0xb0: {  	[dreg:$0x4] =	wrdreg $0x9  }
0xb1: {  	_ =	task.clear_ibuf [dreg:s6], $0x5FFFF;
	_ =	strace $0x90000046  }
0xb2: {  	s29 =	simm.s32 $0x9;
	_ =	strace $0x80000048  }
0xb3: {  	_ =	swait.ge [sflag:s29], $0x1  }
0xb4: {  	[sflag:s29] =	ssyncadd.s32 $0xFFFFFFFF  }
0xb5: {  	_ =	strace $0x90000048  }
0xb6: {  	_ =	sfence  }
0xb7: {  	s30 =	sld [smem:$0x0];
	_ =	sdelay $0x2  }
0xb8: {  	s31 =	sshll.u32 s1, $0xD;
	s1 =	sshrl.u32 s1, $0x2  }
0xb9: {  	s3 =	sand.u32 $0x4000, s31;
	s1 =	sadd.s32 s1, s30  }
0xba: {  	s0 =	sor.u32 s3, s0;
	s1 =	sshll.u32 s1, $0x11  }
0xbb: {  	s0 =	sor.u32 s1, s0  }
0xbc: {  	s0 =	sadd.s32 $0x8F2B, s0  }
0xbd: {  	[sflag:s0] =	ssyncadd.remote.s32 $0x1  }
0xbe: {  	_ =	sfence.sel $0xFFFF  }
0xbf: {  	[dreg:$0x0] =	wrdreg $0xFFFFFFFF;
	(pc) =	sbr.abs _section_cstart, $3  }
0xc0: {  	[dreg:$0x1] =	wrdreg $0xFFFFFFFF  }
0xc1: {  	_ =	task.clear_ibuf [dreg:s6], $0x2FFFF;
	_ =	strace $0x9FFFFFFF  }
0xc2: {  	(tm) =	ssettm $0x7FFFFFFF  }
0xc3: {  	_ =	shalt  }
tec
execute0_lowered:
.L_overlay_start_1:
0x0: {  	(tag) =	ssettag $0x1  }
0x1: {  	s4 =	rddreg [dreg:$0x0]  }
0x2: {  	s2 =	rddreg [dreg:$0x1]  }
0x3: {  	s0 =	rddreg [dreg:$0x2];
	s5 =	srdreg.scid  }
0x4: {  	s3 =	simm.s32 $0x0;
	s1 =	stileid.u32;
	s14 =	simm.f32 $1.000000000e+00  }
0x5: {  	s11 =	simm.s32 $0x3800;
	s15 =	simm.s32 $0x10;
	s16 =	simm.s32 $0x0  }
0x6: {  	s5 =	sand.u32 $0x1, s5;
	[smem:$0x7FF] =	sst s3;
	s7 =	smul.u32 $0x500, s1  }
0x7: {  	s10 =	smul.u32 $0xA00, s1;
	s12 =	sshll.u32 s1, $0x6;
	s6 =	sshll.u32 s5, $0x4  }
0x8: {  	_ =	strace $0x80000047;
	s8 =	sshll.u32 s5, $0x7;
	s30 =	ssub.s32 $0x2, s5  }
0x9: {  	p0 =	seq.s32 s5, $0x0;
	s12 =	sor.u32 $0x1C01, s12;
	s6 =	sor.u32 s1, s6  }
0xa: {  	s7 =	sor.u32 s8, s7;
	s9 =	sshrl.u32 s30, $0x1;
	s31 =	sshrl.u32 s10, $0x2  }
0xb: {  	s14 =	simm.s32 @!p0 $0x0;
	s10 =	simm.s32 $0x60;
	s6 =	smul.u32 $0x700, s6  }
0xc: {  	s7 =	sshrl.u32 s7, $0x3;
	s8 =	ssub.s32 s30, s9;
	s9 =	simm.s32 $0x1  }
0xd: {  	v0 =	vmov s14;
	s14 =	simm.s32 $0x20;
	s7 =	sadd.s32 s7, s4;
	s6 =	sadd.s32 s6, s4  }
0xe: {  	s4 =	sadd.s32 s31, s2;
	s5 =	sadd.s32 $0xBA00, s6;
	s6 =	sadd.s32 $0x19A00, s7  }
0xf: {  	v1 =	vimm.f32 $1.000000000e+00;
	s7 =	smax.u32 s8, $0x1;
	s8 =	simm.s32 $0x3880;
	s13 =	sshrl.u32 s4, $0x3  }
.LBB2_1:
0x10: {  	[tilespmem:$0x3880] =	vst v0  }
0x11: {  	[tilespmem:$0x3890] =	vst v0  }
0x12: {  	[tilespmem:$0x38A0] =	vst v0  }
0x13: {  	[tilespmem:$0x38B0] =	vst v0  }
0x14: {  	[tilespmem:$0x38C0] =	vst v0  }
0x15: {  	[tilespmem:$0x38D0] =	vst v0  }
0x16: {  	[tilespmem:$0x38E0] =	vst v0  }
0x17: {  	[tilespmem:$0x38F0] =	vst v0  }
0x18: {  	[tilespmem:$0x3900] =	vst v0  }
0x19: {  	[tilespmem:$0x3910] =	vst v0  }
0x1a: {  	[tilespmem:$0x3920] =	vst v0  }
0x1b: {  	[tilespmem:$0x3930] =	vst v0  }
0x1c: {  	[tilespmem:$0x3940] =	vst v0  }
0x1d: {  	[tilespmem:$0x3950] =	vst v0  }
0x1e: {  	[tilespmem:$0x3960] =	vst v0  }
0x1f: {  	[tilespmem:$0x3970] =	vst v0  }
0x20: {  	[tilespmem:$0x3980] =	vst v0  }
0x21: {  	[tilespmem:$0x3990] =	vst v0  }
0x22: {  	[tilespmem:$0x39A0] =	vst v0  }
0x23: {  	[tilespmem:$0x39B0] =	vst v0  }
0x24: {  	[tilespmem:$0x39C0] =	vst v0  }
0x25: {  	[tilespmem:$0x39D0] =	vst v0  }
0x26: {  	[tilespmem:$0x39E0] =	vst v0  }
0x27: {  	[tilespmem:$0x39F0] =	vst v0  }
0x28: {  	[tilespmem:$0x3A00] =	vst v0  }
0x29: {  	[tilespmem:$0x3A10] =	vst v0  }
0x2a: {  	[tilespmem:$0x3A20] =	vst v0  }
0x2b: {  	[tilespmem:$0x3A30] =	vst v0  }
0x2c: {  	[tilespmem:$0x3A40] =	vst v0  }
0x2d: {  	[tilespmem:$0x3A50] =	vst v0  }
0x2e: {  	[tilespmem:$0x3A60] =	vst v0  }
0x2f: {  	[tilespmem:$0x3A70] =	vst v0  }
0x30: {  	[tilespmem:$0x3A80] =	vst v0  }
0x31: {  	[tilespmem:$0x3A90] =	vst v0  }
0x32: {  	[tilespmem:$0x3AA0] =	vst v0  }
0x33: {  	[tilespmem:$0x3AB0] =	vst v0  }
0x34: {  	[tilespmem:$0x3AC0] =	vst v0  }
0x35: {  	[tilespmem:$0x3AD0] =	vst v0  }
0x36: {  	[tilespmem:$0x3AE0] =	vst v0  }
0x37: {  	[tilespmem:$0x3AF0] =	vst v0  }
0x38: {  	[tilespmem:$0x3800] =	vst v1  }
0x39: {  	[tilespmem:$0x3810] =	vst v1  }
0x3a: {  	[tilespmem:$0x3820] =	vst v1  }
0x3b: {  	[tilespmem:$0x3830] =	vst v1  }
0x3c: {  	[tilespmem:$0x3840] =	vst v1  }
0x3d: {  	[tilespmem:$0x3850] =	vst v1  }
0x3e: {  	[spmem:s4] =	stream.linear.scatter [tilespmem:s8], [sflag:$0x1], $0x280, $0x38;
	[tilespmem:$0x3D80] =	vst v63  }
0x3f: {  	_ =	swait.ge [sflag:s9], $0x280  }
0x40: {  	[sflag:s9] =	ssyncset.done $0x0  }
0x41: {  	[sflag:s9] =	ssyncadd.s32 $0xFFFFFD80  }
0x42: {  	[tilespmem:s3], [sflag:$0x1] =	stream.linear.gather [hbm4b:s5+s3], $0x3480, $0x38;
	[tilespmem:$0x3D80] =	vst v63  }
0x43: {  	_ =	swait.ge [sflag:s9], $0x3480  }
0x44: {  	[sflag:s9] =	ssyncset.done $0x0  }
0x45: {  	[sflag:s9] =	ssyncadd.s32 $0xFFFFCB80  }
0x46: {  	s17 =	simm.s32 $0x0;
	[bflag:$0x0] =	sbarrier.arrive $0xFFFF  }
0x47: {  	[spmem:s2] =	stream.indirect.scatter.add.f32 [tilespmem:s11], [sflag:$0x1], $0x1, s17, s10, $0xb8;
	[tilespmem:$0x3D80] =	vst v63  }
0x48: {  	_ =	swait.ge [sflag:s9], $0x60  }
0x49: {  	s17 =	simm.s32 $0x200;
	[sflag:s9] =	ssyncset.done $0x0  }
.LBB2_2:
0x4a: {  	s18 =	sshra.s32 s17, $0x2;
	[sflag:s9] =	ssyncadd.s32 $0xFFFFFFA0;
	p0 =	sne.s32 s17, $0xD000  }
0x4b: {  	[spmem:s2] =	stream.indirect.scatter.add.f32 [tilespmem:s11], [sflag:$0x1], $0x1, s18, s10, $0xb8;
	[tilespmem:$0x3D80] =	vst v63  }
.Ltmp0:
0x4c: {  	_ = 	snop;
	(pc) =	sbr.rel @p0 .LBB2_2-.Ltmp0, $4  }
0x4d: {  	_ = 	snop  }
0x4e: {  	s17 =	sadd.s32 $0x200, s17  }
0x4f: {  	_ =	swait.ge [sflag:s9], $0x60  }
0x50: {  	[sflag:s9] =	ssyncset.done $0x0  }
0x51: {  	s16 =	sadd.s32 $0x1, s16  }
0x52: {  	[sflag:s9] =	ssyncadd.s32 $0xFFFFFFA0;
	p0 =	sne.s32 s16, s7  }
.Ltmp1:
0x53: {  	[bflag:$0x0] =	sbarrier.arrive $0xFFFF;
	(pc) =	sbr.rel @p0 .LBB2_1-.Ltmp1, $4  }
0x54: {  	[hbm:s6@s14], [sflag:s12] =	dma.strided [spmem:s13@s15], $0x50, s9, $0x10   }
0x55: {  	_ =	swait.ge [sflag:s9], $0x50  }
0x56: {  	[sflag:s9] =	ssyncset.done $0x0  }
0x57: {  	[sflag:s9] =	ssyncadd.s32 $0xFFFFFFB0  }
0x58: {  	_ =	sfence.sel $0x180000  }
0x59: {  	[bflag:$0x0] =	sbarrier.arrive $0xFFFF  }
0x5a: {  	p0 =	sne.s32 s1, $0x0;
	_ =	strace $0x90000047  }
0x5b: {  	s0 =	sadd.s32 @!p0 $0x100000, s0;
	[bflag:$0x2] =	sbarrier.arrive $0xFFFF  }
0x5c: {  	[sflag:s0] =	ssyncadd.tile.s32 @!p0 $0x1;
	_ =	shalt  }
.Lfunc_end2:
_tile_overlayer_lowered:
.L_overlay_start_2:
0x5d: {  	(tag) =	ssettag $0x2  }
0x5e: {  	s0 =	rddreg [dreg:$0x0];
	s2 =	stileid.u32  }
0x5f: {  	s1 =	rddreg [dreg:$0x1];
	p0 =	sne.s32 s2, $0x0  }
0x60: {  	s3 =	rddreg [dreg:$0x2];
	[bflag:$0x3] =	sbarrier.arrive $0xFFFF;
	s2 =	simm.s32 @!p0 $0x1C01  }
0x61: {  	[timem:s3], [sflag:s2] =	dma.local @!p0 [hbm:s0], s1  }
0x62: {  	s0 =	simm.s32 @!p0 $0x1  }
0x63: {  	_ =	swait.ge @!p0 [sflag:s0], s1  }
0x64: {  	s1 =	ssub.s32 @!p0 $0x0, s1;
	[sflag:s0] =	ssyncset.done @!p0 $0x0  }
0x65: {  	[sflag:s0] =	ssyncadd.s32 @!p0 s1  }
0x66: {  	[bflag:$0x3] =	sbarrier.arrive $0xFFFF  }
0x67: {  	_ =	shalt  }

// kernel: kernel.9.cloned.1.call-start
scs
__scs_entry_jumppad:
0x0: {  	(pc) =	sbr.rel $0x88, $3  }
0x1: {  	(tag) =	ssettag $0x0;
	lr =	simm.s32 $0x1  }
0x2: {  	[smem:$0x3F9A] =	sst lr;
	_ =	strace $0xD0000000  }
0x3: {  	_ = 	snop  }
0x4: {  	_ = 	snop  }
0x5: {  	_ = 	snop  }
0x6: {  	_ = 	snop  }
0x7: {  	_ = 	snop  }
__scs_overlays_trampoline_lowered:
0x8: {  	[smem:$0x3FA9] =	sst s0  }
0x9: {  	[smem:$0x3FAA] =	sst s1  }
0xa: {  	[smem:$0x3FAB] =	sst s2  }
0xb: {  	[smem:$0x3FAC] =	sst s3  }
0xc: {  	[smem:$0x3FAD] =	sst s4  }
0xd: {  	[smem:$0x3FAE] =	sst s5  }
0xe: {  	[smem:$0x3FAF] =	sst s6  }
0xf: {  	[smem:$0x3FB0] =	sst s7  }
0x10: {  	[smem:$0x3FB1] =	sst s8  }
0x11: {  	[smem:$0x3FB2] =	sst s9;
	s0 =	simm.s32 @!p0 $0x0  }
0x12: {  	s1 =	sld [smem:$0x3F98];
	s0 =	simm.s32 @p0 $0x1  }
0x13: {  	[smem:$0x3FB3] =	sst s0;
	s0 =	simm.s32 @!p1 $0x0  }
0x14: {  	s2 =	sld [smem:$0x3F97];
	s0 =	simm.s32 @p1 $0x1  }
0x15: {  	[smem:$0x3FB4] =	sst s0;
	s0 =	simm.s32 @!p2 $0x0  }
0x16: {  	s3 =	sld [smem:$0x3FDB];
	s0 =	simm.s32 @p2 $0x1  }
0x17: {  	s4 =	simm.s32 $0x1BF5;
	[smem:$0x3FB6] =	sst s0  }
0x18: {  	s0 =	sld [smem:$0x3F99];
	_ =	swait.ge [sflag:s4], $0x0  }
0x19: {  	s7 =	sld [smem:$0x3F9A]  }
0x1a: {  	s8 =	sadd.s32 $0xFFFFE003, lr  }
0x1b: {  	s9 =	sadd.s32 $0xFFFFFEF7, lr;
	s5 =	simm.s32 $0xFFFFFFFF;
	p2 =	slt.u32 s8, $0xFFFFF086  }
0x1c: {  	p1 =	slt.u32 s9, $0xF7A;
	s5 =	simm.s32 @!p2 $0x0  }
0x1d: {  	s5 =	simm.s32 @p1 $0x1;
	p0 =	seq.s32 s7, s2  }
0x1e: {  	s7 =	smul.u32 @!p0 $0xF7A, s2;
	p2 =	seq.s32 @!p0 s5, $0x0  }
0x1f: {  	s9 =	smul.u32 $0xF7A, s1;
	s8 =	simm.s32 @!p0 $0x1BF5;
	p2 =	por !p2, p0  }
0x20: {  	[sflag:s8] =	ssyncset.s32 @!p0 $0xFFFFF086;
	s6 =	sadd.s32 @!p0 s3, s7;
	s7 =	simm.s32 @!p0 $0x108  }
0x21: {  	s3 =	sadd.s32 s3, s9;
	s6 =	sadd.s32 @!p0 $0x88, s6;
	s7 =	simm.s32 @p2 $0x1082  }
0x22: {  	[simem:s7], [sflag:s8] =	dma.local @!p0 [hbm:s6], $0xF7A  }
0x23: {  	s9 =	sor.u32 $0xD0000000, s2;
	s6 =	simm.s32 $0x108;
	_ =	swait.ge @!p0 [sflag:s8], $0x0  }
0x24: {  	s3 =	sadd.s32 $0x88, s3;
	s6 =	simm.s32 @!p1 $0x1082;
	[sflag:s4] =	ssyncset.s32 $0xFFFFF086  }
0x25: {  	[simem:s6], [sflag:s4] =	dma.local [hbm:s3], $0xF7A  }
0x26: {  	[smem:$0x3F9A] =	sst s1;
	(tag) =	ssettag s2;
	_ =	strace s9  }
0x27: {  	s1 =	sld [smem:$0x3FAA]  }
0x28: {  	s2 =	sld [smem:$0x3FAB]  }
0x29: {  	s4 =	sld [smem:$0x3FAD]  }
0x2a: {  	p0 =	seq.s32 s5, $0x0;
	s5 =	sld [smem:$0x3FAE]  }
0x2b: {  	s6 =	sld [smem:$0x3FAF]  }
0x2c: {  	s7 =	sld [smem:$0x3FB0]  }
0x2d: {  	s3 =	simm.s32 $0x108;
	s8 =	sld [smem:$0x3FB1]  }
0x2e: {  	s3 =	simm.s32 @!p0 $0x1082;
	s9 =	sld [smem:$0x3FB2]  }
0x2f: {  	lr =	sadd.s32 s0, s3;
	s0 =	sld [smem:$0x3FA9]  }
0x30: {  	s3 =	sld [smem:$0x3FAC]  }
0x31: {  	[smem:$0x3FB5] =	sst s10  }
0x32: {  	s10 =	sld [smem:$0x3FB3];
	_ =	sdelay $0x3  }
0x33: {  	p0 =	seq.s32 s10, $0x1;
	s10 =	sld [smem:$0x3FB5];
	_ =	sdelay $0x3  }
0x34: {  	[smem:$0x3FB5] =	sst s10  }
0x35: {  	s10 =	sld [smem:$0x3FB4];
	_ =	sdelay $0x3  }
0x36: {  	p1 =	seq.s32 s10, $0x1;
	s10 =	sld [smem:$0x3FB5];
	_ =	sdelay $0x3  }
0x37: {  	[smem:$0x3FB5] =	sst s10  }
0x38: {  	s10 =	sld [smem:$0x3FB6]  }
0x39: {  	_ = 	snop;
	(pc) =	sbr.ind lr, $3  }
0x3a: {  	_ = 	snop  }
0x3b: {  	_ = 	snop  }
0x3c: {  	p2 =	seq.s32 s10, $0x1;
	s10 =	sld [smem:$0x3FB5]  }
0x3d: {  	_ =	shalt  }
0x3e: {  	_ =	shalt  }
0x3f: {  	_ =	shalt  }
0x40: {  	_ =	shalt  }
0x41: {  	_ =	shalt  }
0x42: {  	_ =	shalt  }
0x43: {  	_ =	shalt  }
0x44: {  	_ =	shalt  }
0x45: {  	_ =	shalt  }
0x46: {  	_ =	shalt  }
0x47: {  	_ =	shalt  }
0x48: {  	_ =	shalt  }
0x49: {  	_ =	shalt  }
0x4a: {  	_ =	shalt  }
0x4b: {  	_ =	shalt  }
0x4c: {  	_ =	shalt  }
0x4d: {  	_ =	shalt  }
0x4e: {  	_ =	shalt  }
0x4f: {  	_ =	shalt  }
0x50: {  	_ =	shalt  }
0x51: {  	_ =	shalt  }
0x52: {  	_ =	shalt  }
0x53: {  	_ =	shalt  }
0x54: {  	_ =	shalt  }
0x55: {  	_ =	shalt  }
0x56: {  	_ =	shalt  }
0x57: {  	_ =	shalt  }
0x58: {  	_ =	shalt  }
0x59: {  	_ =	shalt  }
0x5a: {  	_ =	shalt  }
0x5b: {  	_ =	shalt  }
0x5c: {  	_ =	shalt  }
0x5d: {  	_ =	shalt  }
0x5e: {  	_ =	shalt  }
0x5f: {  	_ =	shalt  }
0x60: {  	_ =	shalt  }
0x61: {  	_ =	shalt  }
0x62: {  	_ =	shalt  }
0x63: {  	_ =	shalt  }
0x64: {  	_ =	shalt  }
0x65: {  	_ =	shalt  }
0x66: {  	_ =	shalt  }
0x67: {  	_ =	shalt  }
0x68: {  	_ =	shalt  }
0x69: {  	_ =	shalt  }
0x6a: {  	_ =	shalt  }
0x6b: {  	_ =	shalt  }
0x6c: {  	_ =	shalt  }
0x6d: {  	_ =	shalt  }
0x6e: {  	_ =	shalt  }
0x6f: {  	_ =	shalt  }
0x70: {  	_ =	shalt  }
0x71: {  	_ =	shalt  }
0x72: {  	_ =	shalt  }
0x73: {  	_ =	shalt  }
0x74: {  	_ =	shalt  }
0x75: {  	_ =	shalt  }
0x76: {  	_ =	shalt  }
0x77: {  	_ =	shalt  }
0x78: {  	_ =	shalt  }
0x79: {  	_ =	shalt  }
0x7a: {  	_ =	shalt  }
0x7b: {  	_ =	shalt  }
0x7c: {  	_ =	shalt  }
0x7d: {  	_ =	shalt  }
0x7e: {  	_ =	shalt  }
0x7f: {  	_ =	shalt  }
0x80: {  	_ =	shalt  }
0x81: {  	_ =	shalt  }
0x82: {  	_ =	shalt  }
0x83: {  	_ =	shalt  }
0x84: {  	_ =	shalt  }
0x85: {  	_ =	shalt  }
0x86: {  	_ =	shalt  }
0x87: {  	_ =	shalt  }
.Lfunc_end0:
.L_simem_size_0:
called_computation.1_lowered:
.L_overlay_start_0:
0x88: {  	s2 =	sld [smem:$0x3FD9]  }
0x89: {  	s3 =	sld [smem:$0x3FFE];
	_ =	sdelay $0x1  }
0x8a: {  	s1 =	srdreg.scid  }
0x8b: {  	s0 =	sand.u32 $0x1, s1  }
0x8c: {  	s16 =	sshll.u32 s0, $0xA;
	s2 =	sadd.s32 s3, s2  }
0x8d: {  	s2 =	sadd.s32 s2, s16  }
0x8e: {  	[smem:$0x3FC1] =	sst s2  }
0x8f: {  	_ = 	snop  }
0x90: {  	(tm) =	ssettm $0x1  }
0x91: {  	s17 =	sld [smem:$0x3FFB];
	_ =	sdelay $0x3  }
0x92: {  	_ =	strace s17  }
0x93: {  	s2 =	sld [smem:$0x3FFC];
	_ =	sdelay $0x3  }
0x94: {  	_ =	strace s2  }
0x95: {  	s2 =	sld [smem:$0x3FFD];
	_ =	sdelay $0x3  }
0x96: {  	_ =	strace s2  }
0x97: {  	_ =	strace $0x8FFFFFFF  }
0x98: {  	s18 =	sld [smem:$0x3FDB];
	_ =	sdelay $0x1  }
0x99: {  	s19 =	simm.s32 $_scs_section_size  }
0x9a: {  	s4 =	simm.s32 $_size__tile_overlayer_lowered;
	s5 =	simm.s32 $_tile_overlayer_lowered  }
0x9b: {  	s22 =	simm.s32 $0x1BFF;
	s21 =	sshll.u32 s5, $0x1;
	s2 =	sadd.s32 s19, s18  }
0x9c: {  	s6 =	simm.s32 $0x0;
	s20 =	sshll.u32 s4, $0x1;
	s4 =	sadd.s32 s21, s2  }
0x9d: {  	[timem:s6], [sflag:s22] =	dma.local [hbm:s4], s20  }
0x9e: {  	_ =	swait.ge [sflag:s22], s20  }
0x9f: {  	s3 =	ssub.s32 $0x0, s20;
	[sflag:s22] =	ssyncset.done $0x0  }
0xa0: {  	[sflag:s22] =	ssyncadd.s32 s3;
	_ =	sdelay $0x1  }
0xa1: {  	s23 =	simm.s32 $0x1B8B  }
0xa2: {  	_ =	swait.ge [sflag:s23], $0x1  }
0xa3: {  	[sflag:s23] =	ssyncset.done $0x0  }
0xa4: {  	s25 =	simm.s32 $0x1B8E;
	s24 =	sld [smem:$0x3FFE];
	[sflag:s23] =	ssyncadd.s32 $0xFFFFFFFF  }
0xa5: {  	s26 =	simm.s32 $execute0_lowered;
	[smem:$0x3FD2] =	sst s25  }
0xa6: {  	s4 =	sshll.u32 s26, $0x1;
	_ =	strace $0x80000049;
	[dreg:$0x1] =	wrdreg $0xFFFFFFFF  }
0xa7: {  	s28 =	simm.s32 $_size_execute0_lowered;
	s2 =	sadd.s32 s2, s4;
	[dreg:$0x0] =	wrdreg $0x0  }
0xa8: {  	s4 =	sshll.u32 s28, $0x1;
	[dreg:$0x2] =	wrdreg s2  }
0xa9: {  	[dreg:$0x3] =	wrdreg s4  }
0xaa: {  	[dreg:$0x4] =	wrdreg $0xC0  }
0xab: {  	_ =	task [dreg:s6], $0x5FFFF  }
0xac: {  	[dreg:$0x1] =	wrdreg $0xFFFFFFFF  }
0xad: {  	[dreg:$0x0] =	wrdreg $0x60  }
0xae: {  	[dreg:$0x2] =	wrdreg s24  }
0xaf: {  	[dreg:$0x3] =	wrdreg $0xBE800  }
0xb0: {  	[dreg:$0x4] =	wrdreg $0x9  }
0xb1: {  	_ =	task.clear_ibuf [dreg:s6], $0x5FFFF;
	_ =	strace $0x90000049  }
0xb2: {  	s29 =	simm.s32 $0x9;
	_ =	strace $0x8000004B  }
0xb3: {  	_ =	swait.ge [sflag:s29], $0x1  }
0xb4: {  	[sflag:s29] =	ssyncadd.s32 $0xFFFFFFFF  }
0xb5: {  	_ =	strace $0x9000004B  }
0xb6: {  	_ =	sfence  }
0xb7: {  	s30 =	sld [smem:$0x0];
	_ =	sdelay $0x2  }
0xb8: {  	s31 =	sshll.u32 s1, $0xD;
	s1 =	sshrl.u32 s1, $0x2  }
0xb9: {  	s3 =	sand.u32 $0x4000, s31;
	s1 =	sadd.s32 s1, s30  }
0xba: {  	s0 =	sor.u32 s3, s0;
	s1 =	sshll.u32 s1, $0x11  }
0xbb: {  	s0 =	sor.u32 s1, s0  }
0xbc: {  	s0 =	sadd.s32 $0x8F2B, s0  }
0xbd: {  	[sflag:s0] =	ssyncadd.remote.s32 $0x1  }
0xbe: {  	_ =	sfence.sel $0xFFFF  }
0xbf: {  	[dreg:$0x0] =	wrdreg $0xFFFFFFFF;
	(pc) =	sbr.abs _section_cstart, $3  }
0xc0: {  	[dreg:$0x1] =	wrdreg $0xFFFFFFFF  }
0xc1: {  	_ =	task.clear_ibuf [dreg:s6], $0x2FFFF;
	_ =	strace $0x9FFFFFFF  }
0xc2: {  	(tm) =	ssettm $0x7FFFFFFF  }
0xc3: {  	_ =	shalt  }
tec
execute0_lowered:
.L_overlay_start_1:
0x0: {  	(tag) =	ssettag $0x1  }
0x1: {  	s14 =	stileid.u32  }
0x2: {  	s0 =	srdreg.scid;
	s21 =	rddreg [dreg:$0x0];
	s4 =	simm.s32 $0x0  }
0x3: {  	s17 =	simm.s32 $0x7;
	s20 =	simm.s32 $0x60;
	s28 =	simm.s32 $0x6  }
0x4: {  	s29 =	simm.s32 $0x8E80;
	s30 =	simm.s32 $0x3;
	s1 =	smul.u32 $0x5A, s14  }
0x5: {  	s31 =	simm.s32 $0x4;
	s0 =	sand.u32 $0x1, s0;
	s3 =	smul.u32 $0x78, s14  }
0x6: {  	s9 =	smul.u32 $0x14000, s14;
	[smem:$0x7FF] =	sst s4;
	s5 =	sadd.s32 $0x1C00, s21  }
0x7: {  	s6 =	sadd.s32 $0x24200, s21;
	s11 =	sadd.s32 $0xBA00, s21;
	p0 =	seq.s32 s0, $0x0  }
0x8: {  	s8 =	smul.u32 $0x140000, s0;
	s0 =	ssub.s32 $0x2, s0;
	s2 =	sadd.s32 $0x780, s1  }
0x9: {  	s24 =	sshll.u32 s14, $0x6;
	s12 =	sshrl.u32 s0, $0x1;
	s2 =	smov.u32 @p0 s3  }
0xa: {  	s3 =	rddreg [dreg:$0x1];
	_ =	strace $0x8000004A;
	s8 =	sadd.s32 s9, s8  }
0xb: {  	[dreg:$0x3] =	wrdreg s11;
	s0 =	ssub.s32 s0, s12;
	s7 =	smul.u32 $0xC, s2  }
0xc: {  	s22 =	sshrl.u32 s8, $0x3;
	s8 =	simm.s32 $0x78;
	s13 =	smul.u32 $0x60, s2  }
0xd: {  	s23 =	sadd.s32 s9, s3;
	s9 =	sor.u32 $0x1C07, s24;
	s15 =	smax.u32 s0, $0x1  }
0xe: {  	s24 =	simm.s32 $0x5;
	s1 =	sadd.s32 s22, s21;
	s8 =	simm.s32 @!p0 $0x5A  }
0xf: {  	s16 =	sshrl.u32 s23, $0x3;
	s23 =	simm.s32 $0x1;
	s10 =	sadd.s32 s7, s21  }
0x10: {  	s25 =	sshrl.u32 s13, $0x3;
	s7 =	sadd.s32 s5, s7;
	s13 =	sshrl.u32 s8, $0x1  }
0x11: {  	s14 =	sadd.s32 $0x37C00, s1;
	s1 =	simm.s32 $0x0;
	s10 =	sadd.s32 $0x1A400, s10  }
0x12: {  	s26 =	sadd.s32 s5, s25;
	[dreg:$0x5] =	wrdreg s7;
	s25 =	simm.s32 $0x5E80  }
0x13: {  	[dreg:$0x4] =	wrdreg s10;
	s12 =	sadd.s32 $0xC, s26;
	s26 =	simm.s32 $0x2  }
.LBB2_1:
0x14: {  	s0 =	rddreg [dreg:$0x3]  }
0x15: {  	[spmem:s16], [sflag:s9] =	dma.local [hbm:s0], $0x2800  }
0x16: {  	_ =	swait.ge [sflag:s17], $0x2800  }
0x17: {  	[sflag:s17] =	ssyncset.done $0x0  }
0x18: {  	s11 =	rddreg [dreg:$0x4];
	[sflag:s17] =	ssyncadd.s32 $0xFFFFD800  }
0x19: {  	[tilespmem:s4], [sflag:$0x7] =	stream.linear.gather [hbm4b:s11+s4], $0x2D00, $0x38;
	[tilespmem:$0x1FE80] =	vst v63  }
0x1a: {  	_ =	swait.ge [sflag:s17], $0x2D00  }
0x1b: {  	[sflag:s17] =	ssyncset.done $0x0  }
0x1c: {  	[sflag:s17] =	ssyncadd.s32 $0xFFFFD300  }
0x1d: {  	[bflag:$0x0] =	sbarrier.arrive $0xFFFF  }
0x1e: {  	s7 =	simm.s32 $0x2D00;
	s18 =	rddreg [dreg:$0x5]  }
0x1f: {  	[tilespmem:s7], [sflag:$0x5] =	stream.linear.gather [hbm4b:s18+s4], $0x60, $0x38;
	[tilespmem:$0x1FE80] =	vst v63  }
0x20: {  	s19 =	simm.s32 $0x2D60  }
0x21: {  	[tilespmem:s19], [sflag:$0x6] =	stream.linear.gather [hbm4b:s12+s4], $0x60, $0x38;
	[tilespmem:$0x1FE80] =	vst v63  }
0x22: {  	s21 =	simm.s32 $0x2E80  }
0x23: {  	[tilespmem:s21], [sflag:$0x1] =	stream.indirect.gather [hbm4b:s6+s20], $0x40, s4, s20, $0xb8;
	[tilespmem:$0x1FE80] =	vst v63  }
0x24: {  	s22 =	simm.s32 $0x4680;
	s0 =	simm.s32 $0x0  }
0x25: {  	[tilespmem:s22], [sflag:$0x2] =	stream.indirect.gather [hbm4b:s6+s20], $0x40, s20, s20, $0xb8;
	[tilespmem:$0x1FE80] =	vst v63  }
.LBB2_2:
0x26: {  	p0 =	seq.s32 s0, $0x0  }
0x27: {  	s7 =	simm.s32 @!p0 $0x3  }
0x28: {  	_ =	swait.ge @!p0 [sflag:s7], $0x3000  }
0x29: {  	[sflag:s7] =	ssyncset.done @!p0 $0x0  }
0x2a: {  	[sflag:s7] =	ssyncadd.s32 @!p0 $0xFFFFD000  }
0x2b: {  	_ =	swait.ge [sflag:s23], $0x1800  }
0x2c: {  	[sflag:s23] =	ssyncset.done $0x0  }
0x2d: {  	s21 =	simm.s32 $0x2F00;
	[sflag:s23] =	ssyncadd.s32 $0xFFFFE800  }
0x2e: {  	v0 =	vld [tilespmem:s21+$0x40];
	_ =	sdelay $0x1  }
0x2f: {  	v1 =	vld [tilespmem:s21+$0xFFFFFFC0]  }
0x30: {  	v2 =	vld [tilespmem:s21+$0xFFFFFF80];
	_ =	sdelay $0x1  }
0x31: {  	s19 =	simm.s32 $0x5F80;
	v3 =	vshll.u32 v0, $0x10  }
0x32: {  	v4 =	vld [tilespmem:s21+$0x0];
	v0 =	vand.u32 $0xFFFF0000, v0;
	[tilespmem:s19+$0x80] =	vst v3  }
0x33: {  	v3 =	vshll.u32 v1, $0x10;
	[tilespmem:s19+$0xC0] =	vst v0  }
0x34: {  	v0 =	vshll.u32 v2, $0x10;
	[tilespmem:s19+$0xFFFFFF80] =	vst v3;
	v3 =	vld [tilespmem:s21+$0x50]  }
0x35: {  	v2 =	vand.u32 $0xFFFF0000, v2;
	[tilespmem:s19+$0xFFFFFF00] =	vst v0  }
0x36: {  	v0 =	vand.u32 $0xFFFF0000, v1;
	[tilespmem:s19+$0xFFFFFF40] =	vst v2  }
0x37: {  	v1 =	vshll.u32 v4, $0x10;
	v2 =	vld [tilespmem:s21+$0xFFFFFF90];
	[tilespmem:s19+$0xFFFFFFC0] =	vst v0  }
0x38: {  	v0 =	vand.u32 $0xFFFF0000, v4;
	[tilespmem:s19+$0x0] =	vst v1  }
0x39: {  	v1 =	vld [tilespmem:s21+$0xFFFFFFD0];
	[tilespmem:s19+$0x40] =	vst v0;
	v0 =	vshll.u32 v3, $0x10  }
0x3a: {  	v3 =	vand.u32 $0xFFFF0000, v3;
	[tilespmem:s19+$0x90] =	vst v0  }
0x3b: {  	v0 =	vld [tilespmem:s21+$0x10];
	[tilespmem:s19+$0xD0] =	vst v3  }
0x3c: {  	v3 =	vshll.u32 v2, $0x10;
	v4 =	vld [tilespmem:s21+$0x60]  }
0x3d: {  	v2 =	vand.u32 $0xFFFF0000, v2;
	[tilespmem:s19+$0xFFFFFF10] =	vst v3  }
0x3e: {  	v3 =	vshll.u32 v1, $0x10;
	[tilespmem:s19+$0xFFFFFF50] =	vst v2  }
0x3f: {  	v1 =	vand.u32 $0xFFFF0000, v1;
	[tilespmem:s19+$0xFFFFFF90] =	vst v3  }
0x40: {  	v2 =	vld [tilespmem:s21+$0xFFFFFFA0];
	[tilespmem:s19+$0xFFFFFFD0] =	vst v1;
	v3 =	vshll.u32 v0, $0x10  }
0x41: {  	[tilespmem:s19+$0x10] =	vst v3;
	v1 =	vshll.u32 v4, $0x10  }
0x42: {  	v3 =	vld [tilespmem:s21+$0xFFFFFFE0];
	v4 =	vand.u32 $0xFFFF0000, v4;
	[tilespmem:s19+$0xA0] =	vst v1  }
0x43: {  	v0 =	vand.u32 $0xFFFF0000, v0;
	[tilespmem:s19+$0xE0] =	vst v4  }
0x44: {  	[tilespmem:s19+$0x50] =	vst v0;
	v0 =	vld [tilespmem:s21+$0x70]  }
0x45: {  	v1 =	vshll.u32 v2, $0x10  }
0x46: {  	v4 =	vld [tilespmem:s21+$0x20];
	v2 =	vand.u32 $0xFFFF0000, v2;
	[tilespmem:s19+$0xFFFFFF20] =	vst v1  }
0x47: {  	[tilespmem:s19+$0xFFFFFF60] =	vst v2;
	v2 =	vand.u32 $0xFFFF0000, v3  }
0x48: {  	v1 =	vshll.u32 v3, $0x10;
	[tilespmem:s19+$0xFFFFFFE0] =	vst v2;
	v2 =	vld [tilespmem:s21+$0xFFFFFFB0]  }
0x49: {  	[tilespmem:s19+$0xFFFFFFA0] =	vst v1;
	v1 =	vand.u32 $0xFFFF0000, v0  }
0x4a: {  	[tilespmem:s19+$0xF0] =	vst v1;
	v1 =	vld [tilespmem:s21+$0xFFFFFFF0]  }
0x4b: {  	s18 =	sshll.u32 s0, $0x1;
	v5 =	vshll.u32 v4, $0x10  }
0x4c: {  	s10 =	simm.s32 $0x3000;
	s22 =	simm.s32 $0x5F80;
	s7 =	simm.s32 $0x0;
	v3 =	vand.u32 $0xFFFF0000, v4;
	v0 =	vshll.u32 v0, $0x10;
	[tilespmem:s19+$0x20] =	vst v5  }
.LBB2_3:
0x4d: {  	v4 =	vld [tilespmem:s10+$0x40];
	v5 =	vshll.u32 v2, $0x10;
	v2 =	vand.u32 $0xFFFF0000, v2;
	[tilespmem:s19+$0x60] =	vst v3  }
0x4e: {  	v3 =	vld [tilespmem:s10+$0xFFFFFFC0];
	[tilespmem:s19+$0xFFFFFF30] =	vst v5  }
0x4f: {  	v5 =	vld [tilespmem:s10+$0x0];
	[tilespmem:s19+$0xFFFFFF70] =	vst v2;
	v2 =	vshll.u32 v1, $0x10;
	v1 =	vand.u32 $0xFFFF0000, v1  }
0x50: {  	s7 =	sadd.s32 $0x4, s7;
	v6 =	vld [tilespmem:s10+$0xFFFFFF80];
	[tilespmem:s19+$0xFFFFFFB0] =	vst v2  }
0x51: {  	p1 =	slt.u32 s7, $0x5C;
	[tilespmem:s19+$0xFFFFFFF0] =	vst v1;
	v1 =	vld [tilespmem:s21+$0x30];
	s21 =	smov.u32 s10  }
0x52: {  	s19 =	sadd.s32 $0x200, s19;
	v2 =	vshll.u32 v4, $0x10;
	[tilespmem:s22+$0xB0] =	vst v0  }
0x53: {  	v4 =	vand.u32 $0xFFFF0000, v4;
	v0 =	vshll.u32 v3, $0x10;
	v3 =	vand.u32 $0xFFFF0000, v3;
	[tilespmem:s19+$0x80] =	vst v2  }
0x54: {  	v2 =	vshll.u32 v5, $0x10;
	v5 =	vand.u32 $0xFFFF0000, v5;
	[tilespmem:s19+$0xC0] =	vst v4  }
0x55: {  	v4 =	vshll.u32 v6, $0x10;
	v6 =	vand.u32 $0xFFFF0000, v6;
	[tilespmem:s19+$0xFFFFFF80] =	vst v0;
	v0 =	vld [tilespmem:s10+$0x50]  }
0x56: {  	[tilespmem:s19+$0xFFFFFF00] =	vst v4;
	v4 =	vshll.u32 v1, $0x10;
	v7 =	vand.u32 $0xFFFF0000, v1  }
0x57: {  	[tilespmem:s19+$0xFFFFFF40] =	vst v6  }
0x58: {  	v1 =	vld [tilespmem:s10+$0xFFFFFF90];
	[tilespmem:s19+$0xFFFFFFC0] =	vst v3  }
0x59: {  	v3 =	vld [tilespmem:s10+$0xFFFFFFD0];
	[tilespmem:s19+$0x0] =	vst v2  }
0x5a: {  	[tilespmem:s19+$0x40] =	vst v5;
	v2 =	vshll.u32 v0, $0x10  }
0x5b: {  	v0 =	vand.u32 $0xFFFF0000, v0;
	v5 =	vld [tilespmem:s10+$0x10];
	[tilespmem:s19+$0x90] =	vst v2  }
0x5c: {  	[tilespmem:s19+$0xD0] =	vst v0  }
0x5d: {  	v0 =	vshll.u32 v1, $0x10;
	v1 =	vand.u32 $0xFFFF0000, v1;
	v2 =	vld [tilespmem:s10+$0x60];
	[tilespmem:s22+$0x30] =	vst v4  }
0x5e: {  	[tilespmem:s19+$0xFFFFFF10] =	vst v0;
	v0 =	vshll.u32 v3, $0x10;
	v3 =	vand.u32 $0xFFFF0000, v3  }
0x5f: {  	[tilespmem:s19+$0xFFFFFF50] =	vst v1  }
0x60: {  	v1 =	vld [tilespmem:s10+$0xFFFFFFA0];
	[tilespmem:s19+$0xFFFFFF90] =	vst v0;
	v0 =	vshll.u32 v5, $0x10;
	v4 =	vand.u32 $0xFFFF0000, v5  }
0x61: {  	[tilespmem:s19+$0xFFFFFFD0] =	vst v3  }
0x62: {  	v3 =	vld [tilespmem:s10+$0xFFFFFFE0];
	[tilespmem:s19+$0x10] =	vst v0;
	v0 =	vshll.u32 v2, $0x10  }
0x63: {  	v2 =	vand.u32 $0xFFFF0000, v2;
	[tilespmem:s19+$0xA0] =	vst v0  }
0x64: {  	[tilespmem:s19+$0xE0] =	vst v2  }
0x65: {  	v0 =	vshll.u32 v1, $0x10;
	v1 =	vand.u32 $0xFFFF0000, v1;
	[tilespmem:s19+$0x50] =	vst v4;
	v4 =	vld [tilespmem:s10+$0x70]  }
0x66: {  	[tilespmem:s19+$0xFFFFFF20] =	vst v0;
	v5 =	vld [tilespmem:s10+$0x20]  }
0x67: {  	[tilespmem:s19+$0xFFFFFF60] =	vst v1;
	v0 =	vshll.u32 v3, $0x10;
	v1 =	vand.u32 $0xFFFF0000, v3  }
.Ltmp0:
0x68: {  	v2 =	vld [tilespmem:s10+$0xFFFFFFB0];
	[tilespmem:s19+$0xFFFFFFA0] =	vst v0;
	(pc) =	sbr.rel @p1 .LBB2_3-.Ltmp0, $4  }
0x69: {  	[tilespmem:s19+$0xFFFFFFE0] =	vst v1  }
0x6a: {  	v1 =	vld [tilespmem:s10+$0xFFFFFFF0];
	v0 =	vshll.u32 v4, $0x10;
	v4 =	vand.u32 $0xFFFF0000, v4;
	[tilespmem:s22+$0x70] =	vst v7;
	s22 =	smov.u32 s19  }
0x6b: {  	v6 =	vshll.u32 v5, $0x10;
	v3 =	vand.u32 $0xFFFF0000, v5;
	[tilespmem:s19+$0xF0] =	vst v4  }
0x6c: {  	s10 =	sadd.s32 $0x100, s10;
	[tilespmem:s19+$0x20] =	vst v6  }
0x6d: {  	[tilespmem:s19+$0x60] =	vst v3  }
0x6e: {  	v4 =	vld [tilespmem:s21+$0x30]  }
0x6f: {  	v3 =	vshll.u32 v2, $0x10;
	[tilespmem:s22+$0xB0] =	vst v0  }
0x70: {  	v2 =	vand.u32 $0xFFFF0000, v2;
	[tilespmem:s19+$0xFFFFFF30] =	vst v3  }
0x71: {  	s7 =	sadd.s32 $0x2, s18;
	[tilespmem:s19+$0xFFFFFF70] =	vst v2;
	v2 =	vshll.u32 v1, $0x10  }
0x72: {  	p1 =	sge.u32 s7, s8;
	v1 =	vand.u32 $0xFFFF0000, v1;
	[tilespmem:s19+$0xFFFFFFB0] =	vst v2  }
0x73: {  	s10 =	smul.u32 @!p1 $0x180, s7;
	[tilespmem:s19+$0xFFFFFFF0] =	vst v1;
	v0 =	vshll.u32 v4, $0x10  }
0x74: {  	s21 =	sand.u32 $0x2, s18;
	v1 =	vand.u32 $0xFFFF0000, v4;
	[tilespmem:s22+$0x30] =	vst v0  }
0x75: {  	s11 =	simm.s32 @!p1 $0x60;
	s19 =	simm.s32 @!p1 $0x2E80;
	s10 =	sshra.s32 @!p1 s10, $0x2;
	[tilespmem:s22+$0x70] =	vst v1  }
0x76: {  	[tilespmem:s19], [sflag:$0x1] =	stream.indirect.gather @!p1 [hbm4b:s6+s11], $0x40, s10, s11, $0xb8;
	[tilespmem:$0x1FE80] =	vst v63  }
0x77: {  	s10 =	smul.u32 $0x180, s21;
	s11 =	sand.u32 @!p1 $0x2, s7  }
0x78: {  	s7 =	sadd.s32 @!p1 s2, s7;
	_ =	swait.ge [sflag:s24], $0x60;
	s11 =	smul.u32 @!p1 $0x180, s11  }
0x79: {  	s7 =	smul.u32 @!p1 $0xC, s7;
	[sflag:s24] =	ssyncset.done $0x0  }
0x7a: {  	s19 =	sshrl.u32 s10, $0x2;
	[sflag:s24] =	ssyncadd.s32 $0xFFFFFFA0;
	s10 =	sshrl.u32 @!p1 s11, $0x2  }
0x7b: {  	s7 =	sadd.s32 @!p1 s5, s7;
	s11 =	simm.s32 @!p1 $0x0;
	s10 =	sor.u32 @!p1 $0x2D00, s10  }
0x7c: {  	[tilespmem:s10], [sflag:$0x5] =	stream.linear.gather @!p1 [hbm4b:s7+s11], $0x60, $0x38;
	[tilespmem:$0x1FE80] =	vst v63  }
0x7d: {  	s22 =	sor.u32 $0x2D00, s19;
	s7 =	simm.s32 @!p0 $0x4  }
0x7e: {  	[spmem:s3] =	stream.indirect.scatter.add.f32 [tilespmem:s25], [sflag:$0x3], $0x80, s22, s20, $0xb8;
	[tilespmem:$0x1FE80] =	vst v63  }
0x7f: {  	_ =	swait.ge @!p0 [sflag:s7], $0x3000  }
0x80: {  	[sflag:s7] =	ssyncset.done @!p0 $0x0  }
0x81: {  	[sflag:s7] =	ssyncadd.s32 @!p0 $0xFFFFD000  }
0x82: {  	_ =	swait.ge [sflag:s26], $0x1800  }
0x83: {  	[sflag:s26] =	ssyncset.done $0x0  }
0x84: {  	s22 =	simm.s32 $0x4700;
	[sflag:s26] =	ssyncadd.s32 $0xFFFFE800  }
0x85: {  	v0 =	vld [tilespmem:s22+$0x40];
	_ =	sdelay $0x1  }
0x86: {  	v1 =	vld [tilespmem:s22+$0xFFFFFFC0]  }
0x87: {  	v2 =	vld [tilespmem:s22+$0xFFFFFF80];
	_ =	sdelay $0x1  }
0x88: {  	s21 =	simm.s32 $0x8F80;
	v3 =	vshll.u32 v0, $0x10  }
0x89: {  	v4 =	vld [tilespmem:s22+$0x0];
	v0 =	vand.u32 $0xFFFF0000, v0;
	[tilespmem:s21+$0x80] =	vst v3  }
0x8a: {  	v3 =	vshll.u32 v1, $0x10;
	[tilespmem:s21+$0xC0] =	vst v0  }
0x8b: {  	v0 =	vshll.u32 v2, $0x10;
	[tilespmem:s21+$0xFFFFFF80] =	vst v3;
	v3 =	vld [tilespmem:s22+$0x50]  }
0x8c: {  	v2 =	vand.u32 $0xFFFF0000, v2;
	[tilespmem:s21+$0xFFFFFF00] =	vst v0  }
0x8d: {  	v0 =	vand.u32 $0xFFFF0000, v1;
	[tilespmem:s21+$0xFFFFFF40] =	vst v2  }
0x8e: {  	v1 =	vshll.u32 v4, $0x10;
	v2 =	vld [tilespmem:s22+$0xFFFFFF90];
	[tilespmem:s21+$0xFFFFFFC0] =	vst v0  }
0x8f: {  	v0 =	vand.u32 $0xFFFF0000, v4;
	[tilespmem:s21+$0x0] =	vst v1  }
0x90: {  	v1 =	vld [tilespmem:s22+$0xFFFFFFD0];
	[tilespmem:s21+$0x40] =	vst v0;
	v0 =	vshll.u32 v3, $0x10  }
0x91: {  	v3 =	vand.u32 $0xFFFF0000, v3;
	[tilespmem:s21+$0x90] =	vst v0  }
0x92: {  	v0 =	vld [tilespmem:s22+$0x10];
	[tilespmem:s21+$0xD0] =	vst v3  }
0x93: {  	v3 =	vshll.u32 v2, $0x10;
	v4 =	vld [tilespmem:s22+$0x60]  }
0x94: {  	v2 =	vand.u32 $0xFFFF0000, v2;
	[tilespmem:s21+$0xFFFFFF10] =	vst v3  }
0x95: {  	v3 =	vshll.u32 v1, $0x10;
	[tilespmem:s21+$0xFFFFFF50] =	vst v2  }
0x96: {  	v1 =	vand.u32 $0xFFFF0000, v1;
	[tilespmem:s21+$0xFFFFFF90] =	vst v3  }
0x97: {  	v2 =	vld [tilespmem:s22+$0xFFFFFFA0];
	[tilespmem:s21+$0xFFFFFFD0] =	vst v1;
	v3 =	vshll.u32 v0, $0x10  }
0x98: {  	[tilespmem:s21+$0x10] =	vst v3;
	v1 =	vshll.u32 v4, $0x10  }
0x99: {  	v3 =	vld [tilespmem:s22+$0xFFFFFFE0];
	v4 =	vand.u32 $0xFFFF0000, v4;
	[tilespmem:s21+$0xA0] =	vst v1  }
0x9a: {  	v0 =	vand.u32 $0xFFFF0000, v0;
	[tilespmem:s21+$0xE0] =	vst v4  }
0x9b: {  	[tilespmem:s21+$0x50] =	vst v0;
	v0 =	vld [tilespmem:s22+$0x70]  }
0x9c: {  	v1 =	vshll.u32 v2, $0x10  }
0x9d: {  	v4 =	vld [tilespmem:s22+$0x20];
	v2 =	vand.u32 $0xFFFF0000, v2;
	[tilespmem:s21+$0xFFFFFF20] =	vst v1  }
0x9e: {  	[tilespmem:s21+$0xFFFFFF60] =	vst v2;
	v2 =	vand.u32 $0xFFFF0000, v3  }
0x9f: {  	v1 =	vshll.u32 v3, $0x10;
	[tilespmem:s21+$0xFFFFFFE0] =	vst v2;
	v2 =	vld [tilespmem:s22+$0xFFFFFFB0]  }
0xa0: {  	[tilespmem:s21+$0xFFFFFFA0] =	vst v1;
	v1 =	vand.u32 $0xFFFF0000, v0  }
0xa1: {  	[tilespmem:s21+$0xF0] =	vst v1;
	v1 =	vld [tilespmem:s22+$0xFFFFFFF0]  }
0xa2: {  	v5 =	vshll.u32 v4, $0x10  }
0xa3: {  	s10 =	simm.s32 $0x0;
	s11 =	simm.s32 $0x4800;
	s7 =	simm.s32 $0x8F80;
	v3 =	vand.u32 $0xFFFF0000, v4;
	v0 =	vshll.u32 v0, $0x10;
	[tilespmem:s21+$0x20] =	vst v5  }
.LBB2_5:
0xa4: {  	v4 =	vld [tilespmem:s11+$0x40];
	v5 =	vshll.u32 v2, $0x10;
	v2 =	vand.u32 $0xFFFF0000, v2;
	[tilespmem:s21+$0x60] =	vst v3  }
0xa5: {  	v3 =	vld [tilespmem:s11+$0xFFFFFFC0];
	[tilespmem:s21+$0xFFFFFF30] =	vst v5  }
0xa6: {  	v5 =	vld [tilespmem:s11+$0x0];
	[tilespmem:s21+$0xFFFFFF70] =	vst v2;
	v2 =	vshll.u32 v1, $0x10;
	v1 =	vand.u32 $0xFFFF0000, v1  }
0xa7: {  	s10 =	sadd.s32 $0x4, s10;
	v6 =	vld [tilespmem:s11+$0xFFFFFF80];
	[tilespmem:s21+$0xFFFFFFB0] =	vst v2  }
0xa8: {  	p0 =	slt.u32 s10, $0x5C;
	[tilespmem:s21+$0xFFFFFFF0] =	vst v1;
	v1 =	vld [tilespmem:s22+$0x30];
	s22 =	smov.u32 s11  }
0xa9: {  	s21 =	sadd.s32 $0x200, s21;
	v2 =	vshll.u32 v4, $0x10;
	[tilespmem:s7+$0xB0] =	vst v0  }
0xaa: {  	v4 =	vand.u32 $0xFFFF0000, v4;
	v0 =	vshll.u32 v3, $0x10;
	v3 =	vand.u32 $0xFFFF0000, v3;
	[tilespmem:s21+$0x80] =	vst v2  }
0xab: {  	v2 =	vshll.u32 v5, $0x10;
	v5 =	vand.u32 $0xFFFF0000, v5;
	[tilespmem:s21+$0xC0] =	vst v4  }
0xac: {  	v4 =	vshll.u32 v6, $0x10;
	v6 =	vand.u32 $0xFFFF0000, v6;
	[tilespmem:s21+$0xFFFFFF80] =	vst v0;
	v0 =	vld [tilespmem:s11+$0x50]  }
0xad: {  	[tilespmem:s21+$0xFFFFFF00] =	vst v4;
	v4 =	vshll.u32 v1, $0x10;
	v7 =	vand.u32 $0xFFFF0000, v1  }
0xae: {  	[tilespmem:s21+$0xFFFFFF40] =	vst v6  }
0xaf: {  	v1 =	vld [tilespmem:s11+$0xFFFFFF90];
	[tilespmem:s21+$0xFFFFFFC0] =	vst v3  }
0xb0: {  	v3 =	vld [tilespmem:s11+$0xFFFFFFD0];
	[tilespmem:s21+$0x0] =	vst v2  }
0xb1: {  	[tilespmem:s21+$0x40] =	vst v5;
	v2 =	vshll.u32 v0, $0x10  }
0xb2: {  	v0 =	vand.u32 $0xFFFF0000, v0;
	v5 =	vld [tilespmem:s11+$0x10];
	[tilespmem:s21+$0x90] =	vst v2  }
0xb3: {  	[tilespmem:s21+$0xD0] =	vst v0  }
0xb4: {  	v0 =	vshll.u32 v1, $0x10;
	v1 =	vand.u32 $0xFFFF0000, v1;
	v2 =	vld [tilespmem:s11+$0x60];
	[tilespmem:s7+$0x30] =	vst v4  }
0xb5: {  	[tilespmem:s21+$0xFFFFFF10] =	vst v0;
	v0 =	vshll.u32 v3, $0x10;
	v3 =	vand.u32 $0xFFFF0000, v3  }
0xb6: {  	[tilespmem:s21+$0xFFFFFF50] =	vst v1  }
0xb7: {  	v1 =	vld [tilespmem:s11+$0xFFFFFFA0];
	[tilespmem:s21+$0xFFFFFF90] =	vst v0;
	v0 =	vshll.u32 v5, $0x10;
	v4 =	vand.u32 $0xFFFF0000, v5  }
0xb8: {  	[tilespmem:s21+$0xFFFFFFD0] =	vst v3  }
0xb9: {  	v3 =	vld [tilespmem:s11+$0xFFFFFFE0];
	[tilespmem:s21+$0x10] =	vst v0;
	v0 =	vshll.u32 v2, $0x10  }
0xba: {  	v2 =	vand.u32 $0xFFFF0000, v2;
	[tilespmem:s21+$0xA0] =	vst v0  }
0xbb: {  	[tilespmem:s21+$0xE0] =	vst v2  }
0xbc: {  	v0 =	vshll.u32 v1, $0x10;
	v1 =	vand.u32 $0xFFFF0000, v1;
	[tilespmem:s21+$0x50] =	vst v4;
	v4 =	vld [tilespmem:s11+$0x70]  }
0xbd: {  	[tilespmem:s21+$0xFFFFFF20] =	vst v0;
	v5 =	vld [tilespmem:s11+$0x20]  }
0xbe: {  	[tilespmem:s21+$0xFFFFFF60] =	vst v1;
	v0 =	vshll.u32 v3, $0x10;
	v1 =	vand.u32 $0xFFFF0000, v3  }
.Ltmp1:
0xbf: {  	v2 =	vld [tilespmem:s11+$0xFFFFFFB0];
	[tilespmem:s21+$0xFFFFFFA0] =	vst v0;
	(pc) =	sbr.rel @p0 .LBB2_5-.Ltmp1, $4  }
0xc0: {  	[tilespmem:s21+$0xFFFFFFE0] =	vst v1  }
0xc1: {  	v1 =	vld [tilespmem:s11+$0xFFFFFFF0];
	v0 =	vshll.u32 v4, $0x10;
	v4 =	vand.u32 $0xFFFF0000, v4;
	[tilespmem:s7+$0x70] =	vst v7;
	s7 =	smov.u32 s21  }
0xc2: {  	v6 =	vshll.u32 v5, $0x10;
	v3 =	vand.u32 $0xFFFF0000, v5;
	[tilespmem:s21+$0xF0] =	vst v4  }
0xc3: {  	s11 =	sadd.s32 $0x100, s11;
	[tilespmem:s21+$0x20] =	vst v6  }
0xc4: {  	[tilespmem:s21+$0x60] =	vst v3  }
0xc5: {  	v4 =	vld [tilespmem:s22+$0x30]  }
0xc6: {  	v58 =	vshll.u32 v2, $0x10;
	[tilespmem:s7+$0xB0] =	vst v0  }
0xc7: {  	v59 =	vand.u32 $0xFFFF0000, v2;
	[tilespmem:s21+$0xFFFFFF30] =	vst v58  }
0xc8: {  	s10 =	sadd.s32 $0x3, s18;
	[tilespmem:s21+$0xFFFFFF70] =	vst v59;
	v60 =	vshll.u32 v1, $0x10  }
0xc9: {  	p0 =	sge.u32 s10, s8;
	v61 =	vand.u32 $0xFFFF0000, v1;
	[tilespmem:s21+$0xFFFFFFB0] =	vst v60  }
0xca: {  	s11 =	smul.u32 @!p0 $0x180, s10;
	[tilespmem:s21+$0xFFFFFFF0] =	vst v61;
	v62 =	vshll.u32 v4, $0x10  }
0xcb: {  	v63 =	vand.u32 $0xFFFF0000, v4;
	[tilespmem:s7+$0x30] =	vst v62  }
0xcc: {  	s18 =	simm.s32 @!p0 $0x4680;
	[tilespmem:s7+$0x70] =	vst v63;
	s7 =	sshra.s32 @!p0 s11, $0x2;
	s11 =	simm.s32 @!p0 $0x60  }
0xcd: {  	[tilespmem:s18], [sflag:$0x2] =	stream.indirect.gather @!p0 [hbm4b:s6+s11], $0x40, s7, s11, $0xb8;
	[tilespmem:$0x1FE80] =	vst v63  }
0xce: {  	s7 =	sand.u32 @!p0 $0x3, s10  }
0xcf: {  	s10 =	sadd.s32 @!p0 s2, s10;
	s7 =	smul.u32 @!p0 $0x180, s7  }
0xd0: {  	s0 =	sadd.s32 $0x1, s0;
	_ =	swait.ge [sflag:s28], $0x60;
	s10 =	smul.u32 @!p0 $0xC, s10  }
0xd1: {  	s11 =	simm.s32 @!p0 $0x0;
	[sflag:s28] =	ssyncset.done $0x0;
	s7 =	sshrl.u32 @!p0 s7, $0x2  }
0xd2: {  	[sflag:s28] =	ssyncadd.s32 $0xFFFFFFA0;
	s10 =	sadd.s32 @!p0 s5, s10;
	s7 =	sadd.s32 @!p0 $0x2D00, s7  }
0xd3: {  	[tilespmem:s7], [sflag:$0x6] =	stream.linear.gather @!p0 [hbm4b:s10+s11], $0x60, $0x38;
	[tilespmem:$0x1FE80] =	vst v63  }
0xd4: {  	p0 =	sne.s32 s0, s13  }
.Ltmp2:
0xd5: {  	_ = 	snop;
	(pc) =	sbr.rel @p0 .LBB2_2-.Ltmp2, $3  }
0xd6: {  	_ =	sdelay $0x1  }
0xd7: {  	s22 =	sadd.s32 $0x2D60, s19  }
0xd8: {  	[spmem:s3] =	stream.indirect.scatter.add.f32 [tilespmem:s29], [sflag:$0x4], $0x80, s22, s20, $0xb8;
	[tilespmem:$0x1FE80] =	vst v63  }
0xd9: {  	_ =	swait.ge [sflag:s30], $0x3000  }
0xda: {  	[sflag:s30] =	ssyncset.done $0x0  }
0xdb: {  	[sflag:s30] =	ssyncadd.s32 $0xFFFFD000  }
0xdc: {  	_ =	swait.ge [sflag:s31], $0x3000  }
0xdd: {  	s1 =	sadd.s32 $0x1, s1;
	[sflag:s31] =	ssyncset.done $0x0  }
0xde: {  	p0 =	sne.s32 s1, s15;
	[sflag:s31] =	ssyncadd.s32 $0xFFFFD000  }
.Ltmp3:
0xdf: {  	[bflag:$0x0] =	sbarrier.arrive $0xFFFF;
	(pc) =	sbr.rel @p0 .LBB2_1-.Ltmp3, $4  }
0xe0: {  	[hbm:s14], [sflag:s9] =	dma.local [spmem:s16], $0x2800  }
0xe1: {  	_ =	swait.ge [sflag:s17], $0x2800  }
0xe2: {  	[sflag:s17] =	ssyncset.done $0x0  }
0xe3: {  	[sflag:s17] =	ssyncadd.s32 $0xFFFFD800  }
0xe4: {  	_ =	sfence.sel $0x180000  }
0xe5: {  	[bflag:$0x0] =	sbarrier.arrive $0xFFFF  }
0xe6: {  	_ =	strace $0x9000004A  }
0xe7: {  	s0 =	stileid.u32;
	[bflag:$0x2] =	sbarrier.arrive $0xFFFF  }
0xe8: {  	p0 =	sne.s32 s0, $0x0;
	s0 =	rddreg [dreg:$0x2]  }
0xe9: {  	s0 =	sadd.s32 @!p0 $0x100000, s0  }
0xea: {  	[sflag:s0] =	ssyncadd.tile.s32 @!p0 $0x1;
	_ =	shalt  }
.Lfunc_end2:
_tile_overlayer_lowered:
.L_overlay_start_2:
0xeb: {  	(tag) =	ssettag $0x2  }
0xec: {  	s0 =	rddreg [dreg:$0x0];
	s2 =	stileid.u32  }
0xed: {  	s1 =	rddreg [dreg:$0x1];
	p0 =	sne.s32 s2, $0x0  }
0xee: {  	s3 =	rddreg [dreg:$0x2];
	[bflag:$0x3] =	sbarrier.arrive $0xFFFF;
	s2 =	simm.s32 @!p0 $0x1C07  }
0xef: {  	[timem:s3], [sflag:s2] =	dma.local @!p0 [hbm:s0], s1  }
0xf0: {  	s0 =	simm.s32 @!p0 $0x7  }
0xf1: {  	_ =	swait.ge @!p0 [sflag:s0], s1  }
0xf2: {  	s1 =	ssub.s32 @!p0 $0x0, s1;
	[sflag:s0] =	ssyncset.done @!p0 $0x0  }
0xf3: {  	[sflag:s0] =	ssyncadd.s32 @!p0 s1  }
0xf4: {  	[bflag:$0x3] =	sbarrier.arrive $0xFFFF  }
0xf5: {  	_ =	shalt  }

</sc_bundles>
